<compile_context>
chip_gen: v7x
topology: tpu7x:2x2x1
jax: 0.10.2.dev20260603
libtpu: 0.0.44.dev20260713+nightly
codegen_flags: <defaults>
</compile_context>

<pallas_src>
import functools

import jax
import jax.numpy as jnp
from jax import lax
from jax.experimental import pallas as pl
from jax.experimental.pallas import tpu as pltpu
from jax.experimental.pallas import tpu_sc as plsc

_NC = 2
_NS = 16
_NW = _NC * _NS
_LANES = 16
_CHUNK = 80
_NBUF = 6
_PF = 3


def _sc_mesh():
    return plsc.VectorSubcoreMesh(core_axis_name="c", subcore_axis_name="s")


def _make_degree_kernel(n, e):
    epw = e // _NW
    epc = epw // _CHUNK
    nz = n // _LANES

    @functools.partial(
        pl.kernel,
        out_type=[jax.ShapeDtypeStruct((_NW * n,), jnp.float32),
                  jax.ShapeDtypeStruct((_NW * n,), jnp.float32)],
        mesh=_sc_mesh(),
        compiler_params=pltpu.CompilerParams(
            needs_layout_passes=False, use_tc_tiling_on_sc=False),
        scratch_types=[
            pltpu.VMEM((epc, _CHUNK), jnp.int32),
            pltpu.VMEM((epc, _CHUNK), jnp.int32),
            pltpu.VMEM((n,), jnp.float32),
            pltpu.VMEM((n,), jnp.float32),
        ],
    )
    def deg_kernel(src_hbm, dst_hbm, osrc_hbm, odst_hbm,
                   sidx_v, didx_v, dsrc_v, ddst_v):
        cid = lax.axis_index("c")
        sid = lax.axis_index("s")
        wid = sid * _NC + cid
        pltpu.sync_copy(src_hbm.at[wid], sidx_v)
        pltpu.sync_copy(dst_hbm.at[wid], didx_v)
        zero16 = jnp.zeros((_LANES,), jnp.float32)

        def zb(i, carry):
            dsrc_v[pl.ds(i * _LANES, _LANES)] = zero16
            ddst_v[pl.ds(i * _LANES, _LANES)] = zero16
            return carry

        lax.fori_loop(0, nz, zb, 0)

        one16 = jnp.ones((_LANES,), jnp.float32)
        vecs_per_chunk = _CHUNK // _LANES

        def body(k, carry):
            def inner(j, c2):
                si = sidx_v[k, pl.ds(j * _LANES, _LANES)]
                plsc.addupdate_scatter(dsrc_v, [si], one16)
                di = didx_v[k, pl.ds(j * _LANES, _LANES)]
                plsc.addupdate_scatter(ddst_v, [di], one16)
                return c2

            return lax.fori_loop(0, vecs_per_chunk, inner, carry)

        lax.fori_loop(0, epc, body, 0)

        pltpu.sync_copy(dsrc_v, osrc_hbm.at[pl.ds(wid * n, n)])
        pltpu.sync_copy(ddst_v, odst_hbm.at[pl.ds(wid * n, n)])

    return deg_kernel


def _make_agg_kernel(n, e, d, fused):
    epw = e // _NW
    epc = epw // _CHUNK
    npt = n // _NS

    @functools.partial(
        pl.kernel,
        out_type=jax.ShapeDtypeStruct((_NC * n, d), jnp.float32),
        mesh=_sc_mesh(),
        compiler_params=pltpu.CompilerParams(
            needs_layout_passes=False, use_tc_tiling_on_sc=False),
        scratch_types=[
            pltpu.VMEM((epc, _CHUNK), jnp.int32),
            pltpu.VMEM((epc, _CHUNK), jnp.int32),
            pltpu.VMEM((_NBUF, _CHUNK, d), jnp.float32),
            pltpu.VMEM((npt, d), jnp.float32),
            pltpu.VMEM((npt, d), jnp.float32),
            pltpu.VMEM((npt, 2 * d), jnp.float32),
            pltpu.VMEM((d,), jnp.float32),
            pltpu.VMEM_SHARED((n, d), jnp.float32),
            pltpu.VMEM_SHARED((n, d), jnp.float32),
            pltpu.SemaphoreType.DMA((_NBUF,)),
            pltpu.SemaphoreType.DMA((_NBUF,)),
        ],
    )
    def agg_kernel(*refs):
        if fused:
            (p_hbm, sc_hbm, b1_hbm, src_hbm, dst_hbm, out_hbm,
             sidx_v, didx_v, rows_v, zrow_v, pbuf_v, sbuf_v, b1_v,
             tab_sh, acc_sh, sem_g, sem_s) = refs
        else:
            (tab_hbm, src_hbm, dst_hbm, out_hbm,
             sidx_v, didx_v, rows_v, zrow_v, pbuf_v, sbuf_v, b1_v,
             tab_sh, acc_sh, sem_g, sem_s) = refs
        cid = lax.axis_index("c")
        sid = lax.axis_index("s")
        wid = sid * _NC + cid
        pltpu.sync_copy(src_hbm.at[wid], sidx_v)
        pltpu.sync_copy(dst_hbm.at[wid], didx_v)
        row_slice = pl.ds(sid * npt, npt)
        if not fused:
            pltpu.sync_copy(tab_hbm.at[row_slice], zrow_v)
        else:
            pltpu.sync_copy(sc_hbm.at[row_slice], sbuf_v)
            pltpu.sync_copy(p_hbm.at[pl.ds(sid * npt, npt)], zrow_v)
            pltpu.sync_copy(p_hbm.at[pl.ds(n + sid * npt, npt)], pbuf_v)
            pltpu.sync_copy(b1_hbm, b1_v)
            b1r = b1_v[...]

            def trow(i, carry):
                row = ((zrow_v[i] + pbuf_v[i]) * sbuf_v[i, pl.ds(0, d)]
                       + b1r)
                zrow_v[i] = jnp.maximum(row, 0.0) * sbuf_v[i, pl.ds(d, d)]
                return carry

            lax.fori_loop(0, npt, trow, 0)
        pltpu.sync_copy(zrow_v, tab_sh.at[row_slice])
        zero16 = jnp.zeros((_LANES,), jnp.float32)

        def zb(i, carry):
            zrow_v[i] = zero16
            return carry

        lax.fori_loop(0, npt, zb, 0)
        pltpu.sync_copy(zrow_v, acc_sh.at[row_slice])
        plsc.subcore_barrier()

        for j in range(_PF):
            pltpu.async_copy(tab_sh.at[sidx_v.at[j]], rows_v.at[j],
                             sem_g.at[j])
        for k in range(_NBUF - _PF):
            kp = k + _PF
            pltpu.async_copy(tab_sh.at[sidx_v.at[kp]], rows_v.at[kp % _NBUF],
                             sem_g.at[kp % _NBUF])
            pltpu.make_async_copy(tab_sh.at[sidx_v.at[k]],
                                  rows_v.at[k % _NBUF],
                                  sem_g.at[k % _NBUF]).wait()
            pltpu.async_copy(rows_v.at[k % _NBUF], acc_sh.at[didx_v.at[k]],
                             sem_s.at[k % _NBUF], add=True)

        def body(k, carry):
            kp = k + _PF
            bp = lax.rem(kp, _NBUF)
            pltpu.make_async_copy(rows_v.at[bp],
                                  acc_sh.at[didx_v.at[kp - _NBUF]],
                                  sem_s.at[bp]).wait()
            pltpu.async_copy(tab_sh.at[sidx_v.at[kp]], rows_v.at[bp],
                             sem_g.at[bp])
            b = lax.rem(k, _NBUF)
            pltpu.make_async_copy(tab_sh.at[sidx_v.at[k]], rows_v.at[b],
                                  sem_g.at[b]).wait()
            pltpu.async_copy(rows_v.at[b], acc_sh.at[didx_v.at[k]],
                             sem_s.at[b], add=True)
            return carry

        lax.fori_loop(_NBUF - _PF, epc - _PF, body, 0)
        for k in range(epc - _PF, epc):
            pltpu.make_async_copy(tab_sh.at[sidx_v.at[k]],
                                  rows_v.at[k % _NBUF],
                                  sem_g.at[k % _NBUF]).wait()
            pltpu.async_copy(rows_v.at[k % _NBUF], acc_sh.at[didx_v.at[k]],
                             sem_s.at[k % _NBUF], add=True)
        for m in range(epc - _NBUF, epc):
            pltpu.make_async_copy(rows_v.at[m % _NBUF],
                                  acc_sh.at[didx_v.at[m]],
                                  sem_s.at[m % _NBUF]).wait()

        plsc.subcore_barrier()

        if fused:
            pltpu.sync_copy(acc_sh.at[row_slice], zrow_v)

            def scale(i, carry):
                zrow_v[i] = zrow_v[i] * sbuf_v[i, pl.ds(0, d)]
                return carry

            lax.fori_loop(0, npt, scale, 0)
            pltpu.sync_copy(zrow_v,
                            out_hbm.at[pl.ds(cid * n + sid * npt, npt)])
        else:
            @pl.when(sid == 0)
            def _out():
                pltpu.sync_copy(acc_sh, out_hbm.at[pl.ds(cid * n, n)])

    return agg_kernel


def _dense1(x, w1, psrc, pdst):
    n, _ = x.shape
    dh = w1.shape[1]

    def body(x_ref, w1_ref, ps_ref, pd_ref, o_ref, s_ref):
        dout = jnp.maximum(jnp.sum(ps_ref[...], axis=1, keepdims=True), 1.0)
        dinn = jnp.maximum(jnp.sum(pd_ref[...], axis=1, keepdims=True), 1.0)
        dor = lax.rsqrt(dout)
        dirc = lax.rsqrt(dinn)
        h0 = jnp.dot(x_ref[...] * dor, w1_ref[...],
                     preferred_element_type=jnp.float32)
        o_ref[...] = h0
        s_ref[...] = jnp.concatenate(
            [jnp.broadcast_to(dirc, (n, dh)),
             jnp.broadcast_to(dor, (n, dh))], axis=1)

    return pl.pallas_call(
        body,
        out_shape=[jax.ShapeDtypeStruct((n, dh), jnp.float32),
                   jax.ShapeDtypeStruct((n, 2 * dh), jnp.float32)],
    )(x, w1, psrc, pdst)


def _dense3(q, w2, b2):
    _, n, _ = q.shape
    do = w2.shape[1]

    def body(q_ref, w2_ref, b2_ref, o_ref):
        o_ref[...] = jnp.dot(q_ref[0] + q_ref[1], w2_ref[...],
                             preferred_element_type=jnp.float32) + b2_ref[...]

    return pl.pallas_call(
        body,
        out_shape=jax.ShapeDtypeStruct((n, do), jnp.float32),
    )(q, w2, b2)


def kernel(node_feat, edge_index, edge_feat, W1, b1, W2, b2):
    n, _ = node_feat.shape
    e = edge_index.shape[1]
    d_hid = W1.shape[1]
    epc = e // _NW // _CHUNK

    src3 = edge_index[0].reshape(_NW, epc, _CHUNK)
    dst3 = edge_index[1].reshape(_NW, epc, _CHUNK)

    psrc, pdst = _make_degree_kernel(n, e)(src3, dst3)
    h0, scl = _dense1(node_feat, W1,
                      psrc.reshape(_NW, n).T, pdst.reshape(_NW, n).T)
    p1 = _make_agg_kernel(n, e, d_hid, fused=False)(h0, src3, dst3)
    q = _make_agg_kernel(n, e, d_hid, fused=True)(
        p1, scl, b1, src3, dst3)
    return _dense3(q.reshape(_NC, n, d_hid), W2, b2)

# --- scband reference (transcript-rebuilt; emitter-appended) ---
"""Pipeline reference for scband-gcn-31817117729353 (READ-ONLY COPY).

The authoritative reference and input builder live on the scoring server;
editing this copy changes nothing except your own understanding.
"""

import jax, jax.numpy as jnp
import numpy as np

N = 10000
E = 320000
D_IN = 128
D_HID = 16
D_OUT = 128


def setup_inputs(seed: int = 0):
    key = jax.random.key(seed)
    ks = jax.random.split(key, 7)
    node_feat = jax.random.normal(ks[0], (N, D_IN), dtype=jnp.float32)
    edge_index = jax.random.randint(ks[1], (2, E), 0, N, dtype=jnp.int32)
    edge_feat = jax.random.uniform(ks[2], (E,), dtype=jnp.float32)
    W1 = jax.random.normal(ks[3], (D_IN, D_HID), dtype=jnp.float32) * 0.05
    b1 = jnp.zeros((D_HID,), dtype=jnp.float32)
    W2 = jax.random.normal(ks[4], (D_HID, D_OUT), dtype=jnp.float32) * 0.05
    b2 = jnp.zeros((D_OUT,), dtype=jnp.float32)
    return {"node_feat": node_feat, "edge_index": edge_index, "edge_feat": edge_feat,
            "W1": W1, "b1": b1, "W2": W2, "b2": b2}


def _gcn_conv(h, W, b, src, dst):
    # DGL GraphConv with norm='both':
    # out_i = ( sum_{(j->i)} h_j * d_out(j)^{-1/2} ) * d_in(i)^{-1/2} @ W + b
    deg_out = jnp.maximum(jnp.zeros((N,), jnp.float32).at[src].add(1.0), 1.0)
    deg_in = jnp.maximum(jnp.zeros((N,), jnp.float32).at[dst].add(1.0), 1.0)
    h = h * (deg_out ** -0.5)[:, None]
    h = h @ W
    msgs = jnp.take(h, src, axis=0)
    agg = jnp.zeros((N, h.shape[1]), jnp.float32).at[dst].add(msgs)
    agg = agg * (deg_in ** -0.5)[:, None]
    return agg + b


def reference(node_feat, edge_index, edge_feat, W1, b1, W2, b2):
    # use_edge_weight=False -> edge_feat is ignored (edge_weight=None)
    src = edge_index[0]
    dst = edge_index[1]
    h = _gcn_conv(node_feat, W1, b1, src, dst)
    h = jax.nn.relu(h)
    # dropout (p=0.5) is identity in eval mode
    out = _gcn_conv(h, W2, b2, src, dst)
    return out

if __name__ == "__main__":
    import jax
    _d = setup_inputs()
    print(jax.jit(kernel)(*tuple(_d.values())))

</pallas_src>

<mosaic_0001>
#map = affine_map<(d0, d1) -> (0, 0, 0)>
#map1 = affine_map<(d0, d1) -> (0)>
module attributes {stable_mosaic.version = 14 : i64} {
  func.func @deg_kernel(%arg0: i32, %arg1: i32, %arg2: memref<32x125x80xi32, #tpu.memory_space<hbm>>, %arg3: memref<32x125x80xi32, #tpu.memory_space<hbm>>, %arg4: memref<320000xf32, #tpu.memory_space<hbm>>, %arg5: memref<320000xf32, #tpu.memory_space<hbm>>, %arg6: memref<125x80xi32, #tpu.memory_space<vmem>>, %arg7: memref<125x80xi32, #tpu.memory_space<vmem>>, %arg8: memref<10000xf32, #tpu.memory_space<vmem>>, %arg9: memref<10000xf32, #tpu.memory_space<vmem>>) attributes {dimension_semantics = [#tpu.dimension_semantics<core_parallel>, #tpu.dimension_semantics<subcore_parallel>], iteration_bounds = array<i64: 2, 16>, scalar_prefetch = 0 : i64, scratch_operands = 4 : i64, tpu.core_type = #tpu.core_type<sc_vector_subcore>, window_params = [{transform_indices = #map}, {transform_indices = #map}, {transform_indices = #map1}, {transform_indices = #map1}]} {
    %mul3A = arith.constant 2 : i32
    %mul3A_0 = arith.muli %arg1, %mul3A : i32
    %add3A = arith.addi %mul3A_0, %arg0 : i32
    "tpu.region"() ({
      %run_scoped3A = tpu.sem_alloc : memref<!tpu.dma_semaphore, #tpu.memory_space<semaphore_mem>>
      %dma_start3A = arith.constant 0 : i32
      %dma_start3A_19 = arith.constant 0 : i32
      %dma_start3A_20 = tpu.memref_slice %arg2[%add3A, %dma_start3A, %dma_start3A_19] : memref<32x125x80xi32, #tpu.memory_space<hbm>> -> memref<1x125x80xi32, #tpu.memory_space<hbm>>
      %dma_start3A_21 = tpu.memref_squeeze %dma_start3A_20 : memref<1x125x80xi32, #tpu.memory_space<hbm>> -> memref<125x80xi32, #tpu.memory_space<hbm>>
      %dma_start3A_22 = arith.constant 0 : i32
      %dma_start3A_23 = arith.constant 0 : i32
      %dma_start3A_24 = tpu.memref_slice %arg2[%add3A, %dma_start3A_22, %dma_start3A_23] : memref<32x125x80xi32, #tpu.memory_space<hbm>> -> memref<1x125x80xi32, #tpu.memory_space<hbm>>
      %dma_start3A_25 = tpu.memref_squeeze %dma_start3A_24 : memref<1x125x80xi32, #tpu.memory_space<hbm>> -> memref<125x80xi32, #tpu.memory_space<hbm>>
      tpu.enqueue_dma source(%dma_start3A_25 : memref<125x80xi32, #tpu.memory_space<hbm>>) target(%arg6 : memref<125x80xi32, #tpu.memory_space<vmem>>) target_semaphore(%run_scoped3A : memref<!tpu.dma_semaphore, #tpu.memory_space<semaphore_mem>>)
      %dma_wait3A = arith.constant 0 : i32
      %dma_wait3A_26 = arith.constant 0 : i32
      %dma_wait3A_27 = tpu.memref_slice %arg2[%add3A, %dma_wait3A, %dma_wait3A_26] : memref<32x125x80xi32, #tpu.memory_space<hbm>> -> memref<1x125x80xi32, #tpu.memory_space<hbm>>
      %dma_wait3A_28 = tpu.memref_squeeze %dma_wait3A_27 : memref<1x125x80xi32, #tpu.memory_space<hbm>> -> memref<125x80xi32, #tpu.memory_space<hbm>>
      %dma_wait3A_29 = arith.constant 0 : i32
      %dma_wait3A_30 = arith.constant 0 : i32
      %dma_wait3A_31 = tpu.memref_slice %arg2[%add3A, %dma_wait3A_29, %dma_wait3A_30] : memref<32x125x80xi32, #tpu.memory_space<hbm>> -> memref<1x125x80xi32, #tpu.memory_space<hbm>>
      %dma_wait3A_32 = tpu.memref_squeeze %dma_wait3A_31 : memref<1x125x80xi32, #tpu.memory_space<hbm>> -> memref<125x80xi32, #tpu.memory_space<hbm>>
      tpu.wait_dma2 semaphore(%run_scoped3A : memref<!tpu.dma_semaphore, #tpu.memory_space<semaphore_mem>>) src(%dma_wait3A_32 : memref<125x80xi32, #tpu.memory_space<hbm>>) dst(%arg6 : memref<125x80xi32, #tpu.memory_space<vmem>>)
      tpu.yield
    }) : () -> ()
    "tpu.region"() ({
      %run_scoped3A = tpu.sem_alloc : memref<!tpu.dma_semaphore, #tpu.memory_space<semaphore_mem>>
      %dma_start3A = arith.constant 0 : i32
      %dma_start3A_19 = arith.constant 0 : i32
      %dma_start3A_20 = tpu.memref_slice %arg3[%add3A, %dma_start3A, %dma_start3A_19] : memref<32x125x80xi32, #tpu.memory_space<hbm>> -> memref<1x125x80xi32, #tpu.memory_space<hbm>>
      %dma_start3A_21 = tpu.memref_squeeze %dma_start3A_20 : memref<1x125x80xi32, #tpu.memory_space<hbm>> -> memref<125x80xi32, #tpu.memory_space<hbm>>
      %dma_start3A_22 = arith.constant 0 : i32
      %dma_start3A_23 = arith.constant 0 : i32
      %dma_start3A_24 = tpu.memref_slice %arg3[%add3A, %dma_start3A_22, %dma_start3A_23] : memref<32x125x80xi32, #tpu.memory_space<hbm>> -> memref<1x125x80xi32, #tpu.memory_space<hbm>>
      %dma_start3A_25 = tpu.memref_squeeze %dma_start3A_24 : memref<1x125x80xi32, #tpu.memory_space<hbm>> -> memref<125x80xi32, #tpu.memory_space<hbm>>
      tpu.enqueue_dma source(%dma_start3A_25 : memref<125x80xi32, #tpu.memory_space<hbm>>) target(%arg7 : memref<125x80xi32, #tpu.memory_space<vmem>>) target_semaphore(%run_scoped3A : memref<!tpu.dma_semaphore, #tpu.memory_space<semaphore_mem>>)
      %dma_wait3A = arith.constant 0 : i32
      %dma_wait3A_26 = arith.constant 0 : i32
      %dma_wait3A_27 = tpu.memref_slice %arg3[%add3A, %dma_wait3A, %dma_wait3A_26] : memref<32x125x80xi32, #tpu.memory_space<hbm>> -> memref<1x125x80xi32, #tpu.memory_space<hbm>>
      %dma_wait3A_28 = tpu.memref_squeeze %dma_wait3A_27 : memref<1x125x80xi32, #tpu.memory_space<hbm>> -> memref<125x80xi32, #tpu.memory_space<hbm>>
      %dma_wait3A_29 = arith.constant 0 : i32
      %dma_wait3A_30 = arith.constant 0 : i32
      %dma_wait3A_31 = tpu.memref_slice %arg3[%add3A, %dma_wait3A_29, %dma_wait3A_30] : memref<32x125x80xi32, #tpu.memory_space<hbm>> -> memref<1x125x80xi32, #tpu.memory_space<hbm>>
      %dma_wait3A_32 = tpu.memref_squeeze %dma_wait3A_31 : memref<1x125x80xi32, #tpu.memory_space<hbm>> -> memref<125x80xi32, #tpu.memory_space<hbm>>
      tpu.wait_dma2 semaphore(%run_scoped3A : memref<!tpu.dma_semaphore, #tpu.memory_space<semaphore_mem>>) src(%dma_wait3A_32 : memref<125x80xi32, #tpu.memory_space<hbm>>) dst(%arg7 : memref<125x80xi32, #tpu.memory_space<vmem>>)
      tpu.yield
    }) : () -> ()
    %broadcast_in_dim3A = arith.constant 0.000000e+00 : f32
    %broadcast_in_dim3A_1 = vector.broadcast %broadcast_in_dim3A : f32 to vector<16xf32>
    %scan3A = arith.constant 0 : i32
    %scan3A_2 = arith.constant 0 : i32
    %scan3A_3 = arith.constant 625 : i32
    %scan3A_4 = arith.addi %scan3A_2, %scan3A_3 : i32
    %scan3A_5 = arith.constant 1 : i32
    scf.for %scan3A_19 = %scan3A_2 to %scan3A_4 step %scan3A_5  : i32 {
      %mul3A_20 = arith.constant 16 : i32
      %mul3A_21 = arith.muli %scan3A_19, %mul3A_20 : i32
      %swap3A = arith.index_cast %mul3A_21 : i32 to index
      %swap3A_22 = tpu.vector_load %arg8[%swap3A] {strides = array<i32>} : memref<10000xf32, #tpu.memory_space<vmem>>, vector<16xf32>,
      tpu.vector_store %arg8[%swap3A], %broadcast_in_dim3A_1 {strides = array<i32>} : memref<10000xf32, #tpu.memory_space<vmem>>, vector<16xf32>,
      %mul3A_23 = arith.constant 16 : i32
      %mul3A_24 = arith.muli %scan3A_19, %mul3A_23 : i32
      %swap3A_25 = arith.index_cast %mul3A_24 : i32 to index
      %swap3A_26 = tpu.vector_load %arg9[%swap3A_25] {strides = array<i32>} : memref<10000xf32, #tpu.memory_space<vmem>>, vector<16xf32>,
      tpu.vector_store %arg9[%swap3A_25], %broadcast_in_dim3A_1 {strides = array<i32>} : memref<10000xf32, #tpu.memory_space<vmem>>, vector<16xf32>,
    }
    %scan3A_6 = arith.constant 625 : i32
    %broadcast_in_dim3A_7 = arith.constant 1.000000e+00 : f32
    %broadcast_in_dim3A_8 = vector.broadcast %broadcast_in_dim3A_7 : f32 to vector<16xf32>
    %scan3A_9 = arith.constant 0 : i32
    %scan3A_10 = arith.constant 0 : i32
    %scan3A_11 = arith.constant 125 : i32
    %scan3A_12 = arith.addi %scan3A_10, %scan3A_11 : i32
    %scan3A_13 = arith.constant 1 : i32
    scf.for %scan3A_19 = %scan3A_10 to %scan3A_12 step %scan3A_13  : i32 {
      %scan3A_20 = arith.constant 0 : i32
      %scan3A_21 = arith.constant 5 : i32
      %scan3A_22 = arith.addi %scan3A_20, %scan3A_21 : i32
      %scan3A_23 = arith.constant 1 : i32
      scf.for %scan3A_25 = %scan3A_20 to %scan3A_22 step %scan3A_23  : i32 {
        %mul3A_26 = arith.constant 16 : i32
        %mul3A_27 = arith.muli %scan3A_25, %mul3A_26 : i32
        %get3A = arith.index_cast %scan3A_19 : i32 to index
        %get3A_28 = arith.index_cast %mul3A_27 : i32 to index
        %get3A_29 = tpu.vector_load %arg6[%get3A, %get3A_28] {strides = array<i32>} : memref<125x80xi32, #tpu.memory_space<vmem>>, vector<16xi32>,
        tpu.vector_store_idx %arg8[%get3A_29], %broadcast_in_dim3A_8 {add = true} : memref<10000xf32, #tpu.memory_space<vmem>>[vector<16xi32>], vector<16xf32>,
        %mul3A_30 = arith.constant 16 : i32
        %mul3A_31 = arith.muli %scan3A_25, %mul3A_30 : i32
        %get3A_32 = arith.index_cast %scan3A_19 : i32 to index
        %get3A_33 = arith.index_cast %mul3A_31 : i32 to index
        %get3A_34 = tpu.vector_load %arg7[%get3A_32, %get3A_33] {strides = array<i32>} : memref<125x80xi32, #tpu.memory_space<vmem>>, vector<16xi32>,
        tpu.vector_store_idx %arg9[%get3A_34], %broadcast_in_dim3A_8 {add = true} : memref<10000xf32, #tpu.memory_space<vmem>>[vector<16xi32>], vector<16xf32>,
      }
      %scan3A_24 = arith.constant 5 : i32
    }
    %scan3A_14 = arith.constant 125 : i32
    %mul3A_15 = arith.constant 10000 : i32
    %mul3A_16 = arith.muli %add3A, %mul3A_15 : i32
    "tpu.region"() ({
      %run_scoped3A = tpu.sem_alloc : memref<!tpu.dma_semaphore, #tpu.memory_space<semaphore_mem>>
      %dma_start3A = tpu.memref_slice %arg4[%mul3A_16] : memref<320000xf32, #tpu.memory_space<hbm>> -> memref<10000xf32, #tpu.memory_space<hbm>>
      %dma_start3A_19 = tpu.memref_slice %arg4[%mul3A_16] : memref<320000xf32, #tpu.memory_space<hbm>> -> memref<10000xf32, #tpu.memory_space<hbm>>
      tpu.enqueue_dma source(%arg8 : memref<10000xf32, #tpu.memory_space<vmem>>) target(%dma_start3A_19 : memref<10000xf32, #tpu.memory_space<hbm>>) target_semaphore(%run_scoped3A : memref<!tpu.dma_semaphore, #tpu.memory_space<semaphore_mem>>)
      %dma_wait3A = tpu.memref_slice %arg4[%mul3A_16] : memref<320000xf32, #tpu.memory_space<hbm>> -> memref<10000xf32, #tpu.memory_space<hbm>>
      %dma_wait3A_20 = tpu.memref_slice %arg4[%mul3A_16] : memref<320000xf32, #tpu.memory_space<hbm>> -> memref<10000xf32, #tpu.memory_space<hbm>>
      tpu.wait_dma2 semaphore(%run_scoped3A : memref<!tpu.dma_semaphore, #tpu.memory_space<semaphore_mem>>) src(%arg8 : memref<10000xf32, #tpu.memory_space<vmem>>) dst(%dma_wait3A_20 : memref<10000xf32, #tpu.memory_space<hbm>>)
      tpu.yield
    }) : () -> ()
    %mul3A_17 = arith.constant 10000 : i32
    %mul3A_18 = arith.muli %add3A, %mul3A_17 : i32
    "tpu.region"() ({
      %run_scoped3A = tpu.sem_alloc : memref<!tpu.dma_semaphore, #tpu.memory_space<semaphore_mem>>
      %dma_start3A = tpu.memref_slice %arg5[%mul3A_18] : memref<320000xf32, #tpu.memory_space<hbm>> -> memref<10000xf32, #tpu.memory_space<hbm>>
      %dma_start3A_19 = tpu.memref_slice %arg5[%mul3A_18] : memref<320000xf32, #tpu.memory_space<hbm>> -> memref<10000xf32, #tpu.memory_space<hbm>>
      tpu.enqueue_dma source(%arg9 : memref<10000xf32, #tpu.memory_space<vmem>>) target(%dma_start3A_19 : memref<10000xf32, #tpu.memory_space<hbm>>) target_semaphore(%run_scoped3A : memref<!tpu.dma_semaphore, #tpu.memory_space<semaphore_mem>>)
      %dma_wait3A = tpu.memref_slice %arg5[%mul3A_18] : memref<320000xf32, #tpu.memory_space<hbm>> -> memref<10000xf32, #tpu.memory_space<hbm>>
      %dma_wait3A_20 = tpu.memref_slice %arg5[%mul3A_18] : memref<320000xf32, #tpu.memory_space<hbm>> -> memref<10000xf32, #tpu.memory_space<hbm>>
      tpu.wait_dma2 semaphore(%run_scoped3A : memref<!tpu.dma_semaphore, #tpu.memory_space<semaphore_mem>>) src(%arg9 : memref<10000xf32, #tpu.memory_space<vmem>>) dst(%dma_wait3A_20 : memref<10000xf32, #tpu.memory_space<hbm>>)
      tpu.yield
    }) : () -> ()
    return
  }
}

#map = affine_map<(d0, d1) -> (0, 0)>
#map1 = affine_map<(d0, d1) -> (0, 0, 0)>
module attributes {stable_mosaic.version = 14 : i64} {
  func.func @agg_kernel(%arg0: i32, %arg1: i32, %arg2: memref<10000x16xf32, #tpu.memory_space<hbm>>, %arg3: memref<32x125x80xi32, #tpu.memory_space<hbm>>, %arg4: memref<32x125x80xi32, #tpu.memory_space<hbm>>, %arg5: memref<20000x16xf32, #tpu.memory_space<hbm>>, %arg6: memref<125x80xi32, #tpu.memory_space<vmem>>, %arg7: memref<125x80xi32, #tpu.memory_space<vmem>>, %arg8: memref<6x80x16xf32, #tpu.memory_space<vmem>>, %arg9: memref<625x16xf32, #tpu.memory_space<vmem>>, %arg10: memref<625x16xf32, #tpu.memory_space<vmem>>, %arg11: memref<625x32xf32, #tpu.memory_space<vmem>>, %arg12: memref<16xf32, #tpu.memory_space<vmem>>, %arg13: memref<10000x16xf32, #tpu.memory_space<vmem_shared>>, %arg14: memref<10000x16xf32, #tpu.memory_space<vmem_shared>>, %arg15: memref<6x!tpu.dma_semaphore, #tpu.memory_space<semaphore_mem>>, %arg16: memref<6x!tpu.dma_semaphore, #tpu.memory_space<semaphore_mem>>) attributes {dimension_semantics = [#tpu.dimension_semantics<core_parallel>, #tpu.dimension_semantics<subcore_parallel>], iteration_bounds = array<i64: 2, 16>, scalar_prefetch = 0 : i64, scratch_operands = 11 : i64, tpu.core_type = #tpu.core_type<sc_vector_subcore>, window_params = [{transform_indices = #map}, {transform_indices = #map1}, {transform_indices = #map1}, {transform_indices = #map}]} {
    %mul3A = arith.constant 2 : i32
    %mul3A_0 = arith.muli %arg1, %mul3A : i32
    %add3A = arith.addi %mul3A_0, %arg0 : i32
    "tpu.region"() ({
      %run_scoped3A = tpu.sem_alloc : memref<!tpu.dma_semaphore, #tpu.memory_space<semaphore_mem>>
      %dma_start3A_376 = arith.constant 0 : i32
      %dma_start3A_377 = arith.constant 0 : i32
      %dma_start3A_378 = tpu.memref_slice %arg3[%add3A, %dma_start3A_376, %dma_start3A_377] : memref<32x125x80xi32, #tpu.memory_space<hbm>> -> memref<1x125x80xi32, #tpu.memory_space<hbm>>
      %dma_start3A_379 = tpu.memref_squeeze %dma_start3A_378 : memref<1x125x80xi32, #tpu.memory_space<hbm>> -> memref<125x80xi32, #tpu.memory_space<hbm>>
      %dma_start3A_380 = arith.constant 0 : i32
      %dma_start3A_381 = arith.constant 0 : i32
      %dma_start3A_382 = tpu.memref_slice %arg3[%add3A, %dma_start3A_380, %dma_start3A_381] : memref<32x125x80xi32, #tpu.memory_space<hbm>> -> memref<1x125x80xi32, #tpu.memory_space<hbm>>
      %dma_start3A_383 = tpu.memref_squeeze %dma_start3A_382 : memref<1x125x80xi32, #tpu.memory_space<hbm>> -> memref<125x80xi32, #tpu.memory_space<hbm>>
      tpu.enqueue_dma source(%dma_start3A_383 : memref<125x80xi32, #tpu.memory_space<hbm>>) target(%arg6 : memref<125x80xi32, #tpu.memory_space<vmem>>) target_semaphore(%run_scoped3A : memref<!tpu.dma_semaphore, #tpu.memory_space<semaphore_mem>>)
      %dma_wait3A_384 = arith.constant 0 : i32
      %dma_wait3A_385 = arith.constant 0 : i32
      %dma_wait3A_386 = tpu.memref_slice %arg3[%add3A, %dma_wait3A_384, %dma_wait3A_385] : memref<32x125x80xi32, #tpu.memory_space<hbm>> -> memref<1x125x80xi32, #tpu.memory_space<hbm>>
      %dma_wait3A_387 = tpu.memref_squeeze %dma_wait3A_386 : memref<1x125x80xi32, #tpu.memory_space<hbm>> -> memref<125x80xi32, #tpu.memory_space<hbm>>
      %dma_wait3A_388 = arith.constant 0 : i32
      %dma_wait3A_389 = arith.constant 0 : i32
      %dma_wait3A_390 = tpu.memref_slice %arg3[%add3A, %dma_wait3A_388, %dma_wait3A_389] : memref<32x125x80xi32, #tpu.memory_space<hbm>> -> memref<1x125x80xi32, #tpu.memory_space<hbm>>
      %dma_wait3A_391 = tpu.memref_squeeze %dma_wait3A_390 : memref<1x125x80xi32, #tpu.memory_space<hbm>> -> memref<125x80xi32, #tpu.memory_space<hbm>>
      tpu.wait_dma2 semaphore(%run_scoped3A : memref<!tpu.dma_semaphore, #tpu.memory_space<semaphore_mem>>) src(%dma_wait3A_391 : memref<125x80xi32, #tpu.memory_space<hbm>>) dst(%arg6 : memref<125x80xi32, #tpu.memory_space<vmem>>)
      tpu.yield
    }) : () -> ()
    "tpu.region"() ({
      %run_scoped3A = tpu.sem_alloc : memref<!tpu.dma_semaphore, #tpu.memory_space<semaphore_mem>>
      %dma_start3A_376 = arith.constant 0 : i32
      %dma_start3A_377 = arith.constant 0 : i32
      %dma_start3A_378 = tpu.memref_slice %arg4[%add3A, %dma_start3A_376, %dma_start3A_377] : memref<32x125x80xi32, #tpu.memory_space<hbm>> -> memref<1x125x80xi32, #tpu.memory_space<hbm>>
      %dma_start3A_379 = tpu.memref_squeeze %dma_start3A_378 : memref<1x125x80xi32, #tpu.memory_space<hbm>> -> memref<125x80xi32, #tpu.memory_space<hbm>>
      %dma_start3A_380 = arith.constant 0 : i32
      %dma_start3A_381 = arith.constant 0 : i32
      %dma_start3A_382 = tpu.memref_slice %arg4[%add3A, %dma_start3A_380, %dma_start3A_381] : memref<32x125x80xi32, #tpu.memory_space<hbm>> -> memref<1x125x80xi32, #tpu.memory_space<hbm>>
      %dma_start3A_383 = tpu.memref_squeeze %dma_start3A_382 : memref<1x125x80xi32, #tpu.memory_space<hbm>> -> memref<125x80xi32, #tpu.memory_space<hbm>>
      tpu.enqueue_dma source(%dma_start3A_383 : memref<125x80xi32, #tpu.memory_space<hbm>>) target(%arg7 : memref<125x80xi32, #tpu.memory_space<vmem>>) target_semaphore(%run_scoped3A : memref<!tpu.dma_semaphore, #tpu.memory_space<semaphore_mem>>)
      %dma_wait3A_384 = arith.constant 0 : i32
      %dma_wait3A_385 = arith.constant 0 : i32
      %dma_wait3A_386 = tpu.memref_slice %arg4[%add3A, %dma_wait3A_384, %dma_wait3A_385] : memref<32x125x80xi32, #tpu.memory_space<hbm>> -> memref<1x125x80xi32, #tpu.memory_space<hbm>>
      %dma_wait3A_387 = tpu.memref_squeeze %dma_wait3A_386 : memref<1x125x80xi32, #tpu.memory_space<hbm>> -> memref<125x80xi32, #tpu.memory_space<hbm>>
      %dma_wait3A_388 = arith.constant 0 : i32
      %dma_wait3A_389 = arith.constant 0 : i32
      %dma_wait3A_390 = tpu.memref_slice %arg4[%add3A, %dma_wait3A_388, %dma_wait3A_389] : memref<32x125x80xi32, #tpu.memory_space<hbm>> -> memref<1x125x80xi32, #tpu.memory_space<hbm>>
      %dma_wait3A_391 = tpu.memref_squeeze %dma_wait3A_390 : memref<1x125x80xi32, #tpu.memory_space<hbm>> -> memref<125x80xi32, #tpu.memory_space<hbm>>
      tpu.wait_dma2 semaphore(%run_scoped3A : memref<!tpu.dma_semaphore, #tpu.memory_space<semaphore_mem>>) src(%dma_wait3A_391 : memref<125x80xi32, #tpu.memory_space<hbm>>) dst(%arg7 : memref<125x80xi32, #tpu.memory_space<vmem>>)
      tpu.yield
    }) : () -> ()
    %mul3A_1 = arith.constant 625 : i32
    %mul3A_2 = arith.muli %arg1, %mul3A_1 : i32
    "tpu.region"() ({
      %run_scoped3A = tpu.sem_alloc : memref<!tpu.dma_semaphore, #tpu.memory_space<semaphore_mem>>
      %dma_start3A_376 = arith.constant 0 : i32
      %dma_start3A_377 = tpu.memref_slice %arg2[%mul3A_2, %dma_start3A_376] : memref<10000x16xf32, #tpu.memory_space<hbm>> -> memref<625x16xf32, #tpu.memory_space<hbm>>
      %dma_start3A_378 = arith.constant 0 : i32
      %dma_start3A_379 = tpu.memref_slice %arg2[%mul3A_2, %dma_start3A_378] : memref<10000x16xf32, #tpu.memory_space<hbm>> -> memref<625x16xf32, #tpu.memory_space<hbm>>
      tpu.enqueue_dma source(%dma_start3A_379 : memref<625x16xf32, #tpu.memory_space<hbm>>) target(%arg9 : memref<625x16xf32, #tpu.memory_space<vmem>>) target_semaphore(%run_scoped3A : memref<!tpu.dma_semaphore, #tpu.memory_space<semaphore_mem>>)
      %dma_wait3A_380 = arith.constant 0 : i32
      %dma_wait3A_381 = tpu.memref_slice %arg2[%mul3A_2, %dma_wait3A_380] : memref<10000x16xf32, #tpu.memory_space<hbm>> -> memref<625x16xf32, #tpu.memory_space<hbm>>
      %dma_wait3A_382 = arith.constant 0 : i32
      %dma_wait3A_383 = tpu.memref_slice %arg2[%mul3A_2, %dma_wait3A_382] : memref<10000x16xf32, #tpu.memory_space<hbm>> -> memref<625x16xf32, #tpu.memory_space<hbm>>
      tpu.wait_dma2 semaphore(%run_scoped3A : memref<!tpu.dma_semaphore, #tpu.memory_space<semaphore_mem>>) src(%dma_wait3A_383 : memref<625x16xf32, #tpu.memory_space<hbm>>) dst(%arg9 : memref<625x16xf32, #tpu.memory_space<vmem>>)
      tpu.yield
    }) : () -> ()
    "tpu.region"() ({
      %run_scoped3A = tpu.sem_alloc : memref<!tpu.dma_semaphore, #tpu.memory_space<semaphore_mem>>
      %dma_start3A_376 = arith.constant 0 : i32
      %dma_start3A_377 = tpu.memref_slice %arg13[%mul3A_2, %dma_start3A_376] : memref<10000x16xf32, #tpu.memory_space<vmem_shared>> -> memref<625x16xf32, #tpu.memory_space<vmem_shared>>
      %dma_start3A_378 = arith.constant 0 : i32
      %dma_start3A_379 = tpu.memref_slice %arg13[%mul3A_2, %dma_start3A_378] : memref<10000x16xf32, #tpu.memory_space<vmem_shared>> -> memref<625x16xf32, #tpu.memory_space<vmem_shared>>
      tpu.enqueue_dma source(%arg9 : memref<625x16xf32, #tpu.memory_space<vmem>>) target(%dma_start3A_379 : memref<625x16xf32, #tpu.memory_space<vmem_shared>>) target_semaphore(%run_scoped3A : memref<!tpu.dma_semaphore, #tpu.memory_space<semaphore_mem>>)
      %dma_wait3A_380 = arith.constant 0 : i32
      %dma_wait3A_381 = tpu.memref_slice %arg13[%mul3A_2, %dma_wait3A_380] : memref<10000x16xf32, #tpu.memory_space<vmem_shared>> -> memref<625x16xf32, #tpu.memory_space<vmem_shared>>
      %dma_wait3A_382 = arith.constant 0 : i32
      %dma_wait3A_383 = tpu.memref_slice %arg13[%mul3A_2, %dma_wait3A_382] : memref<10000x16xf32, #tpu.memory_space<vmem_shared>> -> memref<625x16xf32, #tpu.memory_space<vmem_shared>>
      tpu.wait_dma2 semaphore(%run_scoped3A : memref<!tpu.dma_semaphore, #tpu.memory_space<semaphore_mem>>) src(%arg9 : memref<625x16xf32, #tpu.memory_space<vmem>>) dst(%dma_wait3A_383 : memref<625x16xf32, #tpu.memory_space<vmem_shared>>)
      tpu.yield
    }) : () -> ()
    %broadcast_in_dim3A = arith.constant 0.000000e+00 : f32
    %broadcast_in_dim3A_3 = vector.broadcast %broadcast_in_dim3A : f32 to vector<16xf32>
    %scan3A = arith.constant 0 : i32
    %scan3A_4 = arith.constant 0 : i32
    %scan3A_5 = arith.constant 625 : i32
    %scan3A_6 = arith.addi %scan3A_4, %scan3A_5 : i32
    %scan3A_7 = arith.constant 1 : i32
    scf.for %scan3A_376 = %scan3A_4 to %scan3A_6 step %scan3A_7  : i32 {
      %swap3A = arith.index_cast %scan3A_376 : i32 to index
      %swap3A_377 = arith.constant 0 : index
      %swap3A_378 = tpu.vector_load %arg9[%swap3A, %swap3A_377] {strides = array<i32>} : memref<625x16xf32, #tpu.memory_space<vmem>>, vector<16xf32>,
      tpu.vector_store %arg9[%swap3A, %swap3A_377], %broadcast_in_dim3A_3 {strides = array<i32>} : memref<625x16xf32, #tpu.memory_space<vmem>>, vector<16xf32>,
    }
    %scan3A_8 = arith.constant 625 : i32
    "tpu.region"() ({
      %run_scoped3A = tpu.sem_alloc : memref<!tpu.dma_semaphore, #tpu.memory_space<semaphore_mem>>
      %dma_start3A_376 = arith.constant 0 : i32
      %dma_start3A_377 = tpu.memref_slice %arg14[%mul3A_2, %dma_start3A_376] : memref<10000x16xf32, #tpu.memory_space<vmem_shared>> -> memref<625x16xf32, #tpu.memory_space<vmem_shared>>
      %dma_start3A_378 = arith.constant 0 : i32
      %dma_start3A_379 = tpu.memref_slice %arg14[%mul3A_2, %dma_start3A_378] : memref<10000x16xf32, #tpu.memory_space<vmem_shared>> -> memref<625x16xf32, #tpu.memory_space<vmem_shared>>
      tpu.enqueue_dma source(%arg9 : memref<625x16xf32, #tpu.memory_space<vmem>>) target(%dma_start3A_379 : memref<625x16xf32, #tpu.memory_space<vmem_shared>>) target_semaphore(%run_scoped3A : memref<!tpu.dma_semaphore, #tpu.memory_space<semaphore_mem>>)
      %dma_wait3A_380 = arith.constant 0 : i32
      %dma_wait3A_381 = tpu.memref_slice %arg14[%mul3A_2, %dma_wait3A_380] : memref<10000x16xf32, #tpu.memory_space<vmem_shared>> -> memref<625x16xf32, #tpu.memory_space<vmem_shared>>
      %dma_wait3A_382 = arith.constant 0 : i32
      %dma_wait3A_383 = tpu.memref_slice %arg14[%mul3A_2, %dma_wait3A_382] : memref<10000x16xf32, #tpu.memory_space<vmem_shared>> -> memref<625x16xf32, #tpu.memory_space<vmem_shared>>
      tpu.wait_dma2 semaphore(%run_scoped3A : memref<!tpu.dma_semaphore, #tpu.memory_space<semaphore_mem>>) src(%arg9 : memref<625x16xf32, #tpu.memory_space<vmem>>) dst(%dma_wait3A_383 : memref<625x16xf32, #tpu.memory_space<vmem_shared>>)
      tpu.yield
    }) : () -> ()
    %barrier3A = arith.constant 0 : index
    tpu.barrier barrier_id(%barrier3A)
    %dma_start3A = arith.constant 0 : i32
    %dma_start3A_9 = arith.constant 0 : i32
    %dma_start3A_10 = arith.constant 0 : i32
    %dma_start3A_11 = arith.constant 0 : i32
    %dma_start3A_12 = arith.constant 0 : i32
    %dma_start3A_13 = tpu.memref_slice %arg8[%dma_start3A_9, %dma_start3A_11, %dma_start3A_12] : memref<6x80x16xf32, #tpu.memory_space<vmem>> -> memref<1x80x16xf32, #tpu.memory_space<vmem>>
    %dma_start3A_14 = tpu.memref_squeeze %dma_start3A_13 : memref<1x80x16xf32, #tpu.memory_space<vmem>> -> memref<80x16xf32, #tpu.memory_space<vmem>>
    %dma_start3A_15 = arith.constant 0 : i32
    %dma_start3A_16 = tpu.memref_slice %arg6[%dma_start3A, %dma_start3A_15] : memref<125x80xi32, #tpu.memory_space<vmem>> -> memref<1x80xi32, #tpu.memory_space<vmem>>
    %dma_start3A_17 = tpu.memref_squeeze %dma_start3A_16 : memref<1x80xi32, #tpu.memory_space<vmem>> -> memref<80xi32, #tpu.memory_space<vmem>>
    %dma_start3A_18 = arith.constant 0 : i32
    %dma_start3A_19 = arith.constant 0 : i32
    %dma_start3A_20 = tpu.memref_slice %arg13[%dma_start3A_18, %dma_start3A_19] : memref<10000x16xf32, #tpu.memory_space<vmem_shared>> -> memref<10000x16xf32, #tpu.memory_space<vmem_shared>>
    %dma_start3A_21 = tpu.memref_slice %arg15[%dma_start3A_10] : memref<6x!tpu.dma_semaphore, #tpu.memory_space<semaphore_mem>> -> memref<1x!tpu.dma_semaphore, #tpu.memory_space<semaphore_mem>>
    %dma_start3A_22 = tpu.memref_squeeze %dma_start3A_21 : memref<1x!tpu.dma_semaphore, #tpu.memory_space<semaphore_mem>> -> memref<!tpu.dma_semaphore, #tpu.memory_space<semaphore_mem>>
    tpu.enqueue_indirect_dma source(%dma_start3A_20 : memref<10000x16xf32, #tpu.memory_space<vmem_shared>>) target(%dma_start3A_14 : memref<80x16xf32, #tpu.memory_space<vmem>>) offsets(%dma_start3A_17 : memref<80xi32, #tpu.memory_space<vmem>>) semaphore(%dma_start3A_22 : memref<!tpu.dma_semaphore, #tpu.memory_space<semaphore_mem>>)
    %dma_start3A_23 = arith.constant 1 : i32
    %dma_start3A_24 = arith.constant 1 : i32
    %dma_start3A_25 = arith.constant 1 : i32
    %dma_start3A_26 = arith.constant 0 : i32
    %dma_start3A_27 = arith.constant 0 : i32
    %dma_start3A_28 = tpu.memref_slice %arg8[%dma_start3A_24, %dma_start3A_26, %dma_start3A_27] : memref<6x80x16xf32, #tpu.memory_space<vmem>> -> memref<1x80x16xf32, #tpu.memory_space<vmem>>
    %dma_start3A_29 = tpu.memref_squeeze %dma_start3A_28 : memref<1x80x16xf32, #tpu.memory_space<vmem>> -> memref<80x16xf32, #tpu.memory_space<vmem>>
    %dma_start3A_30 = arith.constant 0 : i32
    %dma_start3A_31 = tpu.memref_slice %arg6[%dma_start3A_23, %dma_start3A_30] : memref<125x80xi32, #tpu.memory_space<vmem>> -> memref<1x80xi32, #tpu.memory_space<vmem>>
    %dma_start3A_32 = tpu.memref_squeeze %dma_start3A_31 : memref<1x80xi32, #tpu.memory_space<vmem>> -> memref<80xi32, #tpu.memory_space<vmem>>
    %dma_start3A_33 = arith.constant 0 : i32
    %dma_start3A_34 = arith.constant 0 : i32
    %dma_start3A_35 = tpu.memref_slice %arg13[%dma_start3A_33, %dma_start3A_34] : memref<10000x16xf32, #tpu.memory_space<vmem_shared>> -> memref<10000x16xf32, #tpu.memory_space<vmem_shared>>
    %dma_start3A_36 = tpu.memref_slice %arg15[%dma_start3A_25] : memref<6x!tpu.dma_semaphore, #tpu.memory_space<semaphore_mem>> -> memref<1x!tpu.dma_semaphore, #tpu.memory_space<semaphore_mem>>
    %dma_start3A_37 = tpu.memref_squeeze %dma_start3A_36 : memref<1x!tpu.dma_semaphore, #tpu.memory_space<semaphore_mem>> -> memref<!tpu.dma_semaphore, #tpu.memory_space<semaphore_mem>>
    tpu.enqueue_indirect_dma source(%dma_start3A_35 : memref<10000x16xf32, #tpu.memory_space<vmem_shared>>) target(%dma_start3A_29 : memref<80x16xf32, #tpu.memory_space<vmem>>) offsets(%dma_start3A_32 : memref<80xi32, #tpu.memory_space<vmem>>) semaphore(%dma_start3A_37 : memref<!tpu.dma_semaphore, #tpu.memory_space<semaphore_mem>>)
    %dma_start3A_38 = arith.constant 2 : i32
    %dma_start3A_39 = arith.constant 2 : i32
    %dma_start3A_40 = arith.constant 2 : i32
    %dma_start3A_41 = arith.constant 0 : i32
    %dma_start3A_42 = arith.constant 0 : i32
    %dma_start3A_43 = tpu.memref_slice %arg8[%dma_start3A_39, %dma_start3A_41, %dma_start3A_42] : memref<6x80x16xf32, #tpu.memory_space<vmem>> -> memref<1x80x16xf32, #tpu.memory_space<vmem>>
    %dma_start3A_44 = tpu.memref_squeeze %dma_start3A_43 : memref<1x80x16xf32, #tpu.memory_space<vmem>> -> memref<80x16xf32, #tpu.memory_space<vmem>>
    %dma_start3A_45 = arith.constant 0 : i32
    %dma_start3A_46 = tpu.memref_slice %arg6[%dma_start3A_38, %dma_start3A_45] : memref<125x80xi32, #tpu.memory_space<vmem>> -> memref<1x80xi32, #tpu.memory_space<vmem>>
    %dma_start3A_47 = tpu.memref_squeeze %dma_start3A_46 : memref<1x80xi32, #tpu.memory_space<vmem>> -> memref<80xi32, #tpu.memory_space<vmem>>
    %dma_start3A_48 = arith.constant 0 : i32
    %dma_start3A_49 = arith.constant 0 : i32
    %dma_start3A_50 = tpu.memref_slice %arg13[%dma_start3A_48, %dma_start3A_49] : memref<10000x16xf32, #tpu.memory_space<vmem_shared>> -> memref<10000x16xf32, #tpu.memory_space<vmem_shared>>
    %dma_start3A_51 = tpu.memref_slice %arg15[%dma_start3A_40] : memref<6x!tpu.dma_semaphore, #tpu.memory_space<semaphore_mem>> -> memref<1x!tpu.dma_semaphore, #tpu.memory_space<semaphore_mem>>
    %dma_start3A_52 = tpu.memref_squeeze %dma_start3A_51 : memref<1x!tpu.dma_semaphore, #tpu.memory_space<semaphore_mem>> -> memref<!tpu.dma_semaphore, #tpu.memory_space<semaphore_mem>>
    tpu.enqueue_indirect_dma source(%dma_start3A_50 : memref<10000x16xf32, #tpu.memory_space<vmem_shared>>) target(%dma_start3A_44 : memref<80x16xf32, #tpu.memory_space<vmem>>) offsets(%dma_start3A_47 : memref<80xi32, #tpu.memory_space<vmem>>) semaphore(%dma_start3A_52 : memref<!tpu.dma_semaphore, #tpu.memory_space<semaphore_mem>>)
    %dma_start3A_53 = arith.constant 3 : i32
    %dma_start3A_54 = arith.constant 3 : i32
    %dma_start3A_55 = arith.constant 3 : i32
    %dma_start3A_56 = arith.constant 0 : i32
    %dma_start3A_57 = arith.constant 0 : i32
    %dma_start3A_58 = tpu.memref_slice %arg8[%dma_start3A_54, %dma_start3A_56, %dma_start3A_57] : memref<6x80x16xf32, #tpu.memory_space<vmem>> -> memref<1x80x16xf32, #tpu.memory_space<vmem>>
    %dma_start3A_59 = tpu.memref_squeeze %dma_start3A_58 : memref<1x80x16xf32, #tpu.memory_space<vmem>> -> memref<80x16xf32, #tpu.memory_space<vmem>>
    %dma_start3A_60 = arith.constant 0 : i32
    %dma_start3A_61 = tpu.memref_slice %arg6[%dma_start3A_53, %dma_start3A_60] : memref<125x80xi32, #tpu.memory_space<vmem>> -> memref<1x80xi32, #tpu.memory_space<vmem>>
    %dma_start3A_62 = tpu.memref_squeeze %dma_start3A_61 : memref<1x80xi32, #tpu.memory_space<vmem>> -> memref<80xi32, #tpu.memory_space<vmem>>
    %dma_start3A_63 = arith.constant 0 : i32
    %dma_start3A_64 = arith.constant 0 : i32
    %dma_start3A_65 = tpu.memref_slice %arg13[%dma_start3A_63, %dma_start3A_64] : memref<10000x16xf32, #tpu.memory_space<vmem_shared>> -> memref<10000x16xf32, #tpu.memory_space<vmem_shared>>
    %dma_start3A_66 = tpu.memref_slice %arg15[%dma_start3A_55] : memref<6x!tpu.dma_semaphore, #tpu.memory_space<semaphore_mem>> -> memref<1x!tpu.dma_semaphore, #tpu.memory_space<semaphore_mem>>
    %dma_start3A_67 = tpu.memref_squeeze %dma_start3A_66 : memref<1x!tpu.dma_semaphore, #tpu.memory_space<semaphore_mem>> -> memref<!tpu.dma_semaphore, #tpu.memory_space<semaphore_mem>>
    tpu.enqueue_indirect_dma source(%dma_start3A_65 : memref<10000x16xf32, #tpu.memory_space<vmem_shared>>) target(%dma_start3A_59 : memref<80x16xf32, #tpu.memory_space<vmem>>) offsets(%dma_start3A_62 : memref<80xi32, #tpu.memory_space<vmem>>) semaphore(%dma_start3A_67 : memref<!tpu.dma_semaphore, #tpu.memory_space<semaphore_mem>>)
    %dma_wait3A = arith.constant 0 : i32
    %dma_wait3A_68 = arith.constant 0 : i32
    %dma_wait3A_69 = arith.constant 0 : i32
    %dma_wait3A_70 = arith.constant 0 : i32
    %dma_wait3A_71 = arith.constant 0 : i32
    %dma_wait3A_72 = tpu.memref_slice %arg8[%dma_wait3A_68, %dma_wait3A_70, %dma_wait3A_71] : memref<6x80x16xf32, #tpu.memory_space<vmem>> -> memref<1x80x16xf32, #tpu.memory_space<vmem>>
    %dma_wait3A_73 = tpu.memref_squeeze %dma_wait3A_72 : memref<1x80x16xf32, #tpu.memory_space<vmem>> -> memref<80x16xf32, #tpu.memory_space<vmem>>
    %dma_wait3A_74 = arith.constant 0 : i32
    %dma_wait3A_75 = tpu.memref_slice %arg6[%dma_wait3A, %dma_wait3A_74] : memref<125x80xi32, #tpu.memory_space<vmem>> -> memref<1x80xi32, #tpu.memory_space<vmem>>
    %dma_wait3A_76 = tpu.memref_squeeze %dma_wait3A_75 : memref<1x80xi32, #tpu.memory_space<vmem>> -> memref<80xi32, #tpu.memory_space<vmem>>
    %dma_wait3A_77 = arith.constant 0 : i32
    %dma_wait3A_78 = arith.constant 0 : i32
    %dma_wait3A_79 = tpu.memref_slice %arg13[%dma_wait3A_77, %dma_wait3A_78] : memref<10000x16xf32, #tpu.memory_space<vmem_shared>> -> memref<10000x16xf32, #tpu.memory_space<vmem_shared>>
    %dma_wait3A_80 = tpu.memref_slice %arg15[%dma_wait3A_69] : memref<6x!tpu.dma_semaphore, #tpu.memory_space<semaphore_mem>> -> memref<1x!tpu.dma_semaphore, #tpu.memory_space<semaphore_mem>>
    %dma_wait3A_81 = tpu.memref_squeeze %dma_wait3A_80 : memref<1x!tpu.dma_semaphore, #tpu.memory_space<semaphore_mem>> -> memref<!tpu.dma_semaphore, #tpu.memory_space<semaphore_mem>>
    tpu.wait_indirect_dma semaphore(%dma_wait3A_81 : memref<!tpu.dma_semaphore, #tpu.memory_space<semaphore_mem>>) src(%dma_wait3A_79 : memref<10000x16xf32, #tpu.memory_space<vmem_shared>>) dst(%dma_wait3A_73 : memref<80x16xf32, #tpu.memory_space<vmem>>)
    %dma_start3A_82 = arith.constant 0 : i32
    %dma_start3A_83 = arith.constant 0 : i32
    %dma_start3A_84 = arith.constant 0 : i32
    %dma_start3A_85 = arith.constant 0 : i32
    %dma_start3A_86 = arith.constant 0 : i32
    %dma_start3A_87 = tpu.memref_slice %arg8[%dma_start3A_82, %dma_start3A_85, %dma_start3A_86] : memref<6x80x16xf32, #tpu.memory_space<vmem>> -> memref<1x80x16xf32, #tpu.memory_space<vmem>>
    %dma_start3A_88 = tpu.memref_squeeze %dma_start3A_87 : memref<1x80x16xf32, #tpu.memory_space<vmem>> -> memref<80x16xf32, #tpu.memory_space<vmem>>
    %dma_start3A_89 = arith.constant 0 : i32
    %dma_start3A_90 = tpu.memref_slice %arg7[%dma_start3A_83, %dma_start3A_89] : memref<125x80xi32, #tpu.memory_space<vmem>> -> memref<1x80xi32, #tpu.memory_space<vmem>>
    %dma_start3A_91 = tpu.memref_squeeze %dma_start3A_90 : memref<1x80xi32, #tpu.memory_space<vmem>> -> memref<80xi32, #tpu.memory_space<vmem>>
    %dma_start3A_92 = arith.constant 0 : i32
    %dma_start3A_93 = arith.constant 0 : i32
    %dma_start3A_94 = tpu.memref_slice %arg14[%dma_start3A_92, %dma_start3A_93] : memref<10000x16xf32, #tpu.memory_space<vmem_shared>> -> memref<10000x16xf32, #tpu.memory_space<vmem_shared>>
    %dma_start3A_95 = tpu.memref_slice %arg16[%dma_start3A_84] : memref<6x!tpu.dma_semaphore, #tpu.memory_space<semaphore_mem>> -> memref<1x!tpu.dma_semaphore, #tpu.memory_space<semaphore_mem>>
    %dma_start3A_96 = tpu.memref_squeeze %dma_start3A_95 : memref<1x!tpu.dma_semaphore, #tpu.memory_space<semaphore_mem>> -> memref<!tpu.dma_semaphore, #tpu.memory_space<semaphore_mem>>
    tpu.enqueue_indirect_dma source(%dma_start3A_88 : memref<80x16xf32, #tpu.memory_space<vmem>>) target(%dma_start3A_94 : memref<10000x16xf32, #tpu.memory_space<vmem_shared>>) offsets(%dma_start3A_91 : memref<80xi32, #tpu.memory_space<vmem>>) semaphore(%dma_start3A_96 : memref<!tpu.dma_semaphore, #tpu.memory_space<semaphore_mem>>) {add = true}
    %dma_start3A_97 = arith.constant 4 : i32
    %dma_start3A_98 = arith.constant 4 : i32
    %dma_start3A_99 = arith.constant 4 : i32
    %dma_start3A_100 = arith.constant 0 : i32
    %dma_start3A_101 = arith.constant 0 : i32
    %dma_start3A_102 = tpu.memref_slice %arg8[%dma_start3A_98, %dma_start3A_100, %dma_start3A_101] : memref<6x80x16xf32, #tpu.memory_space<vmem>> -> memref<1x80x16xf32, #tpu.memory_space<vmem>>
    %dma_start3A_103 = tpu.memref_squeeze %dma_start3A_102 : memref<1x80x16xf32, #tpu.memory_space<vmem>> -> memref<80x16xf32, #tpu.memory_space<vmem>>
    %dma_start3A_104 = arith.constant 0 : i32
    %dma_start3A_105 = tpu.memref_slice %arg6[%dma_start3A_97, %dma_start3A_104] : memref<125x80xi32, #tpu.memory_space<vmem>> -> memref<1x80xi32, #tpu.memory_space<vmem>>
    %dma_start3A_106 = tpu.memref_squeeze %dma_start3A_105 : memref<1x80xi32, #tpu.memory_space<vmem>> -> memref<80xi32, #tpu.memory_space<vmem>>
    %dma_start3A_107 = arith.constant 0 : i32
    %dma_start3A_108 = arith.constant 0 : i32
    %dma_start3A_109 = tpu.memref_slice %arg13[%dma_start3A_107, %dma_start3A_108] : memref<10000x16xf32, #tpu.memory_space<vmem_shared>> -> memref<10000x16xf32, #tpu.memory_space<vmem_shared>>
    %dma_start3A_110 = tpu.memref_slice %arg15[%dma_start3A_99] : memref<6x!tpu.dma_semaphore, #tpu.memory_space<semaphore_mem>> -> memref<1x!tpu.dma_semaphore, #tpu.memory_space<semaphore_mem>>
    %dma_start3A_111 = tpu.memref_squeeze %dma_start3A_110 : memref<1x!tpu.dma_semaphore, #tpu.memory_space<semaphore_mem>> -> memref<!tpu.dma_semaphore, #tpu.memory_space<semaphore_mem>>
    tpu.enqueue_indirect_dma source(%dma_start3A_109 : memref<10000x16xf32, #tpu.memory_space<vmem_shared>>) target(%dma_start3A_103 : memref<80x16xf32, #tpu.memory_space<vmem>>) offsets(%dma_start3A_106 : memref<80xi32, #tpu.memory_space<vmem>>) semaphore(%dma_start3A_111 : memref<!tpu.dma_semaphore, #tpu.memory_space<semaphore_mem>>)
    %dma_wait3A_112 = arith.constant 1 : i32
    %dma_wait3A_113 = arith.constant 1 : i32
    %dma_wait3A_114 = arith.constant 1 : i32
    %dma_wait3A_115 = arith.constant 0 : i32
    %dma_wait3A_116 = arith.constant 0 : i32
    %dma_wait3A_117 = tpu.memref_slice %arg8[%dma_wait3A_113, %dma_wait3A_115, %dma_wait3A_116] : memref<6x80x16xf32, #tpu.memory_space<vmem>> -> memref<1x80x16xf32, #tpu.memory_space<vmem>>
    %dma_wait3A_118 = tpu.memref_squeeze %dma_wait3A_117 : memref<1x80x16xf32, #tpu.memory_space<vmem>> -> memref<80x16xf32, #tpu.memory_space<vmem>>
    %dma_wait3A_119 = arith.constant 0 : i32
    %dma_wait3A_120 = tpu.memref_slice %arg6[%dma_wait3A_112, %dma_wait3A_119] : memref<125x80xi32, #tpu.memory_space<vmem>> -> memref<1x80xi32, #tpu.memory_space<vmem>>
    %dma_wait3A_121 = tpu.memref_squeeze %dma_wait3A_120 : memref<1x80xi32, #tpu.memory_space<vmem>> -> memref<80xi32, #tpu.memory_space<vmem>>
    %dma_wait3A_122 = arith.constant 0 : i32
    %dma_wait3A_123 = arith.constant 0 : i32
    %dma_wait3A_124 = tpu.memref_slice %arg13[%dma_wait3A_122, %dma_wait3A_123] : memref<10000x16xf32, #tpu.memory_space<vmem_shared>> -> memref<10000x16xf32, #tpu.memory_space<vmem_shared>>
    %dma_wait3A_125 = tpu.memref_slice %arg15[%dma_wait3A_114] : memref<6x!tpu.dma_semaphore, #tpu.memory_space<semaphore_mem>> -> memref<1x!tpu.dma_semaphore, #tpu.memory_space<semaphore_mem>>
    %dma_wait3A_126 = tpu.memref_squeeze %dma_wait3A_125 : memref<1x!tpu.dma_semaphore, #tpu.memory_space<semaphore_mem>> -> memref<!tpu.dma_semaphore, #tpu.memory_space<semaphore_mem>>
    tpu.wait_indirect_dma semaphore(%dma_wait3A_126 : memref<!tpu.dma_semaphore, #tpu.memory_space<semaphore_mem>>) src(%dma_wait3A_124 : memref<10000x16xf32, #tpu.memory_space<vmem_shared>>) dst(%dma_wait3A_118 : memref<80x16xf32, #tpu.memory_space<vmem>>)
    %dma_start3A_127 = arith.constant 1 : i32
    %dma_start3A_128 = arith.constant 1 : i32
    %dma_start3A_129 = arith.constant 1 : i32
    %dma_start3A_130 = arith.constant 0 : i32
    %dma_start3A_131 = arith.constant 0 : i32
    %dma_start3A_132 = tpu.memref_slice %arg8[%dma_start3A_127, %dma_start3A_130, %dma_start3A_131] : memref<6x80x16xf32, #tpu.memory_space<vmem>> -> memref<1x80x16xf32, #tpu.memory_space<vmem>>
    %dma_start3A_133 = tpu.memref_squeeze %dma_start3A_132 : memref<1x80x16xf32, #tpu.memory_space<vmem>> -> memref<80x16xf32, #tpu.memory_space<vmem>>
    %dma_start3A_134 = arith.constant 0 : i32
    %dma_start3A_135 = tpu.memref_slice %arg7[%dma_start3A_128, %dma_start3A_134] : memref<125x80xi32, #tpu.memory_space<vmem>> -> memref<1x80xi32, #tpu.memory_space<vmem>>
    %dma_start3A_136 = tpu.memref_squeeze %dma_start3A_135 : memref<1x80xi32, #tpu.memory_space<vmem>> -> memref<80xi32, #tpu.memory_space<vmem>>
    %dma_start3A_137 = arith.constant 0 : i32
    %dma_start3A_138 = arith.constant 0 : i32
    %dma_start3A_139 = tpu.memref_slice %arg14[%dma_start3A_137, %dma_start3A_138] : memref<10000x16xf32, #tpu.memory_space<vmem_shared>> -> memref<10000x16xf32, #tpu.memory_space<vmem_shared>>
    %dma_start3A_140 = tpu.memref_slice %arg16[%dma_start3A_129] : memref<6x!tpu.dma_semaphore, #tpu.memory_space<semaphore_mem>> -> memref<1x!tpu.dma_semaphore, #tpu.memory_space<semaphore_mem>>
    %dma_start3A_141 = tpu.memref_squeeze %dma_start3A_140 : memref<1x!tpu.dma_semaphore, #tpu.memory_space<semaphore_mem>> -> memref<!tpu.dma_semaphore, #tpu.memory_space<semaphore_mem>>
    tpu.enqueue_indirect_dma source(%dma_start3A_133 : memref<80x16xf32, #tpu.memory_space<vmem>>) target(%dma_start3A_139 : memref<10000x16xf32, #tpu.memory_space<vmem_shared>>) offsets(%dma_start3A_136 : memref<80xi32, #tpu.memory_space<vmem>>) semaphore(%dma_start3A_141 : memref<!tpu.dma_semaphore, #tpu.memory_space<semaphore_mem>>) {add = true}
    %dma_start3A_142 = arith.constant 5 : i32
    %dma_start3A_143 = arith.constant 5 : i32
    %dma_start3A_144 = arith.constant 5 : i32
    %dma_start3A_145 = arith.constant 0 : i32
    %dma_start3A_146 = arith.constant 0 : i32
    %dma_start3A_147 = tpu.memref_slice %arg8[%dma_start3A_143, %dma_start3A_145, %dma_start3A_146] : memref<6x80x16xf32, #tpu.memory_space<vmem>> -> memref<1x80x16xf32, #tpu.memory_space<vmem>>
    %dma_start3A_148 = tpu.memref_squeeze %dma_start3A_147 : memref<1x80x16xf32, #tpu.memory_space<vmem>> -> memref<80x16xf32, #tpu.memory_space<vmem>>
    %dma_start3A_149 = arith.constant 0 : i32
    %dma_start3A_150 = tpu.memref_slice %arg6[%dma_start3A_142, %dma_start3A_149] : memref<125x80xi32, #tpu.memory_space<vmem>> -> memref<1x80xi32, #tpu.memory_space<vmem>>
    %dma_start3A_151 = tpu.memref_squeeze %dma_start3A_150 : memref<1x80xi32, #tpu.memory_space<vmem>> -> memref<80xi32, #tpu.memory_space<vmem>>
    %dma_start3A_152 = arith.constant 0 : i32
    %dma_start3A_153 = arith.constant 0 : i32
    %dma_start3A_154 = tpu.memref_slice %arg13[%dma_start3A_152, %dma_start3A_153] : memref<10000x16xf32, #tpu.memory_space<vmem_shared>> -> memref<10000x16xf32, #tpu.memory_space<vmem_shared>>
    %dma_start3A_155 = tpu.memref_slice %arg15[%dma_start3A_144] : memref<6x!tpu.dma_semaphore, #tpu.memory_space<semaphore_mem>> -> memref<1x!tpu.dma_semaphore, #tpu.memory_space<semaphore_mem>>
    %dma_start3A_156 = tpu.memref_squeeze %dma_start3A_155 : memref<1x!tpu.dma_semaphore, #tpu.memory_space<semaphore_mem>> -> memref<!tpu.dma_semaphore, #tpu.memory_space<semaphore_mem>>
    tpu.enqueue_indirect_dma source(%dma_start3A_154 : memref<10000x16xf32, #tpu.memory_space<vmem_shared>>) target(%dma_start3A_148 : memref<80x16xf32, #tpu.memory_space<vmem>>) offsets(%dma_start3A_151 : memref<80xi32, #tpu.memory_space<vmem>>) semaphore(%dma_start3A_156 : memref<!tpu.dma_semaphore, #tpu.memory_space<semaphore_mem>>)
    %dma_wait3A_157 = arith.constant 2 : i32
    %dma_wait3A_158 = arith.constant 2 : i32
    %dma_wait3A_159 = arith.constant 2 : i32
    %dma_wait3A_160 = arith.constant 0 : i32
    %dma_wait3A_161 = arith.constant 0 : i32
    %dma_wait3A_162 = tpu.memref_slice %arg8[%dma_wait3A_158, %dma_wait3A_160, %dma_wait3A_161] : memref<6x80x16xf32, #tpu.memory_space<vmem>> -> memref<1x80x16xf32, #tpu.memory_space<vmem>>
    %dma_wait3A_163 = tpu.memref_squeeze %dma_wait3A_162 : memref<1x80x16xf32, #tpu.memory_space<vmem>> -> memref<80x16xf32, #tpu.memory_space<vmem>>
    %dma_wait3A_164 = arith.constant 0 : i32
    %dma_wait3A_165 = tpu.memref_slice %arg6[%dma_wait3A_157, %dma_wait3A_164] : memref<125x80xi32, #tpu.memory_space<vmem>> -> memref<1x80xi32, #tpu.memory_space<vmem>>
    %dma_wait3A_166 = tpu.memref_squeeze %dma_wait3A_165 : memref<1x80xi32, #tpu.memory_space<vmem>> -> memref<80xi32, #tpu.memory_space<vmem>>
    %dma_wait3A_167 = arith.constant 0 : i32
    %dma_wait3A_168 = arith.constant 0 : i32
    %dma_wait3A_169 = tpu.memref_slice %arg13[%dma_wait3A_167, %dma_wait3A_168] : memref<10000x16xf32, #tpu.memory_space<vmem_shared>> -> memref<10000x16xf32, #tpu.memory_space<vmem_shared>>
    %dma_wait3A_170 = tpu.memref_slice %arg15[%dma_wait3A_159] : memref<6x!tpu.dma_semaphore, #tpu.memory_space<semaphore_mem>> -> memref<1x!tpu.dma_semaphore, #tpu.memory_space<semaphore_mem>>
    %dma_wait3A_171 = tpu.memref_squeeze %dma_wait3A_170 : memref<1x!tpu.dma_semaphore, #tpu.memory_space<semaphore_mem>> -> memref<!tpu.dma_semaphore, #tpu.memory_space<semaphore_mem>>
    tpu.wait_indirect_dma semaphore(%dma_wait3A_171 : memref<!tpu.dma_semaphore, #tpu.memory_space<semaphore_mem>>) src(%dma_wait3A_169 : memref<10000x16xf32, #tpu.memory_space<vmem_shared>>) dst(%dma_wait3A_163 : memref<80x16xf32, #tpu.memory_space<vmem>>)
    %dma_start3A_172 = arith.constant 2 : i32
    %dma_start3A_173 = arith.constant 2 : i32
    %dma_start3A_174 = arith.constant 2 : i32
    %dma_start3A_175 = arith.constant 0 : i32
    %dma_start3A_176 = arith.constant 0 : i32
    %dma_start3A_177 = tpu.memref_slice %arg8[%dma_start3A_172, %dma_start3A_175, %dma_start3A_176] : memref<6x80x16xf32, #tpu.memory_space<vmem>> -> memref<1x80x16xf32, #tpu.memory_space<vmem>>
    %dma_start3A_178 = tpu.memref_squeeze %dma_start3A_177 : memref<1x80x16xf32, #tpu.memory_space<vmem>> -> memref<80x16xf32, #tpu.memory_space<vmem>>
    %dma_start3A_179 = arith.constant 0 : i32
    %dma_start3A_180 = tpu.memref_slice %arg7[%dma_start3A_173, %dma_start3A_179] : memref<125x80xi32, #tpu.memory_space<vmem>> -> memref<1x80xi32, #tpu.memory_space<vmem>>
    %dma_start3A_181 = tpu.memref_squeeze %dma_start3A_180 : memref<1x80xi32, #tpu.memory_space<vmem>> -> memref<80xi32, #tpu.memory_space<vmem>>
    %dma_start3A_182 = arith.constant 0 : i32
    %dma_start3A_183 = arith.constant 0 : i32
    %dma_start3A_184 = tpu.memref_slice %arg14[%dma_start3A_182, %dma_start3A_183] : memref<10000x16xf32, #tpu.memory_space<vmem_shared>> -> memref<10000x16xf32, #tpu.memory_space<vmem_shared>>
    %dma_start3A_185 = tpu.memref_slice %arg16[%dma_start3A_174] : memref<6x!tpu.dma_semaphore, #tpu.memory_space<semaphore_mem>> -> memref<1x!tpu.dma_semaphore, #tpu.memory_space<semaphore_mem>>
    %dma_start3A_186 = tpu.memref_squeeze %dma_start3A_185 : memref<1x!tpu.dma_semaphore, #tpu.memory_space<semaphore_mem>> -> memref<!tpu.dma_semaphore, #tpu.memory_space<semaphore_mem>>
    tpu.enqueue_indirect_dma source(%dma_start3A_178 : memref<80x16xf32, #tpu.memory_space<vmem>>) target(%dma_start3A_184 : memref<10000x16xf32, #tpu.memory_space<vmem_shared>>) offsets(%dma_start3A_181 : memref<80xi32, #tpu.memory_space<vmem>>) semaphore(%dma_start3A_186 : memref<!tpu.dma_semaphore, #tpu.memory_space<semaphore_mem>>) {add = true}
    %scan3A_187 = arith.constant 0 : i32
    %scan3A_188 = arith.constant 3 : i32
    %scan3A_189 = arith.constant 119 : i32
    %scan3A_190 = arith.addi %scan3A_188, %scan3A_189 : i32
    %scan3A_191 = arith.constant 1 : i32
    scf.for %scan3A_376 = %scan3A_188 to %scan3A_190 step %scan3A_191  : i32 {
      %add3A_377 = arith.constant 3 : i32
      %add3A_378 = arith.addi %scan3A_376, %add3A_377 : i32
      %rem3A = arith.constant 6 : i32
      %rem3A_379 = arith.remsi %add3A_378, %rem3A : i32
      %sub3A = arith.constant 6 : i32
      %sub3A_380 = arith.subi %add3A_378, %sub3A : i32
      %dma_wait3A_381 = arith.constant 0 : i32
      %dma_wait3A_382 = arith.constant 0 : i32
      %dma_wait3A_383 = tpu.memref_slice %arg8[%rem3A_379, %dma_wait3A_381, %dma_wait3A_382] : memref<6x80x16xf32, #tpu.memory_space<vmem>> -> memref<1x80x16xf32, #tpu.memory_space<vmem>>
      %dma_wait3A_384 = tpu.memref_squeeze %dma_wait3A_383 : memref<1x80x16xf32, #tpu.memory_space<vmem>> -> memref<80x16xf32, #tpu.memory_space<vmem>>
      %dma_wait3A_385 = arith.constant 0 : i32
      %dma_wait3A_386 = tpu.memref_slice %arg7[%sub3A_380, %dma_wait3A_385] : memref<125x80xi32, #tpu.memory_space<vmem>> -> memref<1x80xi32, #tpu.memory_space<vmem>>
      %dma_wait3A_387 = tpu.memref_squeeze %dma_wait3A_386 : memref<1x80xi32, #tpu.memory_space<vmem>> -> memref<80xi32, #tpu.memory_space<vmem>>
      %dma_wait3A_388 = arith.constant 0 : i32
      %dma_wait3A_389 = arith.constant 0 : i32
      %dma_wait3A_390 = tpu.memref_slice %arg14[%dma_wait3A_388, %dma_wait3A_389] : memref<10000x16xf32, #tpu.memory_space<vmem_shared>> -> memref<10000x16xf32, #tpu.memory_space<vmem_shared>>
      %dma_wait3A_391 = tpu.memref_slice %arg16[%rem3A_379] : memref<6x!tpu.dma_semaphore, #tpu.memory_space<semaphore_mem>> -> memref<1x!tpu.dma_semaphore, #tpu.memory_space<semaphore_mem>>
      %dma_wait3A_392 = tpu.memref_squeeze %dma_wait3A_391 : memref<1x!tpu.dma_semaphore, #tpu.memory_space<semaphore_mem>> -> memref<!tpu.dma_semaphore, #tpu.memory_space<semaphore_mem>>
      tpu.wait_indirect_dma semaphore(%dma_wait3A_392 : memref<!tpu.dma_semaphore, #tpu.memory_space<semaphore_mem>>) src(%dma_wait3A_384 : memref<80x16xf32, #tpu.memory_space<vmem>>) dst(%dma_wait3A_390 : memref<10000x16xf32, #tpu.memory_space<vmem_shared>>)
      %dma_start3A_393 = arith.constant 0 : i32
      %dma_start3A_394 = arith.constant 0 : i32
      %dma_start3A_395 = tpu.memref_slice %arg8[%rem3A_379, %dma_start3A_393, %dma_start3A_394] : memref<6x80x16xf32, #tpu.memory_space<vmem>> -> memref<1x80x16xf32, #tpu.memory_space<vmem>>
      %dma_start3A_396 = tpu.memref_squeeze %dma_start3A_395 : memref<1x80x16xf32, #tpu.memory_space<vmem>> -> memref<80x16xf32, #tpu.memory_space<vmem>>
      %dma_start3A_397 = arith.constant 0 : i32
      %dma_start3A_398 = tpu.memref_slice %arg6[%add3A_378, %dma_start3A_397] : memref<125x80xi32, #tpu.memory_space<vmem>> -> memref<1x80xi32, #tpu.memory_space<vmem>>
      %dma_start3A_399 = tpu.memref_squeeze %dma_start3A_398 : memref<1x80xi32, #tpu.memory_space<vmem>> -> memref<80xi32, #tpu.memory_space<vmem>>
      %dma_start3A_400 = arith.constant 0 : i32
      %dma_start3A_401 = arith.constant 0 : i32
      %dma_start3A_402 = tpu.memref_slice %arg13[%dma_start3A_400, %dma_start3A_401] : memref<10000x16xf32, #tpu.memory_space<vmem_shared>> -> memref<10000x16xf32, #tpu.memory_space<vmem_shared>>
      %dma_start3A_403 = tpu.memref_slice %arg15[%rem3A_379] : memref<6x!tpu.dma_semaphore, #tpu.memory_space<semaphore_mem>> -> memref<1x!tpu.dma_semaphore, #tpu.memory_space<semaphore_mem>>
      %dma_start3A_404 = tpu.memref_squeeze %dma_start3A_403 : memref<1x!tpu.dma_semaphore, #tpu.memory_space<semaphore_mem>> -> memref<!tpu.dma_semaphore, #tpu.memory_space<semaphore_mem>>
      tpu.enqueue_indirect_dma source(%dma_start3A_402 : memref<10000x16xf32, #tpu.memory_space<vmem_shared>>) target(%dma_start3A_396 : memref<80x16xf32, #tpu.memory_space<vmem>>) offsets(%dma_start3A_399 : memref<80xi32, #tpu.memory_space<vmem>>) semaphore(%dma_start3A_404 : memref<!tpu.dma_semaphore, #tpu.memory_space<semaphore_mem>>)
      %rem3A_405 = arith.constant 6 : i32
      %rem3A_406 = arith.remsi %scan3A_376, %rem3A_405 : i32
      %dma_wait3A_407 = arith.constant 0 : i32
      %dma_wait3A_408 = arith.constant 0 : i32
      %dma_wait3A_409 = tpu.memref_slice %arg8[%rem3A_406, %dma_wait3A_407, %dma_wait3A_408] : memref<6x80x16xf32, #tpu.memory_space<vmem>> -> memref<1x80x16xf32, #tpu.memory_space<vmem>>
      %dma_wait3A_410 = tpu.memref_squeeze %dma_wait3A_409 : memref<1x80x16xf32, #tpu.memory_space<vmem>> -> memref<80x16xf32, #tpu.memory_space<vmem>>
      %dma_wait3A_411 = arith.constant 0 : i32
      %dma_wait3A_412 = tpu.memref_slice %arg6[%scan3A_376, %dma_wait3A_411] : memref<125x80xi32, #tpu.memory_space<vmem>> -> memref<1x80xi32, #tpu.memory_space<vmem>>
      %dma_wait3A_413 = tpu.memref_squeeze %dma_wait3A_412 : memref<1x80xi32, #tpu.memory_space<vmem>> -> memref<80xi32, #tpu.memory_space<vmem>>
      %dma_wait3A_414 = arith.constant 0 : i32
      %dma_wait3A_415 = arith.constant 0 : i32
      %dma_wait3A_416 = tpu.memref_slice %arg13[%dma_wait3A_414, %dma_wait3A_415] : memref<10000x16xf32, #tpu.memory_space<vmem_shared>> -> memref<10000x16xf32, #tpu.memory_space<vmem_shared>>
      %dma_wait3A_417 = tpu.memref_slice %arg15[%rem3A_406] : memref<6x!tpu.dma_semaphore, #tpu.memory_space<semaphore_mem>> -> memref<1x!tpu.dma_semaphore, #tpu.memory_space<semaphore_mem>>
      %dma_wait3A_418 = tpu.memref_squeeze %dma_wait3A_417 : memref<1x!tpu.dma_semaphore, #tpu.memory_space<semaphore_mem>> -> memref<!tpu.dma_semaphore, #tpu.memory_space<semaphore_mem>>
      tpu.wait_indirect_dma semaphore(%dma_wait3A_418 : memref<!tpu.dma_semaphore, #tpu.memory_space<semaphore_mem>>) src(%dma_wait3A_416 : memref<10000x16xf32, #tpu.memory_space<vmem_shared>>) dst(%dma_wait3A_410 : memref<80x16xf32, #tpu.memory_space<vmem>>)
      %dma_start3A_419 = arith.constant 0 : i32
      %dma_start3A_420 = arith.constant 0 : i32
      %dma_start3A_421 = tpu.memref_slice %arg8[%rem3A_406, %dma_start3A_419, %dma_start3A_420] : memref<6x80x16xf32, #tpu.memory_space<vmem>> -> memref<1x80x16xf32, #tpu.memory_space<vmem>>
      %dma_start3A_422 = tpu.memref_squeeze %dma_start3A_421 : memref<1x80x16xf32, #tpu.memory_space<vmem>> -> memref<80x16xf32, #tpu.memory_space<vmem>>
      %dma_start3A_423 = arith.constant 0 : i32
      %dma_start3A_424 = tpu.memref_slice %arg7[%scan3A_376, %dma_start3A_423] : memref<125x80xi32, #tpu.memory_space<vmem>> -> memref<1x80xi32, #tpu.memory_space<vmem>>
      %dma_start3A_425 = tpu.memref_squeeze %dma_start3A_424 : memref<1x80xi32, #tpu.memory_space<vmem>> -> memref<80xi32, #tpu.memory_space<vmem>>
      %dma_start3A_426 = arith.constant 0 : i32
      %dma_start3A_427 = arith.constant 0 : i32
      %dma_start3A_428 = tpu.memref_slice %arg14[%dma_start3A_426, %dma_start3A_427] : memref<10000x16xf32, #tpu.memory_space<vmem_shared>> -> memref<10000x16xf32, #tpu.memory_space<vmem_shared>>
      %dma_start3A_429 = tpu.memref_slice %arg16[%rem3A_406] : memref<6x!tpu.dma_semaphore, #tpu.memory_space<semaphore_mem>> -> memref<1x!tpu.dma_semaphore, #tpu.memory_space<semaphore_mem>>
      %dma_start3A_430 = tpu.memref_squeeze %dma_start3A_429 : memref<1x!tpu.dma_semaphore, #tpu.memory_space<semaphore_mem>> -> memref<!tpu.dma_semaphore, #tpu.memory_space<semaphore_mem>>
      tpu.enqueue_indirect_dma source(%dma_start3A_422 : memref<80x16xf32, #tpu.memory_space<vmem>>) target(%dma_start3A_428 : memref<10000x16xf32, #tpu.memory_space<vmem_shared>>) offsets(%dma_start3A_425 : memref<80xi32, #tpu.memory_space<vmem>>) semaphore(%dma_start3A_430 : memref<!tpu.dma_semaphore, #tpu.memory_space<semaphore_mem>>) {add = true}
    }
    %scan3A_192 = arith.constant 119 : i32
    %dma_wait3A_193 = arith.constant 122 : i32
    %dma_wait3A_194 = arith.constant 2 : i32
    %dma_wait3A_195 = arith.constant 2 : i32
    %dma_wait3A_196 = arith.constant 0 : i32
    %dma_wait3A_197 = arith.constant 0 : i32
    %dma_wait3A_198 = tpu.memref_slice %arg8[%dma_wait3A_194, %dma_wait3A_196, %dma_wait3A_197] : memref<6x80x16xf32, #tpu.memory_space<vmem>> -> memref<1x80x16xf32, #tpu.memory_space<vmem>>
    %dma_wait3A_199 = tpu.memref_squeeze %dma_wait3A_198 : memref<1x80x16xf32, #tpu.memory_space<vmem>> -> memref<80x16xf32, #tpu.memory_space<vmem>>
    %dma_wait3A_200 = arith.constant 0 : i32
    %dma_wait3A_201 = tpu.memref_slice %arg6[%dma_wait3A_193, %dma_wait3A_200] : memref<125x80xi32, #tpu.memory_space<vmem>> -> memref<1x80xi32, #tpu.memory_space<vmem>>
    %dma_wait3A_202 = tpu.memref_squeeze %dma_wait3A_201 : memref<1x80xi32, #tpu.memory_space<vmem>> -> memref<80xi32, #tpu.memory_space<vmem>>
    %dma_wait3A_203 = arith.constant 0 : i32
    %dma_wait3A_204 = arith.constant 0 : i32
    %dma_wait3A_205 = tpu.memref_slice %arg13[%dma_wait3A_203, %dma_wait3A_204] : memref<10000x16xf32, #tpu.memory_space<vmem_shared>> -> memref<10000x16xf32, #tpu.memory_space<vmem_shared>>
    %dma_wait3A_206 = tpu.memref_slice %arg15[%dma_wait3A_195] : memref<6x!tpu.dma_semaphore, #tpu.memory_space<semaphore_mem>> -> memref<1x!tpu.dma_semaphore, #tpu.memory_space<semaphore_mem>>
    %dma_wait3A_207 = tpu.memref_squeeze %dma_wait3A_206 : memref<1x!tpu.dma_semaphore, #tpu.memory_space<semaphore_mem>> -> memref<!tpu.dma_semaphore, #tpu.memory_space<semaphore_mem>>
    tpu.wait_indirect_dma semaphore(%dma_wait3A_207 : memref<!tpu.dma_semaphore, #tpu.memory_space<semaphore_mem>>) src(%dma_wait3A_205 : memref<10000x16xf32, #tpu.memory_space<vmem_shared>>) dst(%dma_wait3A_199 : memref<80x16xf32, #tpu.memory_space<vmem>>)
    %dma_start3A_208 = arith.constant 2 : i32
    %dma_start3A_209 = arith.constant 122 : i32
    %dma_start3A_210 = arith.constant 2 : i32
    %dma_start3A_211 = arith.constant 0 : i32
    %dma_start3A_212 = arith.constant 0 : i32
    %dma_start3A_213 = tpu.memref_slice %arg8[%dma_start3A_208, %dma_start3A_211, %dma_start3A_212] : memref<6x80x16xf32, #tpu.memory_space<vmem>> -> memref<1x80x16xf32, #tpu.memory_space<vmem>>
    %dma_start3A_214 = tpu.memref_squeeze %dma_start3A_213 : memref<1x80x16xf32, #tpu.memory_space<vmem>> -> memref<80x16xf32, #tpu.memory_space<vmem>>
    %dma_start3A_215 = arith.constant 0 : i32
    %dma_start3A_216 = tpu.memref_slice %arg7[%dma_start3A_209, %dma_start3A_215] : memref<125x80xi32, #tpu.memory_space<vmem>> -> memref<1x80xi32, #tpu.memory_space<vmem>>
    %dma_start3A_217 = tpu.memref_squeeze %dma_start3A_216 : memref<1x80xi32, #tpu.memory_space<vmem>> -> memref<80xi32, #tpu.memory_space<vmem>>
    %dma_start3A_218 = arith.constant 0 : i32
    %dma_start3A_219 = arith.constant 0 : i32
    %dma_start3A_220 = tpu.memref_slice %arg14[%dma_start3A_218, %dma_start3A_219] : memref<10000x16xf32, #tpu.memory_space<vmem_shared>> -> memref<10000x16xf32, #tpu.memory_space<vmem_shared>>
    %dma_start3A_221 = tpu.memref_slice %arg16[%dma_start3A_210] : memref<6x!tpu.dma_semaphore, #tpu.memory_space<semaphore_mem>> -> memref<1x!tpu.dma_semaphore, #tpu.memory_space<semaphore_mem>>
    %dma_start3A_222 = tpu.memref_squeeze %dma_start3A_221 : memref<1x!tpu.dma_semaphore, #tpu.memory_space<semaphore_mem>> -> memref<!tpu.dma_semaphore, #tpu.memory_space<semaphore_mem>>
    tpu.enqueue_indirect_dma source(%dma_start3A_214 : memref<80x16xf32, #tpu.memory_space<vmem>>) target(%dma_start3A_220 : memref<10000x16xf32, #tpu.memory_space<vmem_shared>>) offsets(%dma_start3A_217 : memref<80xi32, #tpu.memory_space<vmem>>) semaphore(%dma_start3A_222 : memref<!tpu.dma_semaphore, #tpu.memory_space<semaphore_mem>>) {add = true}
    %dma_wait3A_223 = arith.constant 123 : i32
    %dma_wait3A_224 = arith.constant 3 : i32
    %dma_wait3A_225 = arith.constant 3 : i32
    %dma_wait3A_226 = arith.constant 0 : i32
    %dma_wait3A_227 = arith.constant 0 : i32
    %dma_wait3A_228 = tpu.memref_slice %arg8[%dma_wait3A_224, %dma_wait3A_226, %dma_wait3A_227] : memref<6x80x16xf32, #tpu.memory_space<vmem>> -> memref<1x80x16xf32, #tpu.memory_space<vmem>>
    %dma_wait3A_229 = tpu.memref_squeeze %dma_wait3A_228 : memref<1x80x16xf32, #tpu.memory_space<vmem>> -> memref<80x16xf32, #tpu.memory_space<vmem>>
    %dma_wait3A_230 = arith.constant 0 : i32
    %dma_wait3A_231 = tpu.memref_slice %arg6[%dma_wait3A_223, %dma_wait3A_230] : memref<125x80xi32, #tpu.memory_space<vmem>> -> memref<1x80xi32, #tpu.memory_space<vmem>>
    %dma_wait3A_232 = tpu.memref_squeeze %dma_wait3A_231 : memref<1x80xi32, #tpu.memory_space<vmem>> -> memref<80xi32, #tpu.memory_space<vmem>>
    %dma_wait3A_233 = arith.constant 0 : i32
    %dma_wait3A_234 = arith.constant 0 : i32
    %dma_wait3A_235 = tpu.memref_slice %arg13[%dma_wait3A_233, %dma_wait3A_234] : memref<10000x16xf32, #tpu.memory_space<vmem_shared>> -> memref<10000x16xf32, #tpu.memory_space<vmem_shared>>
    %dma_wait3A_236 = tpu.memref_slice %arg15[%dma_wait3A_225] : memref<6x!tpu.dma_semaphore, #tpu.memory_space<semaphore_mem>> -> memref<1x!tpu.dma_semaphore, #tpu.memory_space<semaphore_mem>>
    %dma_wait3A_237 = tpu.memref_squeeze %dma_wait3A_236 : memref<1x!tpu.dma_semaphore, #tpu.memory_space<semaphore_mem>> -> memref<!tpu.dma_semaphore, #tpu.memory_space<semaphore_mem>>
    tpu.wait_indirect_dma semaphore(%dma_wait3A_237 : memref<!tpu.dma_semaphore, #tpu.memory_space<semaphore_mem>>) src(%dma_wait3A_235 : memref<10000x16xf32, #tpu.memory_space<vmem_shared>>) dst(%dma_wait3A_229 : memref<80x16xf32, #tpu.memory_space<vmem>>)
    %dma_start3A_238 = arith.constant 3 : i32
    %dma_start3A_239 = arith.constant 123 : i32
    %dma_start3A_240 = arith.constant 3 : i32
    %dma_start3A_241 = arith.constant 0 : i32
    %dma_start3A_242 = arith.constant 0 : i32
    %dma_start3A_243 = tpu.memref_slice %arg8[%dma_start3A_238, %dma_start3A_241, %dma_start3A_242] : memref<6x80x16xf32, #tpu.memory_space<vmem>> -> memref<1x80x16xf32, #tpu.memory_space<vmem>>
    %dma_start3A_244 = tpu.memref_squeeze %dma_start3A_243 : memref<1x80x16xf32, #tpu.memory_space<vmem>> -> memref<80x16xf32, #tpu.memory_space<vmem>>
    %dma_start3A_245 = arith.constant 0 : i32
    %dma_start3A_246 = tpu.memref_slice %arg7[%dma_start3A_239, %dma_start3A_245] : memref<125x80xi32, #tpu.memory_space<vmem>> -> memref<1x80xi32, #tpu.memory_space<vmem>>
    %dma_start3A_247 = tpu.memref_squeeze %dma_start3A_246 : memref<1x80xi32, #tpu.memory_space<vmem>> -> memref<80xi32, #tpu.memory_space<vmem>>
    %dma_start3A_248 = arith.constant 0 : i32
    %dma_start3A_249 = arith.constant 0 : i32
    %dma_start3A_250 = tpu.memref_slice %arg14[%dma_start3A_248, %dma_start3A_249] : memref<10000x16xf32, #tpu.memory_space<vmem_shared>> -> memref<10000x16xf32, #tpu.memory_space<vmem_shared>>
    %dma_start3A_251 = tpu.memref_slice %arg16[%dma_start3A_240] : memref<6x!tpu.dma_semaphore, #tpu.memory_space<semaphore_mem>> -> memref<1x!tpu.dma_semaphore, #tpu.memory_space<semaphore_mem>>
    %dma_start3A_252 = tpu.memref_squeeze %dma_start3A_251 : memref<1x!tpu.dma_semaphore, #tpu.memory_space<semaphore_mem>> -> memref<!tpu.dma_semaphore, #tpu.memory_space<semaphore_mem>>
    tpu.enqueue_indirect_dma source(%dma_start3A_244 : memref<80x16xf32, #tpu.memory_space<vmem>>) target(%dma_start3A_250 : memref<10000x16xf32, #tpu.memory_space<vmem_shared>>) offsets(%dma_start3A_247 : memref<80xi32, #tpu.memory_space<vmem>>) semaphore(%dma_start3A_252 : memref<!tpu.dma_semaphore, #tpu.memory_space<semaphore_mem>>) {add = true}
    %dma_wait3A_253 = arith.constant 124 : i32
    %dma_wait3A_254 = arith.constant 4 : i32
    %dma_wait3A_255 = arith.constant 4 : i32
    %dma_wait3A_256 = arith.constant 0 : i32
    %dma_wait3A_257 = arith.constant 0 : i32
    %dma_wait3A_258 = tpu.memref_slice %arg8[%dma_wait3A_254, %dma_wait3A_256, %dma_wait3A_257] : memref<6x80x16xf32, #tpu.memory_space<vmem>> -> memref<1x80x16xf32, #tpu.memory_space<vmem>>
    %dma_wait3A_259 = tpu.memref_squeeze %dma_wait3A_258 : memref<1x80x16xf32, #tpu.memory_space<vmem>> -> memref<80x16xf32, #tpu.memory_space<vmem>>
    %dma_wait3A_260 = arith.constant 0 : i32
    %dma_wait3A_261 = tpu.memref_slice %arg6[%dma_wait3A_253, %dma_wait3A_260] : memref<125x80xi32, #tpu.memory_space<vmem>> -> memref<1x80xi32, #tpu.memory_space<vmem>>
    %dma_wait3A_262 = tpu.memref_squeeze %dma_wait3A_261 : memref<1x80xi32, #tpu.memory_space<vmem>> -> memref<80xi32, #tpu.memory_space<vmem>>
    %dma_wait3A_263 = arith.constant 0 : i32
    %dma_wait3A_264 = arith.constant 0 : i32
    %dma_wait3A_265 = tpu.memref_slice %arg13[%dma_wait3A_263, %dma_wait3A_264] : memref<10000x16xf32, #tpu.memory_space<vmem_shared>> -> memref<10000x16xf32, #tpu.memory_space<vmem_shared>>
    %dma_wait3A_266 = tpu.memref_slice %arg15[%dma_wait3A_255] : memref<6x!tpu.dma_semaphore, #tpu.memory_space<semaphore_mem>> -> memref<1x!tpu.dma_semaphore, #tpu.memory_space<semaphore_mem>>
    %dma_wait3A_267 = tpu.memref_squeeze %dma_wait3A_266 : memref<1x!tpu.dma_semaphore, #tpu.memory_space<semaphore_mem>> -> memref<!tpu.dma_semaphore, #tpu.memory_space<semaphore_mem>>
    tpu.wait_indirect_dma semaphore(%dma_wait3A_267 : memref<!tpu.dma_semaphore, #tpu.memory_space<semaphore_mem>>) src(%dma_wait3A_265 : memref<10000x16xf32, #tpu.memory_space<vmem_shared>>) dst(%dma_wait3A_259 : memref<80x16xf32, #tpu.memory_space<vmem>>)
    %dma_start3A_268 = arith.constant 4 : i32
    %dma_start3A_269 = arith.constant 124 : i32
    %dma_start3A_270 = arith.constant 4 : i32
    %dma_start3A_271 = arith.constant 0 : i32
    %dma_start3A_272 = arith.constant 0 : i32
    %dma_start3A_273 = tpu.memref_slice %arg8[%dma_start3A_268, %dma_start3A_271, %dma_start3A_272] : memref<6x80x16xf32, #tpu.memory_space<vmem>> -> memref<1x80x16xf32, #tpu.memory_space<vmem>>
    %dma_start3A_274 = tpu.memref_squeeze %dma_start3A_273 : memref<1x80x16xf32, #tpu.memory_space<vmem>> -> memref<80x16xf32, #tpu.memory_space<vmem>>
    %dma_start3A_275 = arith.constant 0 : i32
    %dma_start3A_276 = tpu.memref_slice %arg7[%dma_start3A_269, %dma_start3A_275] : memref<125x80xi32, #tpu.memory_space<vmem>> -> memref<1x80xi32, #tpu.memory_space<vmem>>
    %dma_start3A_277 = tpu.memref_squeeze %dma_start3A_276 : memref<1x80xi32, #tpu.memory_space<vmem>> -> memref<80xi32, #tpu.memory_space<vmem>>
    %dma_start3A_278 = arith.constant 0 : i32
    %dma_start3A_279 = arith.constant 0 : i32
    %dma_start3A_280 = tpu.memref_slice %arg14[%dma_start3A_278, %dma_start3A_279] : memref<10000x16xf32, #tpu.memory_space<vmem_shared>> -> memref<10000x16xf32, #tpu.memory_space<vmem_shared>>
    %dma_start3A_281 = tpu.memref_slice %arg16[%dma_start3A_270] : memref<6x!tpu.dma_semaphore, #tpu.memory_space<semaphore_mem>> -> memref<1x!tpu.dma_semaphore, #tpu.memory_space<semaphore_mem>>
    %dma_start3A_282 = tpu.memref_squeeze %dma_start3A_281 : memref<1x!tpu.dma_semaphore, #tpu.memory_space<semaphore_mem>> -> memref<!tpu.dma_semaphore, #tpu.memory_space<semaphore_mem>>
    tpu.enqueue_indirect_dma source(%dma_start3A_274 : memref<80x16xf32, #tpu.memory_space<vmem>>) target(%dma_start3A_280 : memref<10000x16xf32, #tpu.memory_space<vmem_shared>>) offsets(%dma_start3A_277 : memref<80xi32, #tpu.memory_space<vmem>>) semaphore(%dma_start3A_282 : memref<!tpu.dma_semaphore, #tpu.memory_space<semaphore_mem>>) {add = true}
    %dma_wait3A_283 = arith.constant 5 : i32
    %dma_wait3A_284 = arith.constant 119 : i32
    %dma_wait3A_285 = arith.constant 5 : i32
    %dma_wait3A_286 = arith.constant 0 : i32
    %dma_wait3A_287 = arith.constant 0 : i32
    %dma_wait3A_288 = tpu.memref_slice %arg8[%dma_wait3A_283, %dma_wait3A_286, %dma_wait3A_287] : memref<6x80x16xf32, #tpu.memory_space<vmem>> -> memref<1x80x16xf32, #tpu.memory_space<vmem>>
    %dma_wait3A_289 = tpu.memref_squeeze %dma_wait3A_288 : memref<1x80x16xf32, #tpu.memory_space<vmem>> -> memref<80x16xf32, #tpu.memory_space<vmem>>
    %dma_wait3A_290 = arith.constant 0 : i32
    %dma_wait3A_291 = tpu.memref_slice %arg7[%dma_wait3A_284, %dma_wait3A_290] : memref<125x80xi32, #tpu.memory_space<vmem>> -> memref<1x80xi32, #tpu.memory_space<vmem>>
    %dma_wait3A_292 = tpu.memref_squeeze %dma_wait3A_291 : memref<1x80xi32, #tpu.memory_space<vmem>> -> memref<80xi32, #tpu.memory_space<vmem>>
    %dma_wait3A_293 = arith.constant 0 : i32
    %dma_wait3A_294 = arith.constant 0 : i32
    %dma_wait3A_295 = tpu.memref_slice %arg14[%dma_wait3A_293, %dma_wait3A_294] : memref<10000x16xf32, #tpu.memory_space<vmem_shared>> -> memref<10000x16xf32, #tpu.memory_space<vmem_shared>>
    %dma_wait3A_296 = tpu.memref_slice %arg16[%dma_wait3A_285] : memref<6x!tpu.dma_semaphore, #tpu.memory_space<semaphore_mem>> -> memref<1x!tpu.dma_semaphore, #tpu.memory_space<semaphore_mem>>
    %dma_wait3A_297 = tpu.memref_squeeze %dma_wait3A_296 : memref<1x!tpu.dma_semaphore, #tpu.memory_space<semaphore_mem>> -> memref<!tpu.dma_semaphore, #tpu.memory_space<semaphore_mem>>
    tpu.wait_indirect_dma semaphore(%dma_wait3A_297 : memref<!tpu.dma_semaphore, #tpu.memory_space<semaphore_mem>>) src(%dma_wait3A_289 : memref<80x16xf32, #tpu.memory_space<vmem>>) dst(%dma_wait3A_295 : memref<10000x16xf32, #tpu.memory_space<vmem_shared>>)
    %dma_wait3A_298 = arith.constant 0 : i32
    %dma_wait3A_299 = arith.constant 120 : i32
    %dma_wait3A_300 = arith.constant 0 : i32
    %dma_wait3A_301 = arith.constant 0 : i32
    %dma_wait3A_302 = arith.constant 0 : i32
    %dma_wait3A_303 = tpu.memref_slice %arg8[%dma_wait3A_298, %dma_wait3A_301, %dma_wait3A_302] : memref<6x80x16xf32, #tpu.memory_space<vmem>> -> memref<1x80x16xf32, #tpu.memory_space<vmem>>
    %dma_wait3A_304 = tpu.memref_squeeze %dma_wait3A_303 : memref<1x80x16xf32, #tpu.memory_space<vmem>> -> memref<80x16xf32, #tpu.memory_space<vmem>>
    %dma_wait3A_305 = arith.constant 0 : i32
    %dma_wait3A_306 = tpu.memref_slice %arg7[%dma_wait3A_299, %dma_wait3A_305] : memref<125x80xi32, #tpu.memory_space<vmem>> -> memref<1x80xi32, #tpu.memory_space<vmem>>
    %dma_wait3A_307 = tpu.memref_squeeze %dma_wait3A_306 : memref<1x80xi32, #tpu.memory_space<vmem>> -> memref<80xi32, #tpu.memory_space<vmem>>
    %dma_wait3A_308 = arith.constant 0 : i32
    %dma_wait3A_309 = arith.constant 0 : i32
    %dma_wait3A_310 = tpu.memref_slice %arg14[%dma_wait3A_308, %dma_wait3A_309] : memref<10000x16xf32, #tpu.memory_space<vmem_shared>> -> memref<10000x16xf32, #tpu.memory_space<vmem_shared>>
    %dma_wait3A_311 = tpu.memref_slice %arg16[%dma_wait3A_300] : memref<6x!tpu.dma_semaphore, #tpu.memory_space<semaphore_mem>> -> memref<1x!tpu.dma_semaphore, #tpu.memory_space<semaphore_mem>>
    %dma_wait3A_312 = tpu.memref_squeeze %dma_wait3A_311 : memref<1x!tpu.dma_semaphore, #tpu.memory_space<semaphore_mem>> -> memref<!tpu.dma_semaphore, #tpu.memory_space<semaphore_mem>>
    tpu.wait_indirect_dma semaphore(%dma_wait3A_312 : memref<!tpu.dma_semaphore, #tpu.memory_space<semaphore_mem>>) src(%dma_wait3A_304 : memref<80x16xf32, #tpu.memory_space<vmem>>) dst(%dma_wait3A_310 : memref<10000x16xf32, #tpu.memory_space<vmem_shared>>)
    %dma_wait3A_313 = arith.constant 1 : i32
    %dma_wait3A_314 = arith.constant 121 : i32
    %dma_wait3A_315 = arith.constant 1 : i32
    %dma_wait3A_316 = arith.constant 0 : i32
    %dma_wait3A_317 = arith.constant 0 : i32
    %dma_wait3A_318 = tpu.memref_slice %arg8[%dma_wait3A_313, %dma_wait3A_316, %dma_wait3A_317] : memref<6x80x16xf32, #tpu.memory_space<vmem>> -> memref<1x80x16xf32, #tpu.memory_space<vmem>>
    %dma_wait3A_319 = tpu.memref_squeeze %dma_wait3A_318 : memref<1x80x16xf32, #tpu.memory_space<vmem>> -> memref<80x16xf32, #tpu.memory_space<vmem>>
    %dma_wait3A_320 = arith.constant 0 : i32
    %dma_wait3A_321 = tpu.memref_slice %arg7[%dma_wait3A_314, %dma_wait3A_320] : memref<125x80xi32, #tpu.memory_space<vmem>> -> memref<1x80xi32, #tpu.memory_space<vmem>>
    %dma_wait3A_322 = tpu.memref_squeeze %dma_wait3A_321 : memref<1x80xi32, #tpu.memory_space<vmem>> -> memref<80xi32, #tpu.memory_space<vmem>>
    %dma_wait3A_323 = arith.constant 0 : i32
    %dma_wait3A_324 = arith.constant 0 : i32
    %dma_wait3A_325 = tpu.memref_slice %arg14[%dma_wait3A_323, %dma_wait3A_324] : memref<10000x16xf32, #tpu.memory_space<vmem_shared>> -> memref<10000x16xf32, #tpu.memory_space<vmem_shared>>
    %dma_wait3A_326 = tpu.memref_slice %arg16[%dma_wait3A_315] : memref<6x!tpu.dma_semaphore, #tpu.memory_space<semaphore_mem>> -> memref<1x!tpu.dma_semaphore, #tpu.memory_space<semaphore_mem>>
    %dma_wait3A_327 = tpu.memref_squeeze %dma_wait3A_326 : memref<1x!tpu.dma_semaphore, #tpu.memory_space<semaphore_mem>> -> memref<!tpu.dma_semaphore, #tpu.memory_space<semaphore_mem>>
    tpu.wait_indirect_dma semaphore(%dma_wait3A_327 : memref<!tpu.dma_semaphore, #tpu.memory_space<semaphore_mem>>) src(%dma_wait3A_319 : memref<80x16xf32, #tpu.memory_space<vmem>>) dst(%dma_wait3A_325 : memref<10000x16xf32, #tpu.memory_space<vmem_shared>>)
    %dma_wait3A_328 = arith.constant 2 : i32
    %dma_wait3A_329 = arith.constant 122 : i32
    %dma_wait3A_330 = arith.constant 2 : i32
    %dma_wait3A_331 = arith.constant 0 : i32
    %dma_wait3A_332 = arith.constant 0 : i32
    %dma_wait3A_333 = tpu.memref_slice %arg8[%dma_wait3A_328, %dma_wait3A_331, %dma_wait3A_332] : memref<6x80x16xf32, #tpu.memory_space<vmem>> -> memref<1x80x16xf32, #tpu.memory_space<vmem>>
    %dma_wait3A_334 = tpu.memref_squeeze %dma_wait3A_333 : memref<1x80x16xf32, #tpu.memory_space<vmem>> -> memref<80x16xf32, #tpu.memory_space<vmem>>
    %dma_wait3A_335 = arith.constant 0 : i32
    %dma_wait3A_336 = tpu.memref_slice %arg7[%dma_wait3A_329, %dma_wait3A_335] : memref<125x80xi32, #tpu.memory_space<vmem>> -> memref<1x80xi32, #tpu.memory_space<vmem>>
    %dma_wait3A_337 = tpu.memref_squeeze %dma_wait3A_336 : memref<1x80xi32, #tpu.memory_space<vmem>> -> memref<80xi32, #tpu.memory_space<vmem>>
    %dma_wait3A_338 = arith.constant 0 : i32
    %dma_wait3A_339 = arith.constant 0 : i32
    %dma_wait3A_340 = tpu.memref_slice %arg14[%dma_wait3A_338, %dma_wait3A_339] : memref<10000x16xf32, #tpu.memory_space<vmem_shared>> -> memref<10000x16xf32, #tpu.memory_space<vmem_shared>>
    %dma_wait3A_341 = tpu.memref_slice %arg16[%dma_wait3A_330] : memref<6x!tpu.dma_semaphore, #tpu.memory_space<semaphore_mem>> -> memref<1x!tpu.dma_semaphore, #tpu.memory_space<semaphore_mem>>
    %dma_wait3A_342 = tpu.memref_squeeze %dma_wait3A_341 : memref<1x!tpu.dma_semaphore, #tpu.memory_space<semaphore_mem>> -> memref<!tpu.dma_semaphore, #tpu.memory_space<semaphore_mem>>
    tpu.wait_indirect_dma semaphore(%dma_wait3A_342 : memref<!tpu.dma_semaphore, #tpu.memory_space<semaphore_mem>>) src(%dma_wait3A_334 : memref<80x16xf32, #tpu.memory_space<vmem>>) dst(%dma_wait3A_340 : memref<10000x16xf32, #tpu.memory_space<vmem_shared>>)
    %dma_wait3A_343 = arith.constant 3 : i32
    %dma_wait3A_344 = arith.constant 123 : i32
    %dma_wait3A_345 = arith.constant 3 : i32
    %dma_wait3A_346 = arith.constant 0 : i32
    %dma_wait3A_347 = arith.constant 0 : i32
    %dma_wait3A_348 = tpu.memref_slice %arg8[%dma_wait3A_343, %dma_wait3A_346, %dma_wait3A_347] : memref<6x80x16xf32, #tpu.memory_space<vmem>> -> memref<1x80x16xf32, #tpu.memory_space<vmem>>
    %dma_wait3A_349 = tpu.memref_squeeze %dma_wait3A_348 : memref<1x80x16xf32, #tpu.memory_space<vmem>> -> memref<80x16xf32, #tpu.memory_space<vmem>>
    %dma_wait3A_350 = arith.constant 0 : i32
    %dma_wait3A_351 = tpu.memref_slice %arg7[%dma_wait3A_344, %dma_wait3A_350] : memref<125x80xi32, #tpu.memory_space<vmem>> -> memref<1x80xi32, #tpu.memory_space<vmem>>
    %dma_wait3A_352 = tpu.memref_squeeze %dma_wait3A_351 : memref<1x80xi32, #tpu.memory_space<vmem>> -> memref<80xi32, #tpu.memory_space<vmem>>
    %dma_wait3A_353 = arith.constant 0 : i32
    %dma_wait3A_354 = arith.constant 0 : i32
    %dma_wait3A_355 = tpu.memref_slice %arg14[%dma_wait3A_353, %dma_wait3A_354] : memref<10000x16xf32, #tpu.memory_space<vmem_shared>> -> memref<10000x16xf32, #tpu.memory_space<vmem_shared>>
    %dma_wait3A_356 = tpu.memref_slice %arg16[%dma_wait3A_345] : memref<6x!tpu.dma_semaphore, #tpu.memory_space<semaphore_mem>> -> memref<1x!tpu.dma_semaphore, #tpu.memory_space<semaphore_mem>>
    %dma_wait3A_357 = tpu.memref_squeeze %dma_wait3A_356 : memref<1x!tpu.dma_semaphore, #tpu.memory_space<semaphore_mem>> -> memref<!tpu.dma_semaphore, #tpu.memory_space<semaphore_mem>>
    tpu.wait_indirect_dma semaphore(%dma_wait3A_357 : memref<!tpu.dma_semaphore, #tpu.memory_space<semaphore_mem>>) src(%dma_wait3A_349 : memref<80x16xf32, #tpu.memory_space<vmem>>) dst(%dma_wait3A_355 : memref<10000x16xf32, #tpu.memory_space<vmem_shared>>)
    %dma_wait3A_358 = arith.constant 4 : i32
    %dma_wait3A_359 = arith.constant 124 : i32
    %dma_wait3A_360 = arith.constant 4 : i32
    %dma_wait3A_361 = arith.constant 0 : i32
    %dma_wait3A_362 = arith.constant 0 : i32
    %dma_wait3A_363 = tpu.memref_slice %arg8[%dma_wait3A_358, %dma_wait3A_361, %dma_wait3A_362] : memref<6x80x16xf32, #tpu.memory_space<vmem>> -> memref<1x80x16xf32, #tpu.memory_space<vmem>>
    %dma_wait3A_364 = tpu.memref_squeeze %dma_wait3A_363 : memref<1x80x16xf32, #tpu.memory_space<vmem>> -> memref<80x16xf32, #tpu.memory_space<vmem>>
    %dma_wait3A_365 = arith.constant 0 : i32
    %dma_wait3A_366 = tpu.memref_slice %arg7[%dma_wait3A_359, %dma_wait3A_365] : memref<125x80xi32, #tpu.memory_space<vmem>> -> memref<1x80xi32, #tpu.memory_space<vmem>>
    %dma_wait3A_367 = tpu.memref_squeeze %dma_wait3A_366 : memref<1x80xi32, #tpu.memory_space<vmem>> -> memref<80xi32, #tpu.memory_space<vmem>>
    %dma_wait3A_368 = arith.constant 0 : i32
    %dma_wait3A_369 = arith.constant 0 : i32
    %dma_wait3A_370 = tpu.memref_slice %arg14[%dma_wait3A_368, %dma_wait3A_369] : memref<10000x16xf32, #tpu.memory_space<vmem_shared>> -> memref<10000x16xf32, #tpu.memory_space<vmem_shared>>
    %dma_wait3A_371 = tpu.memref_slice %arg16[%dma_wait3A_360] : memref<6x!tpu.dma_semaphore, #tpu.memory_space<semaphore_mem>> -> memref<1x!tpu.dma_semaphore, #tpu.memory_space<semaphore_mem>>
    %dma_wait3A_372 = tpu.memref_squeeze %dma_wait3A_371 : memref<1x!tpu.dma_semaphore, #tpu.memory_space<semaphore_mem>> -> memref<!tpu.dma_semaphore, #tpu.memory_space<semaphore_mem>>
    tpu.wait_indirect_dma semaphore(%dma_wait3A_372 : memref<!tpu.dma_semaphore, #tpu.memory_space<semaphore_mem>>) src(%dma_wait3A_364 : memref<80x16xf32, #tpu.memory_space<vmem>>) dst(%dma_wait3A_370 : memref<10000x16xf32, #tpu.memory_space<vmem_shared>>)
    %barrier3A_373 = arith.constant 0 : index
    tpu.barrier barrier_id(%barrier3A_373)
    %eq3A = arith.constant 0 : i32
    %eq3A_374 = arith.cmpi eq, %arg1, %eq3A : i32
    %convert_element_type3A = arith.extui %eq3A_374 : i1 to i32
    %cond3A = arith.constant 0 : i32
    %cond3A_375 = arith.cmpi ne, %convert_element_type3A, %cond3A : i32
    scf.if %cond3A_375 {
      %mul3A_376 = arith.constant 10000 : i32
      %mul3A_377 = arith.muli %arg0, %mul3A_376 : i32
      "tpu.region"() ({
        %run_scoped3A = tpu.sem_alloc : memref<!tpu.dma_semaphore, #tpu.memory_space<semaphore_mem>>
        %dma_start3A_378 = arith.constant 0 : i32
        %dma_start3A_379 = tpu.memref_slice %arg5[%mul3A_377, %dma_start3A_378] : memref<20000x16xf32, #tpu.memory_space<hbm>> -> memref<10000x16xf32, #tpu.memory_space<hbm>>
        tpu.enqueue_dma source(%arg14 : memref<10000x16xf32, #tpu.memory_space<vmem_shared>>) target(%dma_start3A_379 : memref<10000x16xf32, #tpu.memory_space<hbm>>) target_semaphore(%run_scoped3A : memref<!tpu.dma_semaphore, #tpu.memory_space<semaphore_mem>>)
        %dma_wait3A_380 = arith.constant 0 : i32
        %dma_wait3A_381 = tpu.memref_slice %arg5[%mul3A_377, %dma_wait3A_380] : memref<20000x16xf32, #tpu.memory_space<hbm>> -> memref<10000x16xf32, #tpu.memory_space<hbm>>
        tpu.wait_dma2 semaphore(%run_scoped3A : memref<!tpu.dma_semaphore, #tpu.memory_space<semaphore_mem>>) src(%arg14 : memref<10000x16xf32, #tpu.memory_space<vmem_shared>>) dst(%dma_wait3A_381 : memref<10000x16xf32, #tpu.memory_space<hbm>>)
        tpu.yield
      }) : () -> ()
    } else {
    }
    return
  }
}

#map = affine_map<(d0, d1) -> (0, 0)>
#map1 = affine_map<(d0, d1) -> (0)>
#map2 = affine_map<(d0, d1) -> (0, 0, 0)>
module attributes {stable_mosaic.version = 14 : i64} {
  func.func @agg_kernel(%arg0: i32, %arg1: i32, %arg2: memref<20000x16xf32, #tpu.memory_space<hbm>>, %arg3: memref<10000x32xf32, #tpu.memory_space<hbm>>, %arg4: memref<16xf32, #tpu.memory_space<hbm>>, %arg5: memref<32x125x80xi32, #tpu.memory_space<hbm>>, %arg6: memref<32x125x80xi32, #tpu.memory_space<hbm>>, %arg7: memref<20000x16xf32, #tpu.memory_space<hbm>>, %arg8: memref<125x80xi32, #tpu.memory_space<vmem>>, %arg9: memref<125x80xi32, #tpu.memory_space<vmem>>, %arg10: memref<6x80x16xf32, #tpu.memory_space<vmem>>, %arg11: memref<625x16xf32, #tpu.memory_space<vmem>>, %arg12: memref<625x16xf32, #tpu.memory_space<vmem>>, %arg13: memref<625x32xf32, #tpu.memory_space<vmem>>, %arg14: memref<16xf32, #tpu.memory_space<vmem>>, %arg15: memref<10000x16xf32, #tpu.memory_space<vmem_shared>>, %arg16: memref<10000x16xf32, #tpu.memory_space<vmem_shared>>, %arg17: memref<6x!tpu.dma_semaphore, #tpu.memory_space<semaphore_mem>>, %arg18: memref<6x!tpu.dma_semaphore, #tpu.memory_space<semaphore_mem>>) attributes {dimension_semantics = [#tpu.dimension_semantics<core_parallel>, #tpu.dimension_semantics<subcore_parallel>], iteration_bounds = array<i64: 2, 16>, scalar_prefetch = 0 : i64, scratch_operands = 11 : i64, tpu.core_type = #tpu.core_type<sc_vector_subcore>, window_params = [{transform_indices = #map}, {transform_indices = #map}, {transform_indices = #map1}, {transform_indices = #map2}, {transform_indices = #map2}, {transform_indices = #map}]} {
    %mul3A = arith.constant 2 : i32
    %mul3A_0 = arith.muli %arg1, %mul3A : i32
    %add3A = arith.addi %mul3A_0, %arg0 : i32
    "tpu.region"() ({
      %run_scoped3A = tpu.sem_alloc : memref<!tpu.dma_semaphore, #tpu.memory_space<semaphore_mem>>
      %dma_start3A_398 = arith.constant 0 : i32
      %dma_start3A_399 = arith.constant 0 : i32
      %dma_start3A_400 = tpu.memref_slice %arg5[%add3A, %dma_start3A_398, %dma_start3A_399] : memref<32x125x80xi32, #tpu.memory_space<hbm>> -> memref<1x125x80xi32, #tpu.memory_space<hbm>>
      %dma_start3A_401 = tpu.memref_squeeze %dma_start3A_400 : memref<1x125x80xi32, #tpu.memory_space<hbm>> -> memref<125x80xi32, #tpu.memory_space<hbm>>
      %dma_start3A_402 = arith.constant 0 : i32
      %dma_start3A_403 = arith.constant 0 : i32
      %dma_start3A_404 = tpu.memref_slice %arg5[%add3A, %dma_start3A_402, %dma_start3A_403] : memref<32x125x80xi32, #tpu.memory_space<hbm>> -> memref<1x125x80xi32, #tpu.memory_space<hbm>>
      %dma_start3A_405 = tpu.memref_squeeze %dma_start3A_404 : memref<1x125x80xi32, #tpu.memory_space<hbm>> -> memref<125x80xi32, #tpu.memory_space<hbm>>
      tpu.enqueue_dma source(%dma_start3A_405 : memref<125x80xi32, #tpu.memory_space<hbm>>) target(%arg8 : memref<125x80xi32, #tpu.memory_space<vmem>>) target_semaphore(%run_scoped3A : memref<!tpu.dma_semaphore, #tpu.memory_space<semaphore_mem>>)
      %dma_wait3A_406 = arith.constant 0 : i32
      %dma_wait3A_407 = arith.constant 0 : i32
      %dma_wait3A_408 = tpu.memref_slice %arg5[%add3A, %dma_wait3A_406, %dma_wait3A_407] : memref<32x125x80xi32, #tpu.memory_space<hbm>> -> memref<1x125x80xi32, #tpu.memory_space<hbm>>
      %dma_wait3A_409 = tpu.memref_squeeze %dma_wait3A_408 : memref<1x125x80xi32, #tpu.memory_space<hbm>> -> memref<125x80xi32, #tpu.memory_space<hbm>>
      %dma_wait3A_410 = arith.constant 0 : i32
      %dma_wait3A_411 = arith.constant 0 : i32
      %dma_wait3A_412 = tpu.memref_slice %arg5[%add3A, %dma_wait3A_410, %dma_wait3A_411] : memref<32x125x80xi32, #tpu.memory_space<hbm>> -> memref<1x125x80xi32, #tpu.memory_space<hbm>>
      %dma_wait3A_413 = tpu.memref_squeeze %dma_wait3A_412 : memref<1x125x80xi32, #tpu.memory_space<hbm>> -> memref<125x80xi32, #tpu.memory_space<hbm>>
      tpu.wait_dma2 semaphore(%run_scoped3A : memref<!tpu.dma_semaphore, #tpu.memory_space<semaphore_mem>>) src(%dma_wait3A_413 : memref<125x80xi32, #tpu.memory_space<hbm>>) dst(%arg8 : memref<125x80xi32, #tpu.memory_space<vmem>>)
      tpu.yield
    }) : () -> ()
    "tpu.region"() ({
      %run_scoped3A = tpu.sem_alloc : memref<!tpu.dma_semaphore, #tpu.memory_space<semaphore_mem>>
      %dma_start3A_398 = arith.constant 0 : i32
      %dma_start3A_399 = arith.constant 0 : i32
      %dma_start3A_400 = tpu.memref_slice %arg6[%add3A, %dma_start3A_398, %dma_start3A_399] : memref<32x125x80xi32, #tpu.memory_space<hbm>> -> memref<1x125x80xi32, #tpu.memory_space<hbm>>
      %dma_start3A_401 = tpu.memref_squeeze %dma_start3A_400 : memref<1x125x80xi32, #tpu.memory_space<hbm>> -> memref<125x80xi32, #tpu.memory_space<hbm>>
      %dma_start3A_402 = arith.constant 0 : i32
      %dma_start3A_403 = arith.constant 0 : i32
      %dma_start3A_404 = tpu.memref_slice %arg6[%add3A, %dma_start3A_402, %dma_start3A_403] : memref<32x125x80xi32, #tpu.memory_space<hbm>> -> memref<1x125x80xi32, #tpu.memory_space<hbm>>
      %dma_start3A_405 = tpu.memref_squeeze %dma_start3A_404 : memref<1x125x80xi32, #tpu.memory_space<hbm>> -> memref<125x80xi32, #tpu.memory_space<hbm>>
      tpu.enqueue_dma source(%dma_start3A_405 : memref<125x80xi32, #tpu.memory_space<hbm>>) target(%arg9 : memref<125x80xi32, #tpu.memory_space<vmem>>) target_semaphore(%run_scoped3A : memref<!tpu.dma_semaphore, #tpu.memory_space<semaphore_mem>>)
      %dma_wait3A_406 = arith.constant 0 : i32
      %dma_wait3A_407 = arith.constant 0 : i32
      %dma_wait3A_408 = tpu.memref_slice %arg6[%add3A, %dma_wait3A_406, %dma_wait3A_407] : memref<32x125x80xi32, #tpu.memory_space<hbm>> -> memref<1x125x80xi32, #tpu.memory_space<hbm>>
      %dma_wait3A_409 = tpu.memref_squeeze %dma_wait3A_408 : memref<1x125x80xi32, #tpu.memory_space<hbm>> -> memref<125x80xi32, #tpu.memory_space<hbm>>
      %dma_wait3A_410 = arith.constant 0 : i32
      %dma_wait3A_411 = arith.constant 0 : i32
      %dma_wait3A_412 = tpu.memref_slice %arg6[%add3A, %dma_wait3A_410, %dma_wait3A_411] : memref<32x125x80xi32, #tpu.memory_space<hbm>> -> memref<1x125x80xi32, #tpu.memory_space<hbm>>
      %dma_wait3A_413 = tpu.memref_squeeze %dma_wait3A_412 : memref<1x125x80xi32, #tpu.memory_space<hbm>> -> memref<125x80xi32, #tpu.memory_space<hbm>>
      tpu.wait_dma2 semaphore(%run_scoped3A : memref<!tpu.dma_semaphore, #tpu.memory_space<semaphore_mem>>) src(%dma_wait3A_413 : memref<125x80xi32, #tpu.memory_space<hbm>>) dst(%arg9 : memref<125x80xi32, #tpu.memory_space<vmem>>)
      tpu.yield
    }) : () -> ()
    %mul3A_1 = arith.constant 625 : i32
    %mul3A_2 = arith.muli %arg1, %mul3A_1 : i32
    "tpu.region"() ({
      %run_scoped3A = tpu.sem_alloc : memref<!tpu.dma_semaphore, #tpu.memory_space<semaphore_mem>>
      %dma_start3A_398 = arith.constant 0 : i32
      %dma_start3A_399 = tpu.memref_slice %arg3[%mul3A_2, %dma_start3A_398] : memref<10000x32xf32, #tpu.memory_space<hbm>> -> memref<625x32xf32, #tpu.memory_space<hbm>>
      %dma_start3A_400 = arith.constant 0 : i32
      %dma_start3A_401 = tpu.memref_slice %arg3[%mul3A_2, %dma_start3A_400] : memref<10000x32xf32, #tpu.memory_space<hbm>> -> memref<625x32xf32, #tpu.memory_space<hbm>>
      tpu.enqueue_dma source(%dma_start3A_401 : memref<625x32xf32, #tpu.memory_space<hbm>>) target(%arg13 : memref<625x32xf32, #tpu.memory_space<vmem>>) target_semaphore(%run_scoped3A : memref<!tpu.dma_semaphore, #tpu.memory_space<semaphore_mem>>)
      %dma_wait3A_402 = arith.constant 0 : i32
      %dma_wait3A_403 = tpu.memref_slice %arg3[%mul3A_2, %dma_wait3A_402] : memref<10000x32xf32, #tpu.memory_space<hbm>> -> memref<625x32xf32, #tpu.memory_space<hbm>>
      %dma_wait3A_404 = arith.constant 0 : i32
      %dma_wait3A_405 = tpu.memref_slice %arg3[%mul3A_2, %dma_wait3A_404] : memref<10000x32xf32, #tpu.memory_space<hbm>> -> memref<625x32xf32, #tpu.memory_space<hbm>>
      tpu.wait_dma2 semaphore(%run_scoped3A : memref<!tpu.dma_semaphore, #tpu.memory_space<semaphore_mem>>) src(%dma_wait3A_405 : memref<625x32xf32, #tpu.memory_space<hbm>>) dst(%arg13 : memref<625x32xf32, #tpu.memory_space<vmem>>)
      tpu.yield
    }) : () -> ()
    %mul3A_3 = arith.constant 625 : i32
    %mul3A_4 = arith.muli %arg1, %mul3A_3 : i32
    "tpu.region"() ({
      %run_scoped3A = tpu.sem_alloc : memref<!tpu.dma_semaphore, #tpu.memory_space<semaphore_mem>>
      %dma_start3A_398 = arith.constant 0 : i32
      %dma_start3A_399 = tpu.memref_slice %arg2[%mul3A_4, %dma_start3A_398] : memref<20000x16xf32, #tpu.memory_space<hbm>> -> memref<625x16xf32, #tpu.memory_space<hbm>>
      %dma_start3A_400 = arith.constant 0 : i32
      %dma_start3A_401 = tpu.memref_slice %arg2[%mul3A_4, %dma_start3A_400] : memref<20000x16xf32, #tpu.memory_space<hbm>> -> memref<625x16xf32, #tpu.memory_space<hbm>>
      tpu.enqueue_dma source(%dma_start3A_401 : memref<625x16xf32, #tpu.memory_space<hbm>>) target(%arg11 : memref<625x16xf32, #tpu.memory_space<vmem>>) target_semaphore(%run_scoped3A : memref<!tpu.dma_semaphore, #tpu.memory_space<semaphore_mem>>)
      %dma_wait3A_402 = arith.constant 0 : i32
      %dma_wait3A_403 = tpu.memref_slice %arg2[%mul3A_4, %dma_wait3A_402] : memref<20000x16xf32, #tpu.memory_space<hbm>> -> memref<625x16xf32, #tpu.memory_space<hbm>>
      %dma_wait3A_404 = arith.constant 0 : i32
      %dma_wait3A_405 = tpu.memref_slice %arg2[%mul3A_4, %dma_wait3A_404] : memref<20000x16xf32, #tpu.memory_space<hbm>> -> memref<625x16xf32, #tpu.memory_space<hbm>>
      tpu.wait_dma2 semaphore(%run_scoped3A : memref<!tpu.dma_semaphore, #tpu.memory_space<semaphore_mem>>) src(%dma_wait3A_405 : memref<625x16xf32, #tpu.memory_space<hbm>>) dst(%arg11 : memref<625x16xf32, #tpu.memory_space<vmem>>)
      tpu.yield
    }) : () -> ()
    %mul3A_5 = arith.constant 625 : i32
    %mul3A_6 = arith.muli %arg1, %mul3A_5 : i32
    %add3A_7 = arith.constant 10000 : i32
    %add3A_8 = arith.addi %add3A_7, %mul3A_6 : i32
    "tpu.region"() ({
      %run_scoped3A = tpu.sem_alloc : memref<!tpu.dma_semaphore, #tpu.memory_space<semaphore_mem>>
      %dma_start3A_398 = arith.constant 0 : i32
      %dma_start3A_399 = tpu.memref_slice %arg2[%add3A_8, %dma_start3A_398] : memref<20000x16xf32, #tpu.memory_space<hbm>> -> memref<625x16xf32, #tpu.memory_space<hbm>>
      %dma_start3A_400 = arith.constant 0 : i32
      %dma_start3A_401 = tpu.memref_slice %arg2[%add3A_8, %dma_start3A_400] : memref<20000x16xf32, #tpu.memory_space<hbm>> -> memref<625x16xf32, #tpu.memory_space<hbm>>
      tpu.enqueue_dma source(%dma_start3A_401 : memref<625x16xf32, #tpu.memory_space<hbm>>) target(%arg12 : memref<625x16xf32, #tpu.memory_space<vmem>>) target_semaphore(%run_scoped3A : memref<!tpu.dma_semaphore, #tpu.memory_space<semaphore_mem>>)
      %dma_wait3A_402 = arith.constant 0 : i32
      %dma_wait3A_403 = tpu.memref_slice %arg2[%add3A_8, %dma_wait3A_402] : memref<20000x16xf32, #tpu.memory_space<hbm>> -> memref<625x16xf32, #tpu.memory_space<hbm>>
      %dma_wait3A_404 = arith.constant 0 : i32
      %dma_wait3A_405 = tpu.memref_slice %arg2[%add3A_8, %dma_wait3A_404] : memref<20000x16xf32, #tpu.memory_space<hbm>> -> memref<625x16xf32, #tpu.memory_space<hbm>>
      tpu.wait_dma2 semaphore(%run_scoped3A : memref<!tpu.dma_semaphore, #tpu.memory_space<semaphore_mem>>) src(%dma_wait3A_405 : memref<625x16xf32, #tpu.memory_space<hbm>>) dst(%arg12 : memref<625x16xf32, #tpu.memory_space<vmem>>)
      tpu.yield
    }) : () -> ()
    "tpu.region"() ({
      %run_scoped3A = tpu.sem_alloc : memref<!tpu.dma_semaphore, #tpu.memory_space<semaphore_mem>>
      tpu.enqueue_dma source(%arg4 : memref<16xf32, #tpu.memory_space<hbm>>) target(%arg14 : memref<16xf32, #tpu.memory_space<vmem>>) target_semaphore(%run_scoped3A : memref<!tpu.dma_semaphore, #tpu.memory_space<semaphore_mem>>)
      tpu.wait_dma2 semaphore(%run_scoped3A : memref<!tpu.dma_semaphore, #tpu.memory_space<semaphore_mem>>) src(%arg4 : memref<16xf32, #tpu.memory_space<hbm>>) dst(%arg14 : memref<16xf32, #tpu.memory_space<vmem>>)
      tpu.yield
    }) : () -> ()
    %get3A = arith.constant 0 : index
    %get3A_9 = tpu.vector_load %arg14[%get3A] {strides = array<i32>} : memref<16xf32, #tpu.memory_space<vmem>>, vector<16xf32>,
    %scan3A = arith.constant 0 : i32
    %scan3A_10 = arith.constant 0 : i32
    %scan3A_11 = arith.constant 625 : i32
    %scan3A_12 = arith.addi %scan3A_10, %scan3A_11 : i32
    %scan3A_13 = arith.constant 1 : i32
    scf.for %scan3A_398 = %scan3A_10 to %scan3A_12 step %scan3A_13  : i32 {
      %get3A_399 = arith.index_cast %scan3A_398 : i32 to index
      %get3A_400 = arith.constant 0 : index
      %get3A_401 = tpu.vector_load %arg11[%get3A_399, %get3A_400] {strides = array<i32>} : memref<625x16xf32, #tpu.memory_space<vmem>>, vector<16xf32>,
      %get3A_402 = arith.index_cast %scan3A_398 : i32 to index
      %get3A_403 = arith.constant 0 : index
      %get3A_404 = tpu.vector_load %arg12[%get3A_402, %get3A_403] {strides = array<i32>} : memref<625x16xf32, #tpu.memory_space<vmem>>, vector<16xf32>,
      %add3A_405 = arith.addf %get3A_401, %get3A_404 : vector<16xf32>
      %get3A_406 = arith.index_cast %scan3A_398 : i32 to index
      %get3A_407 = arith.constant 0 : index
      %get3A_408 = tpu.vector_load %arg13[%get3A_406, %get3A_407] {strides = array<i32>} : memref<625x32xf32, #tpu.memory_space<vmem>>, vector<16xf32>,
      %mul3A_409 = arith.mulf %add3A_405, %get3A_408 : vector<16xf32>
      %add3A_410 = arith.addf %mul3A_409, %get3A_9 : vector<16xf32>
      %max3A = arith.constant 0.000000e+00 : f32
      %max3A_411 = vector.broadcast %max3A : f32 to vector<16xf32>
      %max3A_412 = arith.maximumf %add3A_410, %max3A_411 : vector<16xf32>
      %get3A_413 = arith.index_cast %scan3A_398 : i32 to index
      %get3A_414 = arith.constant 16 : index
      %get3A_415 = tpu.vector_load %arg13[%get3A_413, %get3A_414] {strides = array<i32>} : memref<625x32xf32, #tpu.memory_space<vmem>>, vector<16xf32>,
      %mul3A_416 = arith.mulf %max3A_412, %get3A_415 : vector<16xf32>
      %swap3A = arith.index_cast %scan3A_398 : i32 to index
      %swap3A_417 = arith.constant 0 : index
      %swap3A_418 = tpu.vector_load %arg11[%swap3A, %swap3A_417] {strides = array<i32>} : memref<625x16xf32, #tpu.memory_space<vmem>>, vector<16xf32>,
      tpu.vector_store %arg11[%swap3A, %swap3A_417], %mul3A_416 {strides = array<i32>} : memref<625x16xf32, #tpu.memory_space<vmem>>, vector<16xf32>,
    }
    %scan3A_14 = arith.constant 625 : i32
    "tpu.region"() ({
      %run_scoped3A = tpu.sem_alloc : memref<!tpu.dma_semaphore, #tpu.memory_space<semaphore_mem>>
      %dma_start3A_398 = arith.constant 0 : i32
      %dma_start3A_399 = tpu.memref_slice %arg15[%mul3A_2, %dma_start3A_398] : memref<10000x16xf32, #tpu.memory_space<vmem_shared>> -> memref<625x16xf32, #tpu.memory_space<vmem_shared>>
      %dma_start3A_400 = arith.constant 0 : i32
      %dma_start3A_401 = tpu.memref_slice %arg15[%mul3A_2, %dma_start3A_400] : memref<10000x16xf32, #tpu.memory_space<vmem_shared>> -> memref<625x16xf32, #tpu.memory_space<vmem_shared>>
      tpu.enqueue_dma source(%arg11 : memref<625x16xf32, #tpu.memory_space<vmem>>) target(%dma_start3A_401 : memref<625x16xf32, #tpu.memory_space<vmem_shared>>) target_semaphore(%run_scoped3A : memref<!tpu.dma_semaphore, #tpu.memory_space<semaphore_mem>>)
      %dma_wait3A_402 = arith.constant 0 : i32
      %dma_wait3A_403 = tpu.memref_slice %arg15[%mul3A_2, %dma_wait3A_402] : memref<10000x16xf32, #tpu.memory_space<vmem_shared>> -> memref<625x16xf32, #tpu.memory_space<vmem_shared>>
      %dma_wait3A_404 = arith.constant 0 : i32
      %dma_wait3A_405 = tpu.memref_slice %arg15[%mul3A_2, %dma_wait3A_404] : memref<10000x16xf32, #tpu.memory_space<vmem_shared>> -> memref<625x16xf32, #tpu.memory_space<vmem_shared>>
      tpu.wait_dma2 semaphore(%run_scoped3A : memref<!tpu.dma_semaphore, #tpu.memory_space<semaphore_mem>>) src(%arg11 : memref<625x16xf32, #tpu.memory_space<vmem>>) dst(%dma_wait3A_405 : memref<625x16xf32, #tpu.memory_space<vmem_shared>>)
      tpu.yield
    }) : () -> ()
    %broadcast_in_dim3A = arith.constant 0.000000e+00 : f32
    %broadcast_in_dim3A_15 = vector.broadcast %broadcast_in_dim3A : f32 to vector<16xf32>
    %scan3A_16 = arith.constant 0 : i32
    %scan3A_17 = arith.constant 0 : i32
    %scan3A_18 = arith.constant 625 : i32
    %scan3A_19 = arith.addi %scan3A_17, %scan3A_18 : i32
    %scan3A_20 = arith.constant 1 : i32
    scf.for %scan3A_398 = %scan3A_17 to %scan3A_19 step %scan3A_20  : i32 {
      %swap3A = arith.index_cast %scan3A_398 : i32 to index
      %swap3A_399 = arith.constant 0 : index
      %swap3A_400 = tpu.vector_load %arg11[%swap3A, %swap3A_399] {strides = array<i32>} : memref<625x16xf32, #tpu.memory_space<vmem>>, vector<16xf32>,
      tpu.vector_store %arg11[%swap3A, %swap3A_399], %broadcast_in_dim3A_15 {strides = array<i32>} : memref<625x16xf32, #tpu.memory_space<vmem>>, vector<16xf32>,
    }
    %scan3A_21 = arith.constant 625 : i32
    "tpu.region"() ({
      %run_scoped3A = tpu.sem_alloc : memref<!tpu.dma_semaphore, #tpu.memory_space<semaphore_mem>>
      %dma_start3A_398 = arith.constant 0 : i32
      %dma_start3A_399 = tpu.memref_slice %arg16[%mul3A_2, %dma_start3A_398] : memref<10000x16xf32, #tpu.memory_space<vmem_shared>> -> memref<625x16xf32, #tpu.memory_space<vmem_shared>>
      %dma_start3A_400 = arith.constant 0 : i32
      %dma_start3A_401 = tpu.memref_slice %arg16[%mul3A_2, %dma_start3A_400] : memref<10000x16xf32, #tpu.memory_space<vmem_shared>> -> memref<625x16xf32, #tpu.memory_space<vmem_shared>>
      tpu.enqueue_dma source(%arg11 : memref<625x16xf32, #tpu.memory_space<vmem>>) target(%dma_start3A_401 : memref<625x16xf32, #tpu.memory_space<vmem_shared>>) target_semaphore(%run_scoped3A : memref<!tpu.dma_semaphore, #tpu.memory_space<semaphore_mem>>)
      %dma_wait3A_402 = arith.constant 0 : i32
      %dma_wait3A_403 = tpu.memref_slice %arg16[%mul3A_2, %dma_wait3A_402] : memref<10000x16xf32, #tpu.memory_space<vmem_shared>> -> memref<625x16xf32, #tpu.memory_space<vmem_shared>>
      %dma_wait3A_404 = arith.constant 0 : i32
      %dma_wait3A_405 = tpu.memref_slice %arg16[%mul3A_2, %dma_wait3A_404] : memref<10000x16xf32, #tpu.memory_space<vmem_shared>> -> memref<625x16xf32, #tpu.memory_space<vmem_shared>>
      tpu.wait_dma2 semaphore(%run_scoped3A : memref<!tpu.dma_semaphore, #tpu.memory_space<semaphore_mem>>) src(%arg11 : memref<625x16xf32, #tpu.memory_space<vmem>>) dst(%dma_wait3A_405 : memref<625x16xf32, #tpu.memory_space<vmem_shared>>)
      tpu.yield
    }) : () -> ()
    %barrier3A = arith.constant 0 : index
    tpu.barrier barrier_id(%barrier3A)
    %dma_start3A = arith.constant 0 : i32
    %dma_start3A_22 = arith.constant 0 : i32
    %dma_start3A_23 = arith.constant 0 : i32
    %dma_start3A_24 = arith.constant 0 : i32
    %dma_start3A_25 = arith.constant 0 : i32
    %dma_start3A_26 = tpu.memref_slice %arg10[%dma_start3A_22, %dma_start3A_24, %dma_start3A_25] : memref<6x80x16xf32, #tpu.memory_space<vmem>> -> memref<1x80x16xf32, #tpu.memory_space<vmem>>
    %dma_start3A_27 = tpu.memref_squeeze %dma_start3A_26 : memref<1x80x16xf32, #tpu.memory_space<vmem>> -> memref<80x16xf32, #tpu.memory_space<vmem>>
    %dma_start3A_28 = arith.constant 0 : i32
    %dma_start3A_29 = tpu.memref_slice %arg8[%dma_start3A, %dma_start3A_28] : memref<125x80xi32, #tpu.memory_space<vmem>> -> memref<1x80xi32, #tpu.memory_space<vmem>>
    %dma_start3A_30 = tpu.memref_squeeze %dma_start3A_29 : memref<1x80xi32, #tpu.memory_space<vmem>> -> memref<80xi32, #tpu.memory_space<vmem>>
    %dma_start3A_31 = arith.constant 0 : i32
    %dma_start3A_32 = arith.constant 0 : i32
    %dma_start3A_33 = tpu.memref_slice %arg15[%dma_start3A_31, %dma_start3A_32] : memref<10000x16xf32, #tpu.memory_space<vmem_shared>> -> memref<10000x16xf32, #tpu.memory_space<vmem_shared>>
    %dma_start3A_34 = tpu.memref_slice %arg17[%dma_start3A_23] : memref<6x!tpu.dma_semaphore, #tpu.memory_space<semaphore_mem>> -> memref<1x!tpu.dma_semaphore, #tpu.memory_space<semaphore_mem>>
    %dma_start3A_35 = tpu.memref_squeeze %dma_start3A_34 : memref<1x!tpu.dma_semaphore, #tpu.memory_space<semaphore_mem>> -> memref<!tpu.dma_semaphore, #tpu.memory_space<semaphore_mem>>
    tpu.enqueue_indirect_dma source(%dma_start3A_33 : memref<10000x16xf32, #tpu.memory_space<vmem_shared>>) target(%dma_start3A_27 : memref<80x16xf32, #tpu.memory_space<vmem>>) offsets(%dma_start3A_30 : memref<80xi32, #tpu.memory_space<vmem>>) semaphore(%dma_start3A_35 : memref<!tpu.dma_semaphore, #tpu.memory_space<semaphore_mem>>)
    %dma_start3A_36 = arith.constant 1 : i32
    %dma_start3A_37 = arith.constant 1 : i32
    %dma_start3A_38 = arith.constant 1 : i32
    %dma_start3A_39 = arith.constant 0 : i32
    %dma_start3A_40 = arith.constant 0 : i32
    %dma_start3A_41 = tpu.memref_slice %arg10[%dma_start3A_37, %dma_start3A_39, %dma_start3A_40] : memref<6x80x16xf32, #tpu.memory_space<vmem>> -> memref<1x80x16xf32, #tpu.memory_space<vmem>>
    %dma_start3A_42 = tpu.memref_squeeze %dma_start3A_41 : memref<1x80x16xf32, #tpu.memory_space<vmem>> -> memref<80x16xf32, #tpu.memory_space<vmem>>
    %dma_start3A_43 = arith.constant 0 : i32
    %dma_start3A_44 = tpu.memref_slice %arg8[%dma_start3A_36, %dma_start3A_43] : memref<125x80xi32, #tpu.memory_space<vmem>> -> memref<1x80xi32, #tpu.memory_space<vmem>>
    %dma_start3A_45 = tpu.memref_squeeze %dma_start3A_44 : memref<1x80xi32, #tpu.memory_space<vmem>> -> memref<80xi32, #tpu.memory_space<vmem>>
    %dma_start3A_46 = arith.constant 0 : i32
    %dma_start3A_47 = arith.constant 0 : i32
    %dma_start3A_48 = tpu.memref_slice %arg15[%dma_start3A_46, %dma_start3A_47] : memref<10000x16xf32, #tpu.memory_space<vmem_shared>> -> memref<10000x16xf32, #tpu.memory_space<vmem_shared>>
    %dma_start3A_49 = tpu.memref_slice %arg17[%dma_start3A_38] : memref<6x!tpu.dma_semaphore, #tpu.memory_space<semaphore_mem>> -> memref<1x!tpu.dma_semaphore, #tpu.memory_space<semaphore_mem>>
    %dma_start3A_50 = tpu.memref_squeeze %dma_start3A_49 : memref<1x!tpu.dma_semaphore, #tpu.memory_space<semaphore_mem>> -> memref<!tpu.dma_semaphore, #tpu.memory_space<semaphore_mem>>
    tpu.enqueue_indirect_dma source(%dma_start3A_48 : memref<10000x16xf32, #tpu.memory_space<vmem_shared>>) target(%dma_start3A_42 : memref<80x16xf32, #tpu.memory_space<vmem>>) offsets(%dma_start3A_45 : memref<80xi32, #tpu.memory_space<vmem>>) semaphore(%dma_start3A_50 : memref<!tpu.dma_semaphore, #tpu.memory_space<semaphore_mem>>)
    %dma_start3A_51 = arith.constant 2 : i32
    %dma_start3A_52 = arith.constant 2 : i32
    %dma_start3A_53 = arith.constant 2 : i32
    %dma_start3A_54 = arith.constant 0 : i32
    %dma_start3A_55 = arith.constant 0 : i32
    %dma_start3A_56 = tpu.memref_slice %arg10[%dma_start3A_52, %dma_start3A_54, %dma_start3A_55] : memref<6x80x16xf32, #tpu.memory_space<vmem>> -> memref<1x80x16xf32, #tpu.memory_space<vmem>>
    %dma_start3A_57 = tpu.memref_squeeze %dma_start3A_56 : memref<1x80x16xf32, #tpu.memory_space<vmem>> -> memref<80x16xf32, #tpu.memory_space<vmem>>
    %dma_start3A_58 = arith.constant 0 : i32
    %dma_start3A_59 = tpu.memref_slice %arg8[%dma_start3A_51, %dma_start3A_58] : memref<125x80xi32, #tpu.memory_space<vmem>> -> memref<1x80xi32, #tpu.memory_space<vmem>>
    %dma_start3A_60 = tpu.memref_squeeze %dma_start3A_59 : memref<1x80xi32, #tpu.memory_space<vmem>> -> memref<80xi32, #tpu.memory_space<vmem>>
    %dma_start3A_61 = arith.constant 0 : i32
    %dma_start3A_62 = arith.constant 0 : i32
    %dma_start3A_63 = tpu.memref_slice %arg15[%dma_start3A_61, %dma_start3A_62] : memref<10000x16xf32, #tpu.memory_space<vmem_shared>> -> memref<10000x16xf32, #tpu.memory_space<vmem_shared>>
    %dma_start3A_64 = tpu.memref_slice %arg17[%dma_start3A_53] : memref<6x!tpu.dma_semaphore, #tpu.memory_space<semaphore_mem>> -> memref<1x!tpu.dma_semaphore, #tpu.memory_space<semaphore_mem>>
    %dma_start3A_65 = tpu.memref_squeeze %dma_start3A_64 : memref<1x!tpu.dma_semaphore, #tpu.memory_space<semaphore_mem>> -> memref<!tpu.dma_semaphore, #tpu.memory_space<semaphore_mem>>
    tpu.enqueue_indirect_dma source(%dma_start3A_63 : memref<10000x16xf32, #tpu.memory_space<vmem_shared>>) target(%dma_start3A_57 : memref<80x16xf32, #tpu.memory_space<vmem>>) offsets(%dma_start3A_60 : memref<80xi32, #tpu.memory_space<vmem>>) semaphore(%dma_start3A_65 : memref<!tpu.dma_semaphore, #tpu.memory_space<semaphore_mem>>)
    %dma_start3A_66 = arith.constant 3 : i32
    %dma_start3A_67 = arith.constant 3 : i32
    %dma_start3A_68 = arith.constant 3 : i32
    %dma_start3A_69 = arith.constant 0 : i32
    %dma_start3A_70 = arith.constant 0 : i32
    %dma_start3A_71 = tpu.memref_slice %arg10[%dma_start3A_67, %dma_start3A_69, %dma_start3A_70] : memref<6x80x16xf32, #tpu.memory_space<vmem>> -> memref<1x80x16xf32, #tpu.memory_space<vmem>>
    %dma_start3A_72 = tpu.memref_squeeze %dma_start3A_71 : memref<1x80x16xf32, #tpu.memory_space<vmem>> -> memref<80x16xf32, #tpu.memory_space<vmem>>
    %dma_start3A_73 = arith.constant 0 : i32
    %dma_start3A_74 = tpu.memref_slice %arg8[%dma_start3A_66, %dma_start3A_73] : memref<125x80xi32, #tpu.memory_space<vmem>> -> memref<1x80xi32, #tpu.memory_space<vmem>>
    %dma_start3A_75 = tpu.memref_squeeze %dma_start3A_74 : memref<1x80xi32, #tpu.memory_space<vmem>> -> memref<80xi32, #tpu.memory_space<vmem>>
    %dma_start3A_76 = arith.constant 0 : i32
    %dma_start3A_77 = arith.constant 0 : i32
    %dma_start3A_78 = tpu.memref_slice %arg15[%dma_start3A_76, %dma_start3A_77] : memref<10000x16xf32, #tpu.memory_space<vmem_shared>> -> memref<10000x16xf32, #tpu.memory_space<vmem_shared>>
    %dma_start3A_79 = tpu.memref_slice %arg17[%dma_start3A_68] : memref<6x!tpu.dma_semaphore, #tpu.memory_space<semaphore_mem>> -> memref<1x!tpu.dma_semaphore, #tpu.memory_space<semaphore_mem>>
    %dma_start3A_80 = tpu.memref_squeeze %dma_start3A_79 : memref<1x!tpu.dma_semaphore, #tpu.memory_space<semaphore_mem>> -> memref<!tpu.dma_semaphore, #tpu.memory_space<semaphore_mem>>
    tpu.enqueue_indirect_dma source(%dma_start3A_78 : memref<10000x16xf32, #tpu.memory_space<vmem_shared>>) target(%dma_start3A_72 : memref<80x16xf32, #tpu.memory_space<vmem>>) offsets(%dma_start3A_75 : memref<80xi32, #tpu.memory_space<vmem>>) semaphore(%dma_start3A_80 : memref<!tpu.dma_semaphore, #tpu.memory_space<semaphore_mem>>)
    %dma_wait3A = arith.constant 0 : i32
    %dma_wait3A_81 = arith.constant 0 : i32
    %dma_wait3A_82 = arith.constant 0 : i32
    %dma_wait3A_83 = arith.constant 0 : i32
    %dma_wait3A_84 = arith.constant 0 : i32
    %dma_wait3A_85 = tpu.memref_slice %arg10[%dma_wait3A_81, %dma_wait3A_83, %dma_wait3A_84] : memref<6x80x16xf32, #tpu.memory_space<vmem>> -> memref<1x80x16xf32, #tpu.memory_space<vmem>>
    %dma_wait3A_86 = tpu.memref_squeeze %dma_wait3A_85 : memref<1x80x16xf32, #tpu.memory_space<vmem>> -> memref<80x16xf32, #tpu.memory_space<vmem>>
    %dma_wait3A_87 = arith.constant 0 : i32
    %dma_wait3A_88 = tpu.memref_slice %arg8[%dma_wait3A, %dma_wait3A_87] : memref<125x80xi32, #tpu.memory_space<vmem>> -> memref<1x80xi32, #tpu.memory_space<vmem>>
    %dma_wait3A_89 = tpu.memref_squeeze %dma_wait3A_88 : memref<1x80xi32, #tpu.memory_space<vmem>> -> memref<80xi32, #tpu.memory_space<vmem>>
    %dma_wait3A_90 = arith.constant 0 : i32
    %dma_wait3A_91 = arith.constant 0 : i32
    %dma_wait3A_92 = tpu.memref_slice %arg15[%dma_wait3A_90, %dma_wait3A_91] : memref<10000x16xf32, #tpu.memory_space<vmem_shared>> -> memref<10000x16xf32, #tpu.memory_space<vmem_shared>>
    %dma_wait3A_93 = tpu.memref_slice %arg17[%dma_wait3A_82] : memref<6x!tpu.dma_semaphore, #tpu.memory_space<semaphore_mem>> -> memref<1x!tpu.dma_semaphore, #tpu.memory_space<semaphore_mem>>
    %dma_wait3A_94 = tpu.memref_squeeze %dma_wait3A_93 : memref<1x!tpu.dma_semaphore, #tpu.memory_space<semaphore_mem>> -> memref<!tpu.dma_semaphore, #tpu.memory_space<semaphore_mem>>
    tpu.wait_indirect_dma semaphore(%dma_wait3A_94 : memref<!tpu.dma_semaphore, #tpu.memory_space<semaphore_mem>>) src(%dma_wait3A_92 : memref<10000x16xf32, #tpu.memory_space<vmem_shared>>) dst(%dma_wait3A_86 : memref<80x16xf32, #tpu.memory_space<vmem>>)
    %dma_start3A_95 = arith.constant 0 : i32
    %dma_start3A_96 = arith.constant 0 : i32
    %dma_start3A_97 = arith.constant 0 : i32
    %dma_start3A_98 = arith.constant 0 : i32
    %dma_start3A_99 = arith.constant 0 : i32
    %dma_start3A_100 = tpu.memref_slice %arg10[%dma_start3A_95, %dma_start3A_98, %dma_start3A_99] : memref<6x80x16xf32, #tpu.memory_space<vmem>> -> memref<1x80x16xf32, #tpu.memory_space<vmem>>
    %dma_start3A_101 = tpu.memref_squeeze %dma_start3A_100 : memref<1x80x16xf32, #tpu.memory_space<vmem>> -> memref<80x16xf32, #tpu.memory_space<vmem>>
    %dma_start3A_102 = arith.constant 0 : i32
    %dma_start3A_103 = tpu.memref_slice %arg9[%dma_start3A_96, %dma_start3A_102] : memref<125x80xi32, #tpu.memory_space<vmem>> -> memref<1x80xi32, #tpu.memory_space<vmem>>
    %dma_start3A_104 = tpu.memref_squeeze %dma_start3A_103 : memref<1x80xi32, #tpu.memory_space<vmem>> -> memref<80xi32, #tpu.memory_space<vmem>>
    %dma_start3A_105 = arith.constant 0 : i32
    %dma_start3A_106 = arith.constant 0 : i32
    %dma_start3A_107 = tpu.memref_slice %arg16[%dma_start3A_105, %dma_start3A_106] : memref<10000x16xf32, #tpu.memory_space<vmem_shared>> -> memref<10000x16xf32, #tpu.memory_space<vmem_shared>>
    %dma_start3A_108 = tpu.memref_slice %arg18[%dma_start3A_97] : memref<6x!tpu.dma_semaphore, #tpu.memory_space<semaphore_mem>> -> memref<1x!tpu.dma_semaphore, #tpu.memory_space<semaphore_mem>>
    %dma_start3A_109 = tpu.memref_squeeze %dma_start3A_108 : memref<1x!tpu.dma_semaphore, #tpu.memory_space<semaphore_mem>> -> memref<!tpu.dma_semaphore, #tpu.memory_space<semaphore_mem>>
    tpu.enqueue_indirect_dma source(%dma_start3A_101 : memref<80x16xf32, #tpu.memory_space<vmem>>) target(%dma_start3A_107 : memref<10000x16xf32, #tpu.memory_space<vmem_shared>>) offsets(%dma_start3A_104 : memref<80xi32, #tpu.memory_space<vmem>>) semaphore(%dma_start3A_109 : memref<!tpu.dma_semaphore, #tpu.memory_space<semaphore_mem>>) {add = true}
    %dma_start3A_110 = arith.constant 4 : i32
    %dma_start3A_111 = arith.constant 4 : i32
    %dma_start3A_112 = arith.constant 4 : i32
    %dma_start3A_113 = arith.constant 0 : i32
    %dma_start3A_114 = arith.constant 0 : i32
    %dma_start3A_115 = tpu.memref_slice %arg10[%dma_start3A_111, %dma_start3A_113, %dma_start3A_114] : memref<6x80x16xf32, #tpu.memory_space<vmem>> -> memref<1x80x16xf32, #tpu.memory_space<vmem>>
    %dma_start3A_116 = tpu.memref_squeeze %dma_start3A_115 : memref<1x80x16xf32, #tpu.memory_space<vmem>> -> memref<80x16xf32, #tpu.memory_space<vmem>>
    %dma_start3A_117 = arith.constant 0 : i32
    %dma_start3A_118 = tpu.memref_slice %arg8[%dma_start3A_110, %dma_start3A_117] : memref<125x80xi32, #tpu.memory_space<vmem>> -> memref<1x80xi32, #tpu.memory_space<vmem>>
    %dma_start3A_119 = tpu.memref_squeeze %dma_start3A_118 : memref<1x80xi32, #tpu.memory_space<vmem>> -> memref<80xi32, #tpu.memory_space<vmem>>
    %dma_start3A_120 = arith.constant 0 : i32
    %dma_start3A_121 = arith.constant 0 : i32
    %dma_start3A_122 = tpu.memref_slice %arg15[%dma_start3A_120, %dma_start3A_121] : memref<10000x16xf32, #tpu.memory_space<vmem_shared>> -> memref<10000x16xf32, #tpu.memory_space<vmem_shared>>
    %dma_start3A_123 = tpu.memref_slice %arg17[%dma_start3A_112] : memref<6x!tpu.dma_semaphore, #tpu.memory_space<semaphore_mem>> -> memref<1x!tpu.dma_semaphore, #tpu.memory_space<semaphore_mem>>
    %dma_start3A_124 = tpu.memref_squeeze %dma_start3A_123 : memref<1x!tpu.dma_semaphore, #tpu.memory_space<semaphore_mem>> -> memref<!tpu.dma_semaphore, #tpu.memory_space<semaphore_mem>>
    tpu.enqueue_indirect_dma source(%dma_start3A_122 : memref<10000x16xf32, #tpu.memory_space<vmem_shared>>) target(%dma_start3A_116 : memref<80x16xf32, #tpu.memory_space<vmem>>) offsets(%dma_start3A_119 : memref<80xi32, #tpu.memory_space<vmem>>) semaphore(%dma_start3A_124 : memref<!tpu.dma_semaphore, #tpu.memory_space<semaphore_mem>>)
    %dma_wait3A_125 = arith.constant 1 : i32
    %dma_wait3A_126 = arith.constant 1 : i32
    %dma_wait3A_127 = arith.constant 1 : i32
    %dma_wait3A_128 = arith.constant 0 : i32
    %dma_wait3A_129 = arith.constant 0 : i32
    %dma_wait3A_130 = tpu.memref_slice %arg10[%dma_wait3A_126, %dma_wait3A_128, %dma_wait3A_129] : memref<6x80x16xf32, #tpu.memory_space<vmem>> -> memref<1x80x16xf32, #tpu.memory_space<vmem>>
    %dma_wait3A_131 = tpu.memref_squeeze %dma_wait3A_130 : memref<1x80x16xf32, #tpu.memory_space<vmem>> -> memref<80x16xf32, #tpu.memory_space<vmem>>
    %dma_wait3A_132 = arith.constant 0 : i32
    %dma_wait3A_133 = tpu.memref_slice %arg8[%dma_wait3A_125, %dma_wait3A_132] : memref<125x80xi32, #tpu.memory_space<vmem>> -> memref<1x80xi32, #tpu.memory_space<vmem>>
    %dma_wait3A_134 = tpu.memref_squeeze %dma_wait3A_133 : memref<1x80xi32, #tpu.memory_space<vmem>> -> memref<80xi32, #tpu.memory_space<vmem>>
    %dma_wait3A_135 = arith.constant 0 : i32
    %dma_wait3A_136 = arith.constant 0 : i32
    %dma_wait3A_137 = tpu.memref_slice %arg15[%dma_wait3A_135, %dma_wait3A_136] : memref<10000x16xf32, #tpu.memory_space<vmem_shared>> -> memref<10000x16xf32, #tpu.memory_space<vmem_shared>>
    %dma_wait3A_138 = tpu.memref_slice %arg17[%dma_wait3A_127] : memref<6x!tpu.dma_semaphore, #tpu.memory_space<semaphore_mem>> -> memref<1x!tpu.dma_semaphore, #tpu.memory_space<semaphore_mem>>
    %dma_wait3A_139 = tpu.memref_squeeze %dma_wait3A_138 : memref<1x!tpu.dma_semaphore, #tpu.memory_space<semaphore_mem>> -> memref<!tpu.dma_semaphore, #tpu.memory_space<semaphore_mem>>
    tpu.wait_indirect_dma semaphore(%dma_wait3A_139 : memref<!tpu.dma_semaphore, #tpu.memory_space<semaphore_mem>>) src(%dma_wait3A_137 : memref<10000x16xf32, #tpu.memory_space<vmem_shared>>) dst(%dma_wait3A_131 : memref<80x16xf32, #tpu.memory_space<vmem>>)
    %dma_start3A_140 = arith.constant 1 : i32
    %dma_start3A_141 = arith.constant 1 : i32
    %dma_start3A_142 = arith.constant 1 : i32
    %dma_start3A_143 = arith.constant 0 : i32
    %dma_start3A_144 = arith.constant 0 : i32
    %dma_start3A_145 = tpu.memref_slice %arg10[%dma_start3A_140, %dma_start3A_143, %dma_start3A_144] : memref<6x80x16xf32, #tpu.memory_space<vmem>> -> memref<1x80x16xf32, #tpu.memory_space<vmem>>
    %dma_start3A_146 = tpu.memref_squeeze %dma_start3A_145 : memref<1x80x16xf32, #tpu.memory_space<vmem>> -> memref<80x16xf32, #tpu.memory_space<vmem>>
    %dma_start3A_147 = arith.constant 0 : i32
    %dma_start3A_148 = tpu.memref_slice %arg9[%dma_start3A_141, %dma_start3A_147] : memref<125x80xi32, #tpu.memory_space<vmem>> -> memref<1x80xi32, #tpu.memory_space<vmem>>
    %dma_start3A_149 = tpu.memref_squeeze %dma_start3A_148 : memref<1x80xi32, #tpu.memory_space<vmem>> -> memref<80xi32, #tpu.memory_space<vmem>>
    %dma_start3A_150 = arith.constant 0 : i32
    %dma_start3A_151 = arith.constant 0 : i32
    %dma_start3A_152 = tpu.memref_slice %arg16[%dma_start3A_150, %dma_start3A_151] : memref<10000x16xf32, #tpu.memory_space<vmem_shared>> -> memref<10000x16xf32, #tpu.memory_space<vmem_shared>>
    %dma_start3A_153 = tpu.memref_slice %arg18[%dma_start3A_142] : memref<6x!tpu.dma_semaphore, #tpu.memory_space<semaphore_mem>> -> memref<1x!tpu.dma_semaphore, #tpu.memory_space<semaphore_mem>>
    %dma_start3A_154 = tpu.memref_squeeze %dma_start3A_153 : memref<1x!tpu.dma_semaphore, #tpu.memory_space<semaphore_mem>> -> memref<!tpu.dma_semaphore, #tpu.memory_space<semaphore_mem>>
    tpu.enqueue_indirect_dma source(%dma_start3A_146 : memref<80x16xf32, #tpu.memory_space<vmem>>) target(%dma_start3A_152 : memref<10000x16xf32, #tpu.memory_space<vmem_shared>>) offsets(%dma_start3A_149 : memref<80xi32, #tpu.memory_space<vmem>>) semaphore(%dma_start3A_154 : memref<!tpu.dma_semaphore, #tpu.memory_space<semaphore_mem>>) {add = true}
    %dma_start3A_155 = arith.constant 5 : i32
    %dma_start3A_156 = arith.constant 5 : i32
    %dma_start3A_157 = arith.constant 5 : i32
    %dma_start3A_158 = arith.constant 0 : i32
    %dma_start3A_159 = arith.constant 0 : i32
    %dma_start3A_160 = tpu.memref_slice %arg10[%dma_start3A_156, %dma_start3A_158, %dma_start3A_159] : memref<6x80x16xf32, #tpu.memory_space<vmem>> -> memref<1x80x16xf32, #tpu.memory_space<vmem>>
    %dma_start3A_161 = tpu.memref_squeeze %dma_start3A_160 : memref<1x80x16xf32, #tpu.memory_space<vmem>> -> memref<80x16xf32, #tpu.memory_space<vmem>>
    %dma_start3A_162 = arith.constant 0 : i32
    %dma_start3A_163 = tpu.memref_slice %arg8[%dma_start3A_155, %dma_start3A_162] : memref<125x80xi32, #tpu.memory_space<vmem>> -> memref<1x80xi32, #tpu.memory_space<vmem>>
    %dma_start3A_164 = tpu.memref_squeeze %dma_start3A_163 : memref<1x80xi32, #tpu.memory_space<vmem>> -> memref<80xi32, #tpu.memory_space<vmem>>
    %dma_start3A_165 = arith.constant 0 : i32
    %dma_start3A_166 = arith.constant 0 : i32
    %dma_start3A_167 = tpu.memref_slice %arg15[%dma_start3A_165, %dma_start3A_166] : memref<10000x16xf32, #tpu.memory_space<vmem_shared>> -> memref<10000x16xf32, #tpu.memory_space<vmem_shared>>
    %dma_start3A_168 = tpu.memref_slice %arg17[%dma_start3A_157] : memref<6x!tpu.dma_semaphore, #tpu.memory_space<semaphore_mem>> -> memref<1x!tpu.dma_semaphore, #tpu.memory_space<semaphore_mem>>
    %dma_start3A_169 = tpu.memref_squeeze %dma_start3A_168 : memref<1x!tpu.dma_semaphore, #tpu.memory_space<semaphore_mem>> -> memref<!tpu.dma_semaphore, #tpu.memory_space<semaphore_mem>>
    tpu.enqueue_indirect_dma source(%dma_start3A_167 : memref<10000x16xf32, #tpu.memory_space<vmem_shared>>) target(%dma_start3A_161 : memref<80x16xf32, #tpu.memory_space<vmem>>) offsets(%dma_start3A_164 : memref<80xi32, #tpu.memory_space<vmem>>) semaphore(%dma_start3A_169 : memref<!tpu.dma_semaphore, #tpu.memory_space<semaphore_mem>>)
    %dma_wait3A_170 = arith.constant 2 : i32
    %dma_wait3A_171 = arith.constant 2 : i32
    %dma_wait3A_172 = arith.constant 2 : i32
    %dma_wait3A_173 = arith.constant 0 : i32
    %dma_wait3A_174 = arith.constant 0 : i32
    %dma_wait3A_175 = tpu.memref_slice %arg10[%dma_wait3A_171, %dma_wait3A_173, %dma_wait3A_174] : memref<6x80x16xf32, #tpu.memory_space<vmem>> -> memref<1x80x16xf32, #tpu.memory_space<vmem>>
    %dma_wait3A_176 = tpu.memref_squeeze %dma_wait3A_175 : memref<1x80x16xf32, #tpu.memory_space<vmem>> -> memref<80x16xf32, #tpu.memory_space<vmem>>
    %dma_wait3A_177 = arith.constant 0 : i32
    %dma_wait3A_178 = tpu.memref_slice %arg8[%dma_wait3A_170, %dma_wait3A_177] : memref<125x80xi32, #tpu.memory_space<vmem>> -> memref<1x80xi32, #tpu.memory_space<vmem>>
    %dma_wait3A_179 = tpu.memref_squeeze %dma_wait3A_178 : memref<1x80xi32, #tpu.memory_space<vmem>> -> memref<80xi32, #tpu.memory_space<vmem>>
    %dma_wait3A_180 = arith.constant 0 : i32
    %dma_wait3A_181 = arith.constant 0 : i32
    %dma_wait3A_182 = tpu.memref_slice %arg15[%dma_wait3A_180, %dma_wait3A_181] : memref<10000x16xf32, #tpu.memory_space<vmem_shared>> -> memref<10000x16xf32, #tpu.memory_space<vmem_shared>>
    %dma_wait3A_183 = tpu.memref_slice %arg17[%dma_wait3A_172] : memref<6x!tpu.dma_semaphore, #tpu.memory_space<semaphore_mem>> -> memref<1x!tpu.dma_semaphore, #tpu.memory_space<semaphore_mem>>
    %dma_wait3A_184 = tpu.memref_squeeze %dma_wait3A_183 : memref<1x!tpu.dma_semaphore, #tpu.memory_space<semaphore_mem>> -> memref<!tpu.dma_semaphore, #tpu.memory_space<semaphore_mem>>
    tpu.wait_indirect_dma semaphore(%dma_wait3A_184 : memref<!tpu.dma_semaphore, #tpu.memory_space<semaphore_mem>>) src(%dma_wait3A_182 : memref<10000x16xf32, #tpu.memory_space<vmem_shared>>) dst(%dma_wait3A_176 : memref<80x16xf32, #tpu.memory_space<vmem>>)
    %dma_start3A_185 = arith.constant 2 : i32
    %dma_start3A_186 = arith.constant 2 : i32
    %dma_start3A_187 = arith.constant 2 : i32
    %dma_start3A_188 = arith.constant 0 : i32
    %dma_start3A_189 = arith.constant 0 : i32
    %dma_start3A_190 = tpu.memref_slice %arg10[%dma_start3A_185, %dma_start3A_188, %dma_start3A_189] : memref<6x80x16xf32, #tpu.memory_space<vmem>> -> memref<1x80x16xf32, #tpu.memory_space<vmem>>
    %dma_start3A_191 = tpu.memref_squeeze %dma_start3A_190 : memref<1x80x16xf32, #tpu.memory_space<vmem>> -> memref<80x16xf32, #tpu.memory_space<vmem>>
    %dma_start3A_192 = arith.constant 0 : i32
    %dma_start3A_193 = tpu.memref_slice %arg9[%dma_start3A_186, %dma_start3A_192] : memref<125x80xi32, #tpu.memory_space<vmem>> -> memref<1x80xi32, #tpu.memory_space<vmem>>
    %dma_start3A_194 = tpu.memref_squeeze %dma_start3A_193 : memref<1x80xi32, #tpu.memory_space<vmem>> -> memref<80xi32, #tpu.memory_space<vmem>>
    %dma_start3A_195 = arith.constant 0 : i32
    %dma_start3A_196 = arith.constant 0 : i32
    %dma_start3A_197 = tpu.memref_slice %arg16[%dma_start3A_195, %dma_start3A_196] : memref<10000x16xf32, #tpu.memory_space<vmem_shared>> -> memref<10000x16xf32, #tpu.memory_space<vmem_shared>>
    %dma_start3A_198 = tpu.memref_slice %arg18[%dma_start3A_187] : memref<6x!tpu.dma_semaphore, #tpu.memory_space<semaphore_mem>> -> memref<1x!tpu.dma_semaphore, #tpu.memory_space<semaphore_mem>>
    %dma_start3A_199 = tpu.memref_squeeze %dma_start3A_198 : memref<1x!tpu.dma_semaphore, #tpu.memory_space<semaphore_mem>> -> memref<!tpu.dma_semaphore, #tpu.memory_space<semaphore_mem>>
    tpu.enqueue_indirect_dma source(%dma_start3A_191 : memref<80x16xf32, #tpu.memory_space<vmem>>) target(%dma_start3A_197 : memref<10000x16xf32, #tpu.memory_space<vmem_shared>>) offsets(%dma_start3A_194 : memref<80xi32, #tpu.memory_space<vmem>>) semaphore(%dma_start3A_199 : memref<!tpu.dma_semaphore, #tpu.memory_space<semaphore_mem>>) {add = true}
    %scan3A_200 = arith.constant 0 : i32
    %scan3A_201 = arith.constant 3 : i32
    %scan3A_202 = arith.constant 119 : i32
    %scan3A_203 = arith.addi %scan3A_201, %scan3A_202 : i32
    %scan3A_204 = arith.constant 1 : i32
    scf.for %scan3A_398 = %scan3A_201 to %scan3A_203 step %scan3A_204  : i32 {
      %add3A_399 = arith.constant 3 : i32
      %add3A_400 = arith.addi %scan3A_398, %add3A_399 : i32
      %rem3A = arith.constant 6 : i32
      %rem3A_401 = arith.remsi %add3A_400, %rem3A : i32
      %sub3A = arith.constant 6 : i32
      %sub3A_402 = arith.subi %add3A_400, %sub3A : i32
      %dma_wait3A_403 = arith.constant 0 : i32
      %dma_wait3A_404 = arith.constant 0 : i32
      %dma_wait3A_405 = tpu.memref_slice %arg10[%rem3A_401, %dma_wait3A_403, %dma_wait3A_404] : memref<6x80x16xf32, #tpu.memory_space<vmem>> -> memref<1x80x16xf32, #tpu.memory_space<vmem>>
      %dma_wait3A_406 = tpu.memref_squeeze %dma_wait3A_405 : memref<1x80x16xf32, #tpu.memory_space<vmem>> -> memref<80x16xf32, #tpu.memory_space<vmem>>
      %dma_wait3A_407 = arith.constant 0 : i32
      %dma_wait3A_408 = tpu.memref_slice %arg9[%sub3A_402, %dma_wait3A_407] : memref<125x80xi32, #tpu.memory_space<vmem>> -> memref<1x80xi32, #tpu.memory_space<vmem>>
      %dma_wait3A_409 = tpu.memref_squeeze %dma_wait3A_408 : memref<1x80xi32, #tpu.memory_space<vmem>> -> memref<80xi32, #tpu.memory_space<vmem>>
      %dma_wait3A_410 = arith.constant 0 : i32
      %dma_wait3A_411 = arith.constant 0 : i32
      %dma_wait3A_412 = tpu.memref_slice %arg16[%dma_wait3A_410, %dma_wait3A_411] : memref<10000x16xf32, #tpu.memory_space<vmem_shared>> -> memref<10000x16xf32, #tpu.memory_space<vmem_shared>>
      %dma_wait3A_413 = tpu.memref_slice %arg18[%rem3A_401] : memref<6x!tpu.dma_semaphore, #tpu.memory_space<semaphore_mem>> -> memref<1x!tpu.dma_semaphore, #tpu.memory_space<semaphore_mem>>
      %dma_wait3A_414 = tpu.memref_squeeze %dma_wait3A_413 : memref<1x!tpu.dma_semaphore, #tpu.memory_space<semaphore_mem>> -> memref<!tpu.dma_semaphore, #tpu.memory_space<semaphore_mem>>
      tpu.wait_indirect_dma semaphore(%dma_wait3A_414 : memref<!tpu.dma_semaphore, #tpu.memory_space<semaphore_mem>>) src(%dma_wait3A_406 : memref<80x16xf32, #tpu.memory_space<vmem>>) dst(%dma_wait3A_412 : memref<10000x16xf32, #tpu.memory_space<vmem_shared>>)
      %dma_start3A_415 = arith.constant 0 : i32
      %dma_start3A_416 = arith.constant 0 : i32
      %dma_start3A_417 = tpu.memref_slice %arg10[%rem3A_401, %dma_start3A_415, %dma_start3A_416] : memref<6x80x16xf32, #tpu.memory_space<vmem>> -> memref<1x80x16xf32, #tpu.memory_space<vmem>>
      %dma_start3A_418 = tpu.memref_squeeze %dma_start3A_417 : memref<1x80x16xf32, #tpu.memory_space<vmem>> -> memref<80x16xf32, #tpu.memory_space<vmem>>
      %dma_start3A_419 = arith.constant 0 : i32
      %dma_start3A_420 = tpu.memref_slice %arg8[%add3A_400, %dma_start3A_419] : memref<125x80xi32, #tpu.memory_space<vmem>> -> memref<1x80xi32, #tpu.memory_space<vmem>>
      %dma_start3A_421 = tpu.memref_squeeze %dma_start3A_420 : memref<1x80xi32, #tpu.memory_space<vmem>> -> memref<80xi32, #tpu.memory_space<vmem>>
      %dma_start3A_422 = arith.constant 0 : i32
      %dma_start3A_423 = arith.constant 0 : i32
      %dma_start3A_424 = tpu.memref_slice %arg15[%dma_start3A_422, %dma_start3A_423] : memref<10000x16xf32, #tpu.memory_space<vmem_shared>> -> memref<10000x16xf32, #tpu.memory_space<vmem_shared>>
      %dma_start3A_425 = tpu.memref_slice %arg17[%rem3A_401] : memref<6x!tpu.dma_semaphore, #tpu.memory_space<semaphore_mem>> -> memref<1x!tpu.dma_semaphore, #tpu.memory_space<semaphore_mem>>
      %dma_start3A_426 = tpu.memref_squeeze %dma_start3A_425 : memref<1x!tpu.dma_semaphore, #tpu.memory_space<semaphore_mem>> -> memref<!tpu.dma_semaphore, #tpu.memory_space<semaphore_mem>>
      tpu.enqueue_indirect_dma source(%dma_start3A_424 : memref<10000x16xf32, #tpu.memory_space<vmem_shared>>) target(%dma_start3A_418 : memref<80x16xf32, #tpu.memory_space<vmem>>) offsets(%dma_start3A_421 : memref<80xi32, #tpu.memory_space<vmem>>) semaphore(%dma_start3A_426 : memref<!tpu.dma_semaphore, #tpu.memory_space<semaphore_mem>>)
      %rem3A_427 = arith.constant 6 : i32
      %rem3A_428 = arith.remsi %scan3A_398, %rem3A_427 : i32
      %dma_wait3A_429 = arith.constant 0 : i32
      %dma_wait3A_430 = arith.constant 0 : i32
      %dma_wait3A_431 = tpu.memref_slice %arg10[%rem3A_428, %dma_wait3A_429, %dma_wait3A_430] : memref<6x80x16xf32, #tpu.memory_space<vmem>> -> memref<1x80x16xf32, #tpu.memory_space<vmem>>
      %dma_wait3A_432 = tpu.memref_squeeze %dma_wait3A_431 : memref<1x80x16xf32, #tpu.memory_space<vmem>> -> memref<80x16xf32, #tpu.memory_space<vmem>>
      %dma_wait3A_433 = arith.constant 0 : i32
      %dma_wait3A_434 = tpu.memref_slice %arg8[%scan3A_398, %dma_wait3A_433] : memref<125x80xi32, #tpu.memory_space<vmem>> -> memref<1x80xi32, #tpu.memory_space<vmem>>
      %dma_wait3A_435 = tpu.memref_squeeze %dma_wait3A_434 : memref<1x80xi32, #tpu.memory_space<vmem>> -> memref<80xi32, #tpu.memory_space<vmem>>
      %dma_wait3A_436 = arith.constant 0 : i32
      %dma_wait3A_437 = arith.constant 0 : i32
      %dma_wait3A_438 = tpu.memref_slice %arg15[%dma_wait3A_436, %dma_wait3A_437] : memref<10000x16xf32, #tpu.memory_space<vmem_shared>> -> memref<10000x16xf32, #tpu.memory_space<vmem_shared>>
      %dma_wait3A_439 = tpu.memref_slice %arg17[%rem3A_428] : memref<6x!tpu.dma_semaphore, #tpu.memory_space<semaphore_mem>> -> memref<1x!tpu.dma_semaphore, #tpu.memory_space<semaphore_mem>>
      %dma_wait3A_440 = tpu.memref_squeeze %dma_wait3A_439 : memref<1x!tpu.dma_semaphore, #tpu.memory_space<semaphore_mem>> -> memref<!tpu.dma_semaphore, #tpu.memory_space<semaphore_mem>>
      tpu.wait_indirect_dma semaphore(%dma_wait3A_440 : memref<!tpu.dma_semaphore, #tpu.memory_space<semaphore_mem>>) src(%dma_wait3A_438 : memref<10000x16xf32, #tpu.memory_space<vmem_shared>>) dst(%dma_wait3A_432 : memref<80x16xf32, #tpu.memory_space<vmem>>)
      %dma_start3A_441 = arith.constant 0 : i32
      %dma_start3A_442 = arith.constant 0 : i32
      %dma_start3A_443 = tpu.memref_slice %arg10[%rem3A_428, %dma_start3A_441, %dma_start3A_442] : memref<6x80x16xf32, #tpu.memory_space<vmem>> -> memref<1x80x16xf32, #tpu.memory_space<vmem>>
      %dma_start3A_444 = tpu.memref_squeeze %dma_start3A_443 : memref<1x80x16xf32, #tpu.memory_space<vmem>> -> memref<80x16xf32, #tpu.memory_space<vmem>>
      %dma_start3A_445 = arith.constant 0 : i32
      %dma_start3A_446 = tpu.memref_slice %arg9[%scan3A_398, %dma_start3A_445] : memref<125x80xi32, #tpu.memory_space<vmem>> -> memref<1x80xi32, #tpu.memory_space<vmem>>
      %dma_start3A_447 = tpu.memref_squeeze %dma_start3A_446 : memref<1x80xi32, #tpu.memory_space<vmem>> -> memref<80xi32, #tpu.memory_space<vmem>>
      %dma_start3A_448 = arith.constant 0 : i32
      %dma_start3A_449 = arith.constant 0 : i32
      %dma_start3A_450 = tpu.memref_slice %arg16[%dma_start3A_448, %dma_start3A_449] : memref<10000x16xf32, #tpu.memory_space<vmem_shared>> -> memref<10000x16xf32, #tpu.memory_space<vmem_shared>>
      %dma_start3A_451 = tpu.memref_slice %arg18[%rem3A_428] : memref<6x!tpu.dma_semaphore, #tpu.memory_space<semaphore_mem>> -> memref<1x!tpu.dma_semaphore, #tpu.memory_space<semaphore_mem>>
      %dma_start3A_452 = tpu.memref_squeeze %dma_start3A_451 : memref<1x!tpu.dma_semaphore, #tpu.memory_space<semaphore_mem>> -> memref<!tpu.dma_semaphore, #tpu.memory_space<semaphore_mem>>
      tpu.enqueue_indirect_dma source(%dma_start3A_444 : memref<80x16xf32, #tpu.memory_space<vmem>>) target(%dma_start3A_450 : memref<10000x16xf32, #tpu.memory_space<vmem_shared>>) offsets(%dma_start3A_447 : memref<80xi32, #tpu.memory_space<vmem>>) semaphore(%dma_start3A_452 : memref<!tpu.dma_semaphore, #tpu.memory_space<semaphore_mem>>) {add = true}
    }
    %scan3A_205 = arith.constant 119 : i32
    %dma_wait3A_206 = arith.constant 122 : i32
    %dma_wait3A_207 = arith.constant 2 : i32
    %dma_wait3A_208 = arith.constant 2 : i32
    %dma_wait3A_209 = arith.constant 0 : i32
    %dma_wait3A_210 = arith.constant 0 : i32
    %dma_wait3A_211 = tpu.memref_slice %arg10[%dma_wait3A_207, %dma_wait3A_209, %dma_wait3A_210] : memref<6x80x16xf32, #tpu.memory_space<vmem>> -> memref<1x80x16xf32, #tpu.memory_space<vmem>>
    %dma_wait3A_212 = tpu.memref_squeeze %dma_wait3A_211 : memref<1x80x16xf32, #tpu.memory_space<vmem>> -> memref<80x16xf32, #tpu.memory_space<vmem>>
    %dma_wait3A_213 = arith.constant 0 : i32
    %dma_wait3A_214 = tpu.memref_slice %arg8[%dma_wait3A_206, %dma_wait3A_213] : memref<125x80xi32, #tpu.memory_space<vmem>> -> memref<1x80xi32, #tpu.memory_space<vmem>>
    %dma_wait3A_215 = tpu.memref_squeeze %dma_wait3A_214 : memref<1x80xi32, #tpu.memory_space<vmem>> -> memref<80xi32, #tpu.memory_space<vmem>>
    %dma_wait3A_216 = arith.constant 0 : i32
    %dma_wait3A_217 = arith.constant 0 : i32
    %dma_wait3A_218 = tpu.memref_slice %arg15[%dma_wait3A_216, %dma_wait3A_217] : memref<10000x16xf32, #tpu.memory_space<vmem_shared>> -> memref<10000x16xf32, #tpu.memory_space<vmem_shared>>
    %dma_wait3A_219 = tpu.memref_slice %arg17[%dma_wait3A_208] : memref<6x!tpu.dma_semaphore, #tpu.memory_space<semaphore_mem>> -> memref<1x!tpu.dma_semaphore, #tpu.memory_space<semaphore_mem>>
    %dma_wait3A_220 = tpu.memref_squeeze %dma_wait3A_219 : memref<1x!tpu.dma_semaphore, #tpu.memory_space<semaphore_mem>> -> memref<!tpu.dma_semaphore, #tpu.memory_space<semaphore_mem>>
    tpu.wait_indirect_dma semaphore(%dma_wait3A_220 : memref<!tpu.dma_semaphore, #tpu.memory_space<semaphore_mem>>) src(%dma_wait3A_218 : memref<10000x16xf32, #tpu.memory_space<vmem_shared>>) dst(%dma_wait3A_212 : memref<80x16xf32, #tpu.memory_space<vmem>>)
    %dma_start3A_221 = arith.constant 2 : i32
    %dma_start3A_222 = arith.constant 122 : i32
    %dma_start3A_223 = arith.constant 2 : i32
    %dma_start3A_224 = arith.constant 0 : i32
    %dma_start3A_225 = arith.constant 0 : i32
    %dma_start3A_226 = tpu.memref_slice %arg10[%dma_start3A_221, %dma_start3A_224, %dma_start3A_225] : memref<6x80x16xf32, #tpu.memory_space<vmem>> -> memref<1x80x16xf32, #tpu.memory_space<vmem>>
    %dma_start3A_227 = tpu.memref_squeeze %dma_start3A_226 : memref<1x80x16xf32, #tpu.memory_space<vmem>> -> memref<80x16xf32, #tpu.memory_space<vmem>>
    %dma_start3A_228 = arith.constant 0 : i32
    %dma_start3A_229 = tpu.memref_slice %arg9[%dma_start3A_222, %dma_start3A_228] : memref<125x80xi32, #tpu.memory_space<vmem>> -> memref<1x80xi32, #tpu.memory_space<vmem>>
    %dma_start3A_230 = tpu.memref_squeeze %dma_start3A_229 : memref<1x80xi32, #tpu.memory_space<vmem>> -> memref<80xi32, #tpu.memory_space<vmem>>
    %dma_start3A_231 = arith.constant 0 : i32
    %dma_start3A_232 = arith.constant 0 : i32
    %dma_start3A_233 = tpu.memref_slice %arg16[%dma_start3A_231, %dma_start3A_232] : memref<10000x16xf32, #tpu.memory_space<vmem_shared>> -> memref<10000x16xf32, #tpu.memory_space<vmem_shared>>
    %dma_start3A_234 = tpu.memref_slice %arg18[%dma_start3A_223] : memref<6x!tpu.dma_semaphore, #tpu.memory_space<semaphore_mem>> -> memref<1x!tpu.dma_semaphore, #tpu.memory_space<semaphore_mem>>
    %dma_start3A_235 = tpu.memref_squeeze %dma_start3A_234 : memref<1x!tpu.dma_semaphore, #tpu.memory_space<semaphore_mem>> -> memref<!tpu.dma_semaphore, #tpu.memory_space<semaphore_mem>>
    tpu.enqueue_indirect_dma source(%dma_start3A_227 : memref<80x16xf32, #tpu.memory_space<vmem>>) target(%dma_start3A_233 : memref<10000x16xf32, #tpu.memory_space<vmem_shared>>) offsets(%dma_start3A_230 : memref<80xi32, #tpu.memory_space<vmem>>) semaphore(%dma_start3A_235 : memref<!tpu.dma_semaphore, #tpu.memory_space<semaphore_mem>>) {add = true}
    %dma_wait3A_236 = arith.constant 123 : i32
    %dma_wait3A_237 = arith.constant 3 : i32
    %dma_wait3A_238 = arith.constant 3 : i32
    %dma_wait3A_239 = arith.constant 0 : i32
    %dma_wait3A_240 = arith.constant 0 : i32
    %dma_wait3A_241 = tpu.memref_slice %arg10[%dma_wait3A_237, %dma_wait3A_239, %dma_wait3A_240] : memref<6x80x16xf32, #tpu.memory_space<vmem>> -> memref<1x80x16xf32, #tpu.memory_space<vmem>>
    %dma_wait3A_242 = tpu.memref_squeeze %dma_wait3A_241 : memref<1x80x16xf32, #tpu.memory_space<vmem>> -> memref<80x16xf32, #tpu.memory_space<vmem>>
    %dma_wait3A_243 = arith.constant 0 : i32
    %dma_wait3A_244 = tpu.memref_slice %arg8[%dma_wait3A_236, %dma_wait3A_243] : memref<125x80xi32, #tpu.memory_space<vmem>> -> memref<1x80xi32, #tpu.memory_space<vmem>>
    %dma_wait3A_245 = tpu.memref_squeeze %dma_wait3A_244 : memref<1x80xi32, #tpu.memory_space<vmem>> -> memref<80xi32, #tpu.memory_space<vmem>>
    %dma_wait3A_246 = arith.constant 0 : i32
    %dma_wait3A_247 = arith.constant 0 : i32
    %dma_wait3A_248 = tpu.memref_slice %arg15[%dma_wait3A_246, %dma_wait3A_247] : memref<10000x16xf32, #tpu.memory_space<vmem_shared>> -> memref<10000x16xf32, #tpu.memory_space<vmem_shared>>
    %dma_wait3A_249 = tpu.memref_slice %arg17[%dma_wait3A_238] : memref<6x!tpu.dma_semaphore, #tpu.memory_space<semaphore_mem>> -> memref<1x!tpu.dma_semaphore, #tpu.memory_space<semaphore_mem>>
    %dma_wait3A_250 = tpu.memref_squeeze %dma_wait3A_249 : memref<1x!tpu.dma_semaphore, #tpu.memory_space<semaphore_mem>> -> memref<!tpu.dma_semaphore, #tpu.memory_space<semaphore_mem>>
    tpu.wait_indirect_dma semaphore(%dma_wait3A_250 : memref<!tpu.dma_semaphore, #tpu.memory_space<semaphore_mem>>) src(%dma_wait3A_248 : memref<10000x16xf32, #tpu.memory_space<vmem_shared>>) dst(%dma_wait3A_242 : memref<80x16xf32, #tpu.memory_space<vmem>>)
    %dma_start3A_251 = arith.constant 3 : i32
    %dma_start3A_252 = arith.constant 123 : i32
    %dma_start3A_253 = arith.constant 3 : i32
    %dma_start3A_254 = arith.constant 0 : i32
    %dma_start3A_255 = arith.constant 0 : i32
    %dma_start3A_256 = tpu.memref_slice %arg10[%dma_start3A_251, %dma_start3A_254, %dma_start3A_255] : memref<6x80x16xf32, #tpu.memory_space<vmem>> -> memref<1x80x16xf32, #tpu.memory_space<vmem>>
    %dma_start3A_257 = tpu.memref_squeeze %dma_start3A_256 : memref<1x80x16xf32, #tpu.memory_space<vmem>> -> memref<80x16xf32, #tpu.memory_space<vmem>>
    %dma_start3A_258 = arith.constant 0 : i32
    %dma_start3A_259 = tpu.memref_slice %arg9[%dma_start3A_252, %dma_start3A_258] : memref<125x80xi32, #tpu.memory_space<vmem>> -> memref<1x80xi32, #tpu.memory_space<vmem>>
    %dma_start3A_260 = tpu.memref_squeeze %dma_start3A_259 : memref<1x80xi32, #tpu.memory_space<vmem>> -> memref<80xi32, #tpu.memory_space<vmem>>
    %dma_start3A_261 = arith.constant 0 : i32
    %dma_start3A_262 = arith.constant 0 : i32
    %dma_start3A_263 = tpu.memref_slice %arg16[%dma_start3A_261, %dma_start3A_262] : memref<10000x16xf32, #tpu.memory_space<vmem_shared>> -> memref<10000x16xf32, #tpu.memory_space<vmem_shared>>
    %dma_start3A_264 = tpu.memref_slice %arg18[%dma_start3A_253] : memref<6x!tpu.dma_semaphore, #tpu.memory_space<semaphore_mem>> -> memref<1x!tpu.dma_semaphore, #tpu.memory_space<semaphore_mem>>
    %dma_start3A_265 = tpu.memref_squeeze %dma_start3A_264 : memref<1x!tpu.dma_semaphore, #tpu.memory_space<semaphore_mem>> -> memref<!tpu.dma_semaphore, #tpu.memory_space<semaphore_mem>>
    tpu.enqueue_indirect_dma source(%dma_start3A_257 : memref<80x16xf32, #tpu.memory_space<vmem>>) target(%dma_start3A_263 : memref<10000x16xf32, #tpu.memory_space<vmem_shared>>) offsets(%dma_start3A_260 : memref<80xi32, #tpu.memory_space<vmem>>) semaphore(%dma_start3A_265 : memref<!tpu.dma_semaphore, #tpu.memory_space<semaphore_mem>>) {add = true}
    %dma_wait3A_266 = arith.constant 124 : i32
    %dma_wait3A_267 = arith.constant 4 : i32
    %dma_wait3A_268 = arith.constant 4 : i32
    %dma_wait3A_269 = arith.constant 0 : i32
    %dma_wait3A_270 = arith.constant 0 : i32
    %dma_wait3A_271 = tpu.memref_slice %arg10[%dma_wait3A_267, %dma_wait3A_269, %dma_wait3A_270] : memref<6x80x16xf32, #tpu.memory_space<vmem>> -> memref<1x80x16xf32, #tpu.memory_space<vmem>>
    %dma_wait3A_272 = tpu.memref_squeeze %dma_wait3A_271 : memref<1x80x16xf32, #tpu.memory_space<vmem>> -> memref<80x16xf32, #tpu.memory_space<vmem>>
    %dma_wait3A_273 = arith.constant 0 : i32
    %dma_wait3A_274 = tpu.memref_slice %arg8[%dma_wait3A_266, %dma_wait3A_273] : memref<125x80xi32, #tpu.memory_space<vmem>> -> memref<1x80xi32, #tpu.memory_space<vmem>>
    %dma_wait3A_275 = tpu.memref_squeeze %dma_wait3A_274 : memref<1x80xi32, #tpu.memory_space<vmem>> -> memref<80xi32, #tpu.memory_space<vmem>>
    %dma_wait3A_276 = arith.constant 0 : i32
    %dma_wait3A_277 = arith.constant 0 : i32
    %dma_wait3A_278 = tpu.memref_slice %arg15[%dma_wait3A_276, %dma_wait3A_277] : memref<10000x16xf32, #tpu.memory_space<vmem_shared>> -> memref<10000x16xf32, #tpu.memory_space<vmem_shared>>
    %dma_wait3A_279 = tpu.memref_slice %arg17[%dma_wait3A_268] : memref<6x!tpu.dma_semaphore, #tpu.memory_space<semaphore_mem>> -> memref<1x!tpu.dma_semaphore, #tpu.memory_space<semaphore_mem>>
    %dma_wait3A_280 = tpu.memref_squeeze %dma_wait3A_279 : memref<1x!tpu.dma_semaphore, #tpu.memory_space<semaphore_mem>> -> memref<!tpu.dma_semaphore, #tpu.memory_space<semaphore_mem>>
    tpu.wait_indirect_dma semaphore(%dma_wait3A_280 : memref<!tpu.dma_semaphore, #tpu.memory_space<semaphore_mem>>) src(%dma_wait3A_278 : memref<10000x16xf32, #tpu.memory_space<vmem_shared>>) dst(%dma_wait3A_272 : memref<80x16xf32, #tpu.memory_space<vmem>>)
    %dma_start3A_281 = arith.constant 4 : i32
    %dma_start3A_282 = arith.constant 124 : i32
    %dma_start3A_283 = arith.constant 4 : i32
    %dma_start3A_284 = arith.constant 0 : i32
    %dma_start3A_285 = arith.constant 0 : i32
    %dma_start3A_286 = tpu.memref_slice %arg10[%dma_start3A_281, %dma_start3A_284, %dma_start3A_285] : memref<6x80x16xf32, #tpu.memory_space<vmem>> -> memref<1x80x16xf32, #tpu.memory_space<vmem>>
    %dma_start3A_287 = tpu.memref_squeeze %dma_start3A_286 : memref<1x80x16xf32, #tpu.memory_space<vmem>> -> memref<80x16xf32, #tpu.memory_space<vmem>>
    %dma_start3A_288 = arith.constant 0 : i32
    %dma_start3A_289 = tpu.memref_slice %arg9[%dma_start3A_282, %dma_start3A_288] : memref<125x80xi32, #tpu.memory_space<vmem>> -> memref<1x80xi32, #tpu.memory_space<vmem>>
    %dma_start3A_290 = tpu.memref_squeeze %dma_start3A_289 : memref<1x80xi32, #tpu.memory_space<vmem>> -> memref<80xi32, #tpu.memory_space<vmem>>
    %dma_start3A_291 = arith.constant 0 : i32
    %dma_start3A_292 = arith.constant 0 : i32
    %dma_start3A_293 = tpu.memref_slice %arg16[%dma_start3A_291, %dma_start3A_292] : memref<10000x16xf32, #tpu.memory_space<vmem_shared>> -> memref<10000x16xf32, #tpu.memory_space<vmem_shared>>
    %dma_start3A_294 = tpu.memref_slice %arg18[%dma_start3A_283] : memref<6x!tpu.dma_semaphore, #tpu.memory_space<semaphore_mem>> -> memref<1x!tpu.dma_semaphore, #tpu.memory_space<semaphore_mem>>
    %dma_start3A_295 = tpu.memref_squeeze %dma_start3A_294 : memref<1x!tpu.dma_semaphore, #tpu.memory_space<semaphore_mem>> -> memref<!tpu.dma_semaphore, #tpu.memory_space<semaphore_mem>>
    tpu.enqueue_indirect_dma source(%dma_start3A_287 : memref<80x16xf32, #tpu.memory_space<vmem>>) target(%dma_start3A_293 : memref<10000x16xf32, #tpu.memory_space<vmem_shared>>) offsets(%dma_start3A_290 : memref<80xi32, #tpu.memory_space<vmem>>) semaphore(%dma_start3A_295 : memref<!tpu.dma_semaphore, #tpu.memory_space<semaphore_mem>>) {add = true}
    %dma_wait3A_296 = arith.constant 5 : i32
    %dma_wait3A_297 = arith.constant 119 : i32
    %dma_wait3A_298 = arith.constant 5 : i32
    %dma_wait3A_299 = arith.constant 0 : i32
    %dma_wait3A_300 = arith.constant 0 : i32
    %dma_wait3A_301 = tpu.memref_slice %arg10[%dma_wait3A_296, %dma_wait3A_299, %dma_wait3A_300] : memref<6x80x16xf32, #tpu.memory_space<vmem>> -> memref<1x80x16xf32, #tpu.memory_space<vmem>>
    %dma_wait3A_302 = tpu.memref_squeeze %dma_wait3A_301 : memref<1x80x16xf32, #tpu.memory_space<vmem>> -> memref<80x16xf32, #tpu.memory_space<vmem>>
    %dma_wait3A_303 = arith.constant 0 : i32
    %dma_wait3A_304 = tpu.memref_slice %arg9[%dma_wait3A_297, %dma_wait3A_303] : memref<125x80xi32, #tpu.memory_space<vmem>> -> memref<1x80xi32, #tpu.memory_space<vmem>>
    %dma_wait3A_305 = tpu.memref_squeeze %dma_wait3A_304 : memref<1x80xi32, #tpu.memory_space<vmem>> -> memref<80xi32, #tpu.memory_space<vmem>>
    %dma_wait3A_306 = arith.constant 0 : i32
    %dma_wait3A_307 = arith.constant 0 : i32
    %dma_wait3A_308 = tpu.memref_slice %arg16[%dma_wait3A_306, %dma_wait3A_307] : memref<10000x16xf32, #tpu.memory_space<vmem_shared>> -> memref<10000x16xf32, #tpu.memory_space<vmem_shared>>
    %dma_wait3A_309 = tpu.memref_slice %arg18[%dma_wait3A_298] : memref<6x!tpu.dma_semaphore, #tpu.memory_space<semaphore_mem>> -> memref<1x!tpu.dma_semaphore, #tpu.memory_space<semaphore_mem>>
    %dma_wait3A_310 = tpu.memref_squeeze %dma_wait3A_309 : memref<1x!tpu.dma_semaphore, #tpu.memory_space<semaphore_mem>> -> memref<!tpu.dma_semaphore, #tpu.memory_space<semaphore_mem>>
    tpu.wait_indirect_dma semaphore(%dma_wait3A_310 : memref<!tpu.dma_semaphore, #tpu.memory_space<semaphore_mem>>) src(%dma_wait3A_302 : memref<80x16xf32, #tpu.memory_space<vmem>>) dst(%dma_wait3A_308 : memref<10000x16xf32, #tpu.memory_space<vmem_shared>>)
    %dma_wait3A_311 = arith.constant 0 : i32
    %dma_wait3A_312 = arith.constant 120 : i32
    %dma_wait3A_313 = arith.constant 0 : i32
    %dma_wait3A_314 = arith.constant 0 : i32
    %dma_wait3A_315 = arith.constant 0 : i32
    %dma_wait3A_316 = tpu.memref_slice %arg10[%dma_wait3A_311, %dma_wait3A_314, %dma_wait3A_315] : memref<6x80x16xf32, #tpu.memory_space<vmem>> -> memref<1x80x16xf32, #tpu.memory_space<vmem>>
    %dma_wait3A_317 = tpu.memref_squeeze %dma_wait3A_316 : memref<1x80x16xf32, #tpu.memory_space<vmem>> -> memref<80x16xf32, #tpu.memory_space<vmem>>
    %dma_wait3A_318 = arith.constant 0 : i32
    %dma_wait3A_319 = tpu.memref_slice %arg9[%dma_wait3A_312, %dma_wait3A_318] : memref<125x80xi32, #tpu.memory_space<vmem>> -> memref<1x80xi32, #tpu.memory_space<vmem>>
    %dma_wait3A_320 = tpu.memref_squeeze %dma_wait3A_319 : memref<1x80xi32, #tpu.memory_space<vmem>> -> memref<80xi32, #tpu.memory_space<vmem>>
    %dma_wait3A_321 = arith.constant 0 : i32
    %dma_wait3A_322 = arith.constant 0 : i32
    %dma_wait3A_323 = tpu.memref_slice %arg16[%dma_wait3A_321, %dma_wait3A_322] : memref<10000x16xf32, #tpu.memory_space<vmem_shared>> -> memref<10000x16xf32, #tpu.memory_space<vmem_shared>>
    %dma_wait3A_324 = tpu.memref_slice %arg18[%dma_wait3A_313] : memref<6x!tpu.dma_semaphore, #tpu.memory_space<semaphore_mem>> -> memref<1x!tpu.dma_semaphore, #tpu.memory_space<semaphore_mem>>
    %dma_wait3A_325 = tpu.memref_squeeze %dma_wait3A_324 : memref<1x!tpu.dma_semaphore, #tpu.memory_space<semaphore_mem>> -> memref<!tpu.dma_semaphore, #tpu.memory_space<semaphore_mem>>
    tpu.wait_indirect_dma semaphore(%dma_wait3A_325 : memref<!tpu.dma_semaphore, #tpu.memory_space<semaphore_mem>>) src(%dma_wait3A_317 : memref<80x16xf32, #tpu.memory_space<vmem>>) dst(%dma_wait3A_323 : memref<10000x16xf32, #tpu.memory_space<vmem_shared>>)
    %dma_wait3A_326 = arith.constant 1 : i32
    %dma_wait3A_327 = arith.constant 121 : i32
    %dma_wait3A_328 = arith.constant 1 : i32
    %dma_wait3A_329 = arith.constant 0 : i32
    %dma_wait3A_330 = arith.constant 0 : i32
    %dma_wait3A_331 = tpu.memref_slice %arg10[%dma_wait3A_326, %dma_wait3A_329, %dma_wait3A_330] : memref<6x80x16xf32, #tpu.memory_space<vmem>> -> memref<1x80x16xf32, #tpu.memory_space<vmem>>
    %dma_wait3A_332 = tpu.memref_squeeze %dma_wait3A_331 : memref<1x80x16xf32, #tpu.memory_space<vmem>> -> memref<80x16xf32, #tpu.memory_space<vmem>>
    %dma_wait3A_333 = arith.constant 0 : i32
    %dma_wait3A_334 = tpu.memref_slice %arg9[%dma_wait3A_327, %dma_wait3A_333] : memref<125x80xi32, #tpu.memory_space<vmem>> -> memref<1x80xi32, #tpu.memory_space<vmem>>
    %dma_wait3A_335 = tpu.memref_squeeze %dma_wait3A_334 : memref<1x80xi32, #tpu.memory_space<vmem>> -> memref<80xi32, #tpu.memory_space<vmem>>
    %dma_wait3A_336 = arith.constant 0 : i32
    %dma_wait3A_337 = arith.constant 0 : i32
    %dma_wait3A_338 = tpu.memref_slice %arg16[%dma_wait3A_336, %dma_wait3A_337] : memref<10000x16xf32, #tpu.memory_space<vmem_shared>> -> memref<10000x16xf32, #tpu.memory_space<vmem_shared>>
    %dma_wait3A_339 = tpu.memref_slice %arg18[%dma_wait3A_328] : memref<6x!tpu.dma_semaphore, #tpu.memory_space<semaphore_mem>> -> memref<1x!tpu.dma_semaphore, #tpu.memory_space<semaphore_mem>>
    %dma_wait3A_340 = tpu.memref_squeeze %dma_wait3A_339 : memref<1x!tpu.dma_semaphore, #tpu.memory_space<semaphore_mem>> -> memref<!tpu.dma_semaphore, #tpu.memory_space<semaphore_mem>>
    tpu.wait_indirect_dma semaphore(%dma_wait3A_340 : memref<!tpu.dma_semaphore, #tpu.memory_space<semaphore_mem>>) src(%dma_wait3A_332 : memref<80x16xf32, #tpu.memory_space<vmem>>) dst(%dma_wait3A_338 : memref<10000x16xf32, #tpu.memory_space<vmem_shared>>)
    %dma_wait3A_341 = arith.constant 2 : i32
    %dma_wait3A_342 = arith.constant 122 : i32
    %dma_wait3A_343 = arith.constant 2 : i32
    %dma_wait3A_344 = arith.constant 0 : i32
    %dma_wait3A_345 = arith.constant 0 : i32
    %dma_wait3A_346 = tpu.memref_slice %arg10[%dma_wait3A_341, %dma_wait3A_344, %dma_wait3A_345] : memref<6x80x16xf32, #tpu.memory_space<vmem>> -> memref<1x80x16xf32, #tpu.memory_space<vmem>>
    %dma_wait3A_347 = tpu.memref_squeeze %dma_wait3A_346 : memref<1x80x16xf32, #tpu.memory_space<vmem>> -> memref<80x16xf32, #tpu.memory_space<vmem>>
    %dma_wait3A_348 = arith.constant 0 : i32
    %dma_wait3A_349 = tpu.memref_slice %arg9[%dma_wait3A_342, %dma_wait3A_348] : memref<125x80xi32, #tpu.memory_space<vmem>> -> memref<1x80xi32, #tpu.memory_space<vmem>>
    %dma_wait3A_350 = tpu.memref_squeeze %dma_wait3A_349 : memref<1x80xi32, #tpu.memory_space<vmem>> -> memref<80xi32, #tpu.memory_space<vmem>>
    %dma_wait3A_351 = arith.constant 0 : i32
    %dma_wait3A_352 = arith.constant 0 : i32
    %dma_wait3A_353 = tpu.memref_slice %arg16[%dma_wait3A_351, %dma_wait3A_352] : memref<10000x16xf32, #tpu.memory_space<vmem_shared>> -> memref<10000x16xf32, #tpu.memory_space<vmem_shared>>
    %dma_wait3A_354 = tpu.memref_slice %arg18[%dma_wait3A_343] : memref<6x!tpu.dma_semaphore, #tpu.memory_space<semaphore_mem>> -> memref<1x!tpu.dma_semaphore, #tpu.memory_space<semaphore_mem>>
    %dma_wait3A_355 = tpu.memref_squeeze %dma_wait3A_354 : memref<1x!tpu.dma_semaphore, #tpu.memory_space<semaphore_mem>> -> memref<!tpu.dma_semaphore, #tpu.memory_space<semaphore_mem>>
    tpu.wait_indirect_dma semaphore(%dma_wait3A_355 : memref<!tpu.dma_semaphore, #tpu.memory_space<semaphore_mem>>) src(%dma_wait3A_347 : memref<80x16xf32, #tpu.memory_space<vmem>>) dst(%dma_wait3A_353 : memref<10000x16xf32, #tpu.memory_space<vmem_shared>>)
    %dma_wait3A_356 = arith.constant 3 : i32
    %dma_wait3A_357 = arith.constant 123 : i32
    %dma_wait3A_358 = arith.constant 3 : i32
    %dma_wait3A_359 = arith.constant 0 : i32
    %dma_wait3A_360 = arith.constant 0 : i32
    %dma_wait3A_361 = tpu.memref_slice %arg10[%dma_wait3A_356, %dma_wait3A_359, %dma_wait3A_360] : memref<6x80x16xf32, #tpu.memory_space<vmem>> -> memref<1x80x16xf32, #tpu.memory_space<vmem>>
    %dma_wait3A_362 = tpu.memref_squeeze %dma_wait3A_361 : memref<1x80x16xf32, #tpu.memory_space<vmem>> -> memref<80x16xf32, #tpu.memory_space<vmem>>
    %dma_wait3A_363 = arith.constant 0 : i32
    %dma_wait3A_364 = tpu.memref_slice %arg9[%dma_wait3A_357, %dma_wait3A_363] : memref<125x80xi32, #tpu.memory_space<vmem>> -> memref<1x80xi32, #tpu.memory_space<vmem>>
    %dma_wait3A_365 = tpu.memref_squeeze %dma_wait3A_364 : memref<1x80xi32, #tpu.memory_space<vmem>> -> memref<80xi32, #tpu.memory_space<vmem>>
    %dma_wait3A_366 = arith.constant 0 : i32
    %dma_wait3A_367 = arith.constant 0 : i32
    %dma_wait3A_368 = tpu.memref_slice %arg16[%dma_wait3A_366, %dma_wait3A_367] : memref<10000x16xf32, #tpu.memory_space<vmem_shared>> -> memref<10000x16xf32, #tpu.memory_space<vmem_shared>>
    %dma_wait3A_369 = tpu.memref_slice %arg18[%dma_wait3A_358] : memref<6x!tpu.dma_semaphore, #tpu.memory_space<semaphore_mem>> -> memref<1x!tpu.dma_semaphore, #tpu.memory_space<semaphore_mem>>
    %dma_wait3A_370 = tpu.memref_squeeze %dma_wait3A_369 : memref<1x!tpu.dma_semaphore, #tpu.memory_space<semaphore_mem>> -> memref<!tpu.dma_semaphore, #tpu.memory_space<semaphore_mem>>
    tpu.wait_indirect_dma semaphore(%dma_wait3A_370 : memref<!tpu.dma_semaphore, #tpu.memory_space<semaphore_mem>>) src(%dma_wait3A_362 : memref<80x16xf32, #tpu.memory_space<vmem>>) dst(%dma_wait3A_368 : memref<10000x16xf32, #tpu.memory_space<vmem_shared>>)
    %dma_wait3A_371 = arith.constant 4 : i32
    %dma_wait3A_372 = arith.constant 124 : i32
    %dma_wait3A_373 = arith.constant 4 : i32
    %dma_wait3A_374 = arith.constant 0 : i32
    %dma_wait3A_375 = arith.constant 0 : i32
    %dma_wait3A_376 = tpu.memref_slice %arg10[%dma_wait3A_371, %dma_wait3A_374, %dma_wait3A_375] : memref<6x80x16xf32, #tpu.memory_space<vmem>> -> memref<1x80x16xf32, #tpu.memory_space<vmem>>
    %dma_wait3A_377 = tpu.memref_squeeze %dma_wait3A_376 : memref<1x80x16xf32, #tpu.memory_space<vmem>> -> memref<80x16xf32, #tpu.memory_space<vmem>>
    %dma_wait3A_378 = arith.constant 0 : i32
    %dma_wait3A_379 = tpu.memref_slice %arg9[%dma_wait3A_372, %dma_wait3A_378] : memref<125x80xi32, #tpu.memory_space<vmem>> -> memref<1x80xi32, #tpu.memory_space<vmem>>
    %dma_wait3A_380 = tpu.memref_squeeze %dma_wait3A_379 : memref<1x80xi32, #tpu.memory_space<vmem>> -> memref<80xi32, #tpu.memory_space<vmem>>
    %dma_wait3A_381 = arith.constant 0 : i32
    %dma_wait3A_382 = arith.constant 0 : i32
    %dma_wait3A_383 = tpu.memref_slice %arg16[%dma_wait3A_381, %dma_wait3A_382] : memref<10000x16xf32, #tpu.memory_space<vmem_shared>> -> memref<10000x16xf32, #tpu.memory_space<vmem_shared>>
    %dma_wait3A_384 = tpu.memref_slice %arg18[%dma_wait3A_373] : memref<6x!tpu.dma_semaphore, #tpu.memory_space<semaphore_mem>> -> memref<1x!tpu.dma_semaphore, #tpu.memory_space<semaphore_mem>>
    %dma_wait3A_385 = tpu.memref_squeeze %dma_wait3A_384 : memref<1x!tpu.dma_semaphore, #tpu.memory_space<semaphore_mem>> -> memref<!tpu.dma_semaphore, #tpu.memory_space<semaphore_mem>>
    tpu.wait_indirect_dma semaphore(%dma_wait3A_385 : memref<!tpu.dma_semaphore, #tpu.memory_space<semaphore_mem>>) src(%dma_wait3A_377 : memref<80x16xf32, #tpu.memory_space<vmem>>) dst(%dma_wait3A_383 : memref<10000x16xf32, #tpu.memory_space<vmem_shared>>)
    %barrier3A_386 = arith.constant 0 : index
    tpu.barrier barrier_id(%barrier3A_386)
    "tpu.region"() ({
      %run_scoped3A = tpu.sem_alloc : memref<!tpu.dma_semaphore, #tpu.memory_space<semaphore_mem>>
      %dma_start3A_398 = arith.constant 0 : i32
      %dma_start3A_399 = tpu.memref_slice %arg16[%mul3A_2, %dma_start3A_398] : memref<10000x16xf32, #tpu.memory_space<vmem_shared>> -> memref<625x16xf32, #tpu.memory_space<vmem_shared>>
      %dma_start3A_400 = arith.constant 0 : i32
      %dma_start3A_401 = tpu.memref_slice %arg16[%mul3A_2, %dma_start3A_400] : memref<10000x16xf32, #tpu.memory_space<vmem_shared>> -> memref<625x16xf32, #tpu.memory_space<vmem_shared>>
      tpu.enqueue_dma source(%dma_start3A_401 : memref<625x16xf32, #tpu.memory_space<vmem_shared>>) target(%arg11 : memref<625x16xf32, #tpu.memory_space<vmem>>) target_semaphore(%run_scoped3A : memref<!tpu.dma_semaphore, #tpu.memory_space<semaphore_mem>>)
      %dma_wait3A_402 = arith.constant 0 : i32
      %dma_wait3A_403 = tpu.memref_slice %arg16[%mul3A_2, %dma_wait3A_402] : memref<10000x16xf32, #tpu.memory_space<vmem_shared>> -> memref<625x16xf32, #tpu.memory_space<vmem_shared>>
      %dma_wait3A_404 = arith.constant 0 : i32
      %dma_wait3A_405 = tpu.memref_slice %arg16[%mul3A_2, %dma_wait3A_404] : memref<10000x16xf32, #tpu.memory_space<vmem_shared>> -> memref<625x16xf32, #tpu.memory_space<vmem_shared>>
      tpu.wait_dma2 semaphore(%run_scoped3A : memref<!tpu.dma_semaphore, #tpu.memory_space<semaphore_mem>>) src(%dma_wait3A_405 : memref<625x16xf32, #tpu.memory_space<vmem_shared>>) dst(%arg11 : memref<625x16xf32, #tpu.memory_space<vmem>>)
      tpu.yield
    }) : () -> ()
    %scan3A_387 = arith.constant 0 : i32
    %scan3A_388 = arith.constant 0 : i32
    %scan3A_389 = arith.constant 625 : i32
    %scan3A_390 = arith.addi %scan3A_388, %scan3A_389 : i32
    %scan3A_391 = arith.constant 1 : i32
    scf.for %scan3A_398 = %scan3A_388 to %scan3A_390 step %scan3A_391  : i32 {
      %get3A_399 = arith.index_cast %scan3A_398 : i32 to index
      %get3A_400 = arith.constant 0 : index
      %get3A_401 = tpu.vector_load %arg11[%get3A_399, %get3A_400] {strides = array<i32>} : memref<625x16xf32, #tpu.memory_space<vmem>>, vector<16xf32>,
      %get3A_402 = arith.index_cast %scan3A_398 : i32 to index
      %get3A_403 = arith.constant 0 : index
      %get3A_404 = tpu.vector_load %arg13[%get3A_402, %get3A_403] {strides = array<i32>} : memref<625x32xf32, #tpu.memory_space<vmem>>, vector<16xf32>,
      %mul3A_405 = arith.mulf %get3A_401, %get3A_404 : vector<16xf32>
      %swap3A = arith.index_cast %scan3A_398 : i32 to index
      %swap3A_406 = arith.constant 0 : index
      %swap3A_407 = tpu.vector_load %arg11[%swap3A, %swap3A_406] {strides = array<i32>} : memref<625x16xf32, #tpu.memory_space<vmem>>, vector<16xf32>,
      tpu.vector_store %arg11[%swap3A, %swap3A_406], %mul3A_405 {strides = array<i32>} : memref<625x16xf32, #tpu.memory_space<vmem>>, vector<16xf32>,
    }
    %scan3A_392 = arith.constant 625 : i32
    %mul3A_393 = arith.constant 10000 : i32
    %mul3A_394 = arith.muli %arg0, %mul3A_393 : i32
    %mul3A_395 = arith.constant 625 : i32
    %mul3A_396 = arith.muli %arg1, %mul3A_395 : i32
    %add3A_397 = arith.addi %mul3A_394, %mul3A_396 : i32
    "tpu.region"() ({
      %run_scoped3A = tpu.sem_alloc : memref<!tpu.dma_semaphore, #tpu.memory_space<semaphore_mem>>
      %dma_start3A_398 = arith.constant 0 : i32
      %dma_start3A_399 = tpu.memref_slice %arg7[%add3A_397, %dma_start3A_398] : memref<20000x16xf32, #tpu.memory_space<hbm>> -> memref<625x16xf32, #tpu.memory_space<hbm>>
      %dma_start3A_400 = arith.constant 0 : i32
      %dma_start3A_401 = tpu.memref_slice %arg7[%add3A_397, %dma_start3A_400] : memref<20000x16xf32, #tpu.memory_space<hbm>> -> memref<625x16xf32, #tpu.memory_space<hbm>>
      tpu.enqueue_dma source(%arg11 : memref<625x16xf32, #tpu.memory_space<vmem>>) target(%dma_start3A_401 : memref<625x16xf32, #tpu.memory_space<hbm>>) target_semaphore(%run_scoped3A : memref<!tpu.dma_semaphore, #tpu.memory_space<semaphore_mem>>)
      %dma_wait3A_402 = arith.constant 0 : i32
      %dma_wait3A_403 = tpu.memref_slice %arg7[%add3A_397, %dma_wait3A_402] : memref<20000x16xf32, #tpu.memory_space<hbm>> -> memref<625x16xf32, #tpu.memory_space<hbm>>
      %dma_wait3A_404 = arith.constant 0 : i32
      %dma_wait3A_405 = tpu.memref_slice %arg7[%add3A_397, %dma_wait3A_404] : memref<20000x16xf32, #tpu.memory_space<hbm>> -> memref<625x16xf32, #tpu.memory_space<hbm>>
      tpu.wait_dma2 semaphore(%run_scoped3A : memref<!tpu.dma_semaphore, #tpu.memory_space<semaphore_mem>>) src(%arg11 : memref<625x16xf32, #tpu.memory_space<vmem>>) dst(%dma_wait3A_405 : memref<625x16xf32, #tpu.memory_space<hbm>>)
      tpu.yield
    }) : () -> ()
    return
  }
}

module attributes {stable_mosaic.version = 14 : i64} {
  func.func @body(%arg0: memref<10000x128xf32, #tpu.memory_space<vmem>>, %arg1: memref<128x16xf32, #tpu.memory_space<vmem>>, %arg2: memref<10000x32xf32, #tpu.memory_space<vmem>>, %arg3: memref<10000x32xf32, #tpu.memory_space<vmem>>, %arg4: memref<10000x16xf32, #tpu.memory_space<vmem>>, %arg5: memref<10000x32xf32, #tpu.memory_space<vmem>>) attributes {dimension_semantics = [], scalar_prefetch = 0 : i64, scratch_operands = 0 : i64, tpu.core_type = #tpu.core_type<tc>} {
    %get3A = arith.constant 0 : index
    %get3A_0 = arith.constant 0 : index
    %get3A_1 = vector.load %arg2[%get3A, %get3A_0] : memref<10000x32xf32, #tpu.memory_space<vmem>>, vector<10000x32xf32>
    %reduce_sum3A = arith.constant dense<0.000000e+00> : vector<10000xf32>
    %reduce_sum3A_2 = vector.multi_reduction <add>, %get3A_1, %reduce_sum3A [1] : vector<10000x32xf32> to vector<10000xf32>
    %broadcast_in_dim3A = vector.shape_cast %reduce_sum3A_2 : vector<10000xf32> to vector<10000x1xf32>
    %max3A = arith.constant 1.000000e+00 : f32
    %max3A_3 = vector.broadcast %max3A : f32 to vector<10000x1xf32>
    %max3A_4 = arith.maximumf %broadcast_in_dim3A, %max3A_3 : vector<10000x1xf32>
    %get3A_5 = arith.constant 0 : index
    %get3A_6 = arith.constant 0 : index
    %get3A_7 = vector.load %arg3[%get3A_5, %get3A_6] : memref<10000x32xf32, #tpu.memory_space<vmem>>, vector<10000x32xf32>
    %reduce_sum3A_8 = arith.constant dense<0.000000e+00> : vector<10000xf32>
    %reduce_sum3A_9 = vector.multi_reduction <add>, %get3A_7, %reduce_sum3A_8 [1] : vector<10000x32xf32> to vector<10000xf32>
    %broadcast_in_dim3A_10 = vector.shape_cast %reduce_sum3A_9 : vector<10000xf32> to vector<10000x1xf32>
    %max3A_11 = arith.constant 1.000000e+00 : f32
    %max3A_12 = vector.broadcast %max3A_11 : f32 to vector<10000x1xf32>
    %max3A_13 = arith.maximumf %broadcast_in_dim3A_10, %max3A_12 : vector<10000x1xf32>
    %rsqrt3A = math.rsqrt %max3A_4 : vector<10000x1xf32>
    %rsqrt3A_14 = math.rsqrt %max3A_13 : vector<10000x1xf32>
    %get3A_15 = arith.constant 0 : index
    %get3A_16 = arith.constant 0 : index
    %get3A_17 = vector.load %arg0[%get3A_15, %get3A_16] : memref<10000x128xf32, #tpu.memory_space<vmem>>, vector<10000x128xf32>
    %mul3A = vector.broadcast %rsqrt3A : vector<10000x1xf32> to vector<10000x128xf32>
    %mul3A_18 = arith.mulf %get3A_17, %mul3A : vector<10000x128xf32>
    %get3A_19 = arith.constant 0 : index
    %get3A_20 = arith.constant 0 : index
    %get3A_21 = vector.load %arg1[%get3A_19, %get3A_20] : memref<128x16xf32, #tpu.memory_space<vmem>>, vector<128x16xf32>
    %dot_general3A = arith.constant dense<0.000000e+00> : vector<10000x16xf32>
    %dot_general3A_22 = tpu.matmul %mul3A_18, %get3A_21, %dot_general3A {dimension_numbers = #tpu.dot_dimension_numbers<[1], [0], [0], [1], [0, 0, 1, 1], [], []>, transpose_lhs_hint = false} : vector<10000x128xf32>, vector<128x16xf32>, vector<10000x16xf32> -> vector<10000x16xf32>
    %swap3A = arith.constant 0 : index
    %swap3A_23 = arith.constant 0 : index
    %swap3A_24 = vector.load %arg4[%swap3A, %swap3A_23] : memref<10000x16xf32, #tpu.memory_space<vmem>>, vector<10000x16xf32>
    tpu.vector_store %arg4[%swap3A, %swap3A_23], %dot_general3A_22 {strides = array<i32>} : memref<10000x16xf32, #tpu.memory_space<vmem>>, vector<10000x16xf32>,
    %broadcast_in_dim3A_25 = vector.shape_cast %rsqrt3A_14 : vector<10000x1xf32> to vector<10000x1xf32>
    %broadcast_in_dim3A_26 = vector.broadcast %broadcast_in_dim3A_25 : vector<10000x1xf32> to vector<10000x16xf32>
    %broadcast_in_dim3A_27 = vector.shape_cast %rsqrt3A : vector<10000x1xf32> to vector<10000x1xf32>
    %broadcast_in_dim3A_28 = vector.broadcast %broadcast_in_dim3A_27 : vector<10000x1xf32> to vector<10000x16xf32>
    %concatenate3A = tpu.concatenate %broadcast_in_dim3A_26, %broadcast_in_dim3A_28 in 1 : vector<10000x16xf32>, vector<10000x16xf32> -> vector<10000x32xf32>
    %swap3A_29 = arith.constant 0 : index
    %swap3A_30 = arith.constant 0 : index
    %swap3A_31 = vector.load %arg5[%swap3A_29, %swap3A_30] : memref<10000x32xf32, #tpu.memory_space<vmem>>, vector<10000x32xf32>
    tpu.vector_store %arg5[%swap3A_29, %swap3A_30], %concatenate3A {strides = array<i32>} : memref<10000x32xf32, #tpu.memory_space<vmem>>, vector<10000x32xf32>,
    return
  }
}

module attributes {stable_mosaic.version = 14 : i64} {
  func.func @body(%arg0: memref<2x10000x16xf32, #tpu.memory_space<vmem>>, %arg1: memref<16x128xf32, #tpu.memory_space<vmem>>, %arg2: memref<128xf32, #tpu.memory_space<vmem>>, %arg3: memref<10000x128xf32, #tpu.memory_space<vmem>>) attributes {dimension_semantics = [], scalar_prefetch = 0 : i64, scratch_operands = 0 : i64, tpu.core_type = #tpu.core_type<tc>} {
    %get3A = arith.constant 0 : index
    %get3A_0 = arith.constant 0 : index
    %get3A_1 = arith.constant 0 : index
    %get3A_2 = vector.load %arg0[%get3A, %get3A_0, %get3A_1] : memref<2x10000x16xf32, #tpu.memory_space<vmem>>, vector<1x10000x16xf32>
    %get3A_3 = vector.shape_cast %get3A_2 : vector<1x10000x16xf32> to vector<10000x16xf32>
    %get3A_4 = arith.constant 1 : index
    %get3A_5 = arith.constant 0 : index
    %get3A_6 = arith.constant 0 : index
    %get3A_7 = vector.load %arg0[%get3A_4, %get3A_5, %get3A_6] : memref<2x10000x16xf32, #tpu.memory_space<vmem>>, vector<1x10000x16xf32>
    %get3A_8 = vector.shape_cast %get3A_7 : vector<1x10000x16xf32> to vector<10000x16xf32>
    %add3A = arith.addf %get3A_3, %get3A_8 : vector<10000x16xf32>
    %get3A_9 = arith.constant 0 : index
    %get3A_10 = arith.constant 0 : index
    %get3A_11 = vector.load %arg1[%get3A_9, %get3A_10] : memref<16x128xf32, #tpu.memory_space<vmem>>, vector<16x128xf32>
    %dot_general3A = arith.constant dense<0.000000e+00> : vector<10000x128xf32>
    %dot_general3A_12 = tpu.matmul %add3A, %get3A_11, %dot_general3A {dimension_numbers = #tpu.dot_dimension_numbers<[1], [0], [0], [1], [0, 0, 1, 1], [], []>, transpose_lhs_hint = false} : vector<10000x16xf32>, vector<16x128xf32>, vector<10000x128xf32> -> vector<10000x128xf32>
    %get3A_13 = arith.constant 0 : index
    %get3A_14 = vector.load %arg2[%get3A_13] : memref<128xf32, #tpu.memory_space<vmem>>, vector<128xf32>
    %broadcast_in_dim3A = vector.shape_cast %get3A_14 : vector<128xf32> to vector<1x128xf32>
    %add3A_15 = vector.broadcast %broadcast_in_dim3A : vector<1x128xf32> to vector<10000x128xf32>
    %add3A_16 = arith.addf %dot_general3A_12, %add3A_15 : vector<10000x128xf32>
    %swap3A = arith.constant 0 : index
    %swap3A_17 = arith.constant 0 : index
    %swap3A_18 = vector.load %arg3[%swap3A, %swap3A_17] : memref<10000x128xf32, #tpu.memory_space<vmem>>, vector<10000x128xf32>
    tpu.vector_store %arg3[%swap3A, %swap3A_17], %add3A_16 {strides = array<i32>} : memref<10000x128xf32, #tpu.memory_space<vmem>>, vector<10000x128xf32>,
    return
  }
}

</mosaic_0001>

<sc_bundles>
// kernel: kernel.10.cloned.1.call-start
scs
__scs_entry_jumppad:
0x0: {  	(pc) =	sbr.rel $0x88, $3  }
0x1: {  	(tag) =	ssettag $0x0;
	lr =	simm.s32 $0x1  }
0x2: {  	[smem:$0x3F9B] =	sst lr;
	_ =	strace $0xD0000000  }
0x3: {  	_ = 	snop  }
0x4: {  	_ = 	snop  }
0x5: {  	_ = 	snop  }
0x6: {  	_ = 	snop  }
0x7: {  	_ = 	snop  }
__scs_overlays_trampoline_lowered:
0x8: {  	[smem:$0x3FAA] =	sst s0  }
0x9: {  	[smem:$0x3FAB] =	sst s1  }
0xa: {  	[smem:$0x3FAC] =	sst s2  }
0xb: {  	[smem:$0x3FAD] =	sst s3  }
0xc: {  	[smem:$0x3FAE] =	sst s4  }
0xd: {  	[smem:$0x3FAF] =	sst s5  }
0xe: {  	[smem:$0x3FB0] =	sst s6  }
0xf: {  	[smem:$0x3FB1] =	sst s7  }
0x10: {  	[smem:$0x3FB2] =	sst s8  }
0x11: {  	[smem:$0x3FB3] =	sst s9;
	s0 =	simm.s32 @!p0 $0x0  }
0x12: {  	s1 =	sld [smem:$0x3F99];
	s0 =	simm.s32 @p0 $0x1  }
0x13: {  	[smem:$0x3FB4] =	sst s0;
	s0 =	simm.s32 @!p1 $0x0  }
0x14: {  	s2 =	sld [smem:$0x3F98];
	s0 =	simm.s32 @p1 $0x1  }
0x15: {  	[smem:$0x3FB5] =	sst s0;
	s0 =	simm.s32 @!p2 $0x0  }
0x16: {  	s3 =	sld [smem:$0x3FDB];
	s0 =	simm.s32 @p2 $0x1  }
0x17: {  	s4 =	simm.s32 $0x1BF5;
	[smem:$0x3FB7] =	sst s0  }
0x18: {  	s0 =	sld [smem:$0x3F9A];
	_ =	swait.ge [sflag:s4], $0x0  }
0x19: {  	s7 =	sld [smem:$0x3F9B]  }
0x1a: {  	s8 =	sadd.s32 $0xFFFFE003, lr  }
0x1b: {  	s9 =	sadd.s32 $0xFFFFFEF7, lr;
	s5 =	simm.s32 $0xFFFFFFFF;
	p2 =	slt.u32 s8, $0xFFFFF086  }
0x1c: {  	p1 =	slt.u32 s9, $0xF7A;
	s5 =	simm.s32 @!p2 $0x0  }
0x1d: {  	s5 =	simm.s32 @p1 $0x1;
	p0 =	seq.s32 s7, s2  }
0x1e: {  	s7 =	smul.u32 @!p0 $0xF7A, s2;
	p2 =	seq.s32 @!p0 s5, $0x0  }
0x1f: {  	s9 =	smul.u32 $0xF7A, s1;
	s8 =	simm.s32 @!p0 $0x1BF5;
	p2 =	por !p2, p0  }
0x20: {  	[sflag:s8] =	ssyncset.s32 @!p0 $0xFFFFF086;
	s6 =	sadd.s32 @!p0 s3, s7;
	s7 =	simm.s32 @!p0 $0x108  }
0x21: {  	s3 =	sadd.s32 s3, s9;
	s6 =	sadd.s32 @!p0 $0x88, s6;
	s7 =	simm.s32 @p2 $0x1082  }
0x22: {  	[simem:s7], [sflag:s8] =	dma.local @!p0 [hbm:s6], $0xF7A  }
0x23: {  	s9 =	sor.u32 $0xD0000000, s2;
	s6 =	simm.s32 $0x108;
	_ =	swait.ge @!p0 [sflag:s8], $0x0  }
0x24: {  	s3 =	sadd.s32 $0x88, s3;
	s6 =	simm.s32 @!p1 $0x1082;
	[sflag:s4] =	ssyncset.s32 $0xFFFFF086  }
0x25: {  	[simem:s6], [sflag:s4] =	dma.local [hbm:s3], $0xF7A  }
0x26: {  	[smem:$0x3F9B] =	sst s1;
	(tag) =	ssettag s2;
	_ =	strace s9  }
0x27: {  	s1 =	sld [smem:$0x3FAB]  }
0x28: {  	s2 =	sld [smem:$0x3FAC]  }
0x29: {  	s4 =	sld [smem:$0x3FAE]  }
0x2a: {  	p0 =	seq.s32 s5, $0x0;
	s5 =	sld [smem:$0x3FAF]  }
0x2b: {  	s6 =	sld [smem:$0x3FB0]  }
0x2c: {  	s7 =	sld [smem:$0x3FB1]  }
0x2d: {  	s3 =	simm.s32 $0x108;
	s8 =	sld [smem:$0x3FB2]  }
0x2e: {  	s3 =	simm.s32 @!p0 $0x1082;
	s9 =	sld [smem:$0x3FB3]  }
0x2f: {  	lr =	sadd.s32 s0, s3;
	s0 =	sld [smem:$0x3FAA]  }
0x30: {  	s3 =	sld [smem:$0x3FAD]  }
0x31: {  	[smem:$0x3FB6] =	sst s10  }
0x32: {  	s10 =	sld [smem:$0x3FB4];
	_ =	sdelay $0x3  }
0x33: {  	p0 =	seq.s32 s10, $0x1;
	s10 =	sld [smem:$0x3FB6];
	_ =	sdelay $0x3  }
0x34: {  	[smem:$0x3FB6] =	sst s10  }
0x35: {  	s10 =	sld [smem:$0x3FB5];
	_ =	sdelay $0x3  }
0x36: {  	p1 =	seq.s32 s10, $0x1;
	s10 =	sld [smem:$0x3FB6];
	_ =	sdelay $0x3  }
0x37: {  	[smem:$0x3FB6] =	sst s10  }
0x38: {  	s10 =	sld [smem:$0x3FB7]  }
0x39: {  	_ = 	snop;
	(pc) =	sbr.ind lr, $3  }
0x3a: {  	_ = 	snop  }
0x3b: {  	_ = 	snop  }
0x3c: {  	p2 =	seq.s32 s10, $0x1;
	s10 =	sld [smem:$0x3FB6]  }
0x3d: {  	_ =	shalt  }
0x3e: {  	_ =	shalt  }
0x3f: {  	_ =	shalt  }
0x40: {  	_ =	shalt  }
0x41: {  	_ =	shalt  }
0x42: {  	_ =	shalt  }
0x43: {  	_ =	shalt  }
0x44: {  	_ =	shalt  }
0x45: {  	_ =	shalt  }
0x46: {  	_ =	shalt  }
0x47: {  	_ =	shalt  }
0x48: {  	_ =	shalt  }
0x49: {  	_ =	shalt  }
0x4a: {  	_ =	shalt  }
0x4b: {  	_ =	shalt  }
0x4c: {  	_ =	shalt  }
0x4d: {  	_ =	shalt  }
0x4e: {  	_ =	shalt  }
0x4f: {  	_ =	shalt  }
0x50: {  	_ =	shalt  }
0x51: {  	_ =	shalt  }
0x52: {  	_ =	shalt  }
0x53: {  	_ =	shalt  }
0x54: {  	_ =	shalt  }
0x55: {  	_ =	shalt  }
0x56: {  	_ =	shalt  }
0x57: {  	_ =	shalt  }
0x58: {  	_ =	shalt  }
0x59: {  	_ =	shalt  }
0x5a: {  	_ =	shalt  }
0x5b: {  	_ =	shalt  }
0x5c: {  	_ =	shalt  }
0x5d: {  	_ =	shalt  }
0x5e: {  	_ =	shalt  }
0x5f: {  	_ =	shalt  }
0x60: {  	_ =	shalt  }
0x61: {  	_ =	shalt  }
0x62: {  	_ =	shalt  }
0x63: {  	_ =	shalt  }
0x64: {  	_ =	shalt  }
0x65: {  	_ =	shalt  }
0x66: {  	_ =	shalt  }
0x67: {  	_ =	shalt  }
0x68: {  	_ =	shalt  }
0x69: {  	_ =	shalt  }
0x6a: {  	_ =	shalt  }
0x6b: {  	_ =	shalt  }
0x6c: {  	_ =	shalt  }
0x6d: {  	_ =	shalt  }
0x6e: {  	_ =	shalt  }
0x6f: {  	_ =	shalt  }
0x70: {  	_ =	shalt  }
0x71: {  	_ =	shalt  }
0x72: {  	_ =	shalt  }
0x73: {  	_ =	shalt  }
0x74: {  	_ =	shalt  }
0x75: {  	_ =	shalt  }
0x76: {  	_ =	shalt  }
0x77: {  	_ =	shalt  }
0x78: {  	_ =	shalt  }
0x79: {  	_ =	shalt  }
0x7a: {  	_ =	shalt  }
0x7b: {  	_ =	shalt  }
0x7c: {  	_ =	shalt  }
0x7d: {  	_ =	shalt  }
0x7e: {  	_ =	shalt  }
0x7f: {  	_ =	shalt  }
0x80: {  	_ =	shalt  }
0x81: {  	_ =	shalt  }
0x82: {  	_ =	shalt  }
0x83: {  	_ =	shalt  }
0x84: {  	_ =	shalt  }
0x85: {  	_ =	shalt  }
0x86: {  	_ =	shalt  }
0x87: {  	_ =	shalt  }
.Lfunc_end0:
.L_simem_size_0:
called_computation.1_lowered:
.L_overlay_start_0:
0x88: {  	s2 =	sld [smem:$0x3FD9]  }
0x89: {  	s3 =	sld [smem:$0x3FFE];
	_ =	sdelay $0x1  }
0x8a: {  	s1 =	srdreg.scid  }
0x8b: {  	s0 =	sand.u32 $0x1, s1  }
0x8c: {  	s16 =	sshll.u32 s0, $0xA;
	s2 =	sadd.s32 s3, s2  }
0x8d: {  	s2 =	sadd.s32 s2, s16  }
0x8e: {  	[smem:$0x3FC2] =	sst s2  }
0x8f: {  	_ = 	snop  }
0x90: {  	(tm) =	ssettm $0x1  }
0x91: {  	s17 =	sld [smem:$0x3FFB];
	_ =	sdelay $0x3  }
0x92: {  	_ =	strace s17  }
0x93: {  	s2 =	sld [smem:$0x3FFC];
	_ =	sdelay $0x3  }
0x94: {  	_ =	strace s2  }
0x95: {  	s2 =	sld [smem:$0x3FFD];
	_ =	sdelay $0x3  }
0x96: {  	_ =	strace s2  }
0x97: {  	_ =	strace $0x8FFFFFFF  }
0x98: {  	s18 =	sld [smem:$0x3FDB];
	_ =	sdelay $0x1  }
0x99: {  	s19 =	simm.s32 $_scs_section_size  }
0x9a: {  	s4 =	simm.s32 $_size__tile_overlayer_lowered;
	s5 =	simm.s32 $_tile_overlayer_lowered  }
0x9b: {  	s22 =	simm.s32 $0x1BFF;
	s21 =	sshll.u32 s5, $0x1;
	s2 =	sadd.s32 s19, s18  }
0x9c: {  	s6 =	simm.s32 $0x0;
	s20 =	sshll.u32 s4, $0x1;
	s4 =	sadd.s32 s21, s2  }
0x9d: {  	[timem:s6], [sflag:s22] =	dma.local [hbm:s4], s20  }
0x9e: {  	_ =	swait.ge [sflag:s22], s20  }
0x9f: {  	s3 =	ssub.s32 $0x0, s20;
	[sflag:s22] =	ssyncset.done $0x0  }
0xa0: {  	[sflag:s22] =	ssyncadd.s32 s3;
	_ =	sdelay $0x1  }
0xa1: {  	s23 =	simm.s32 $0x1B8B  }
0xa2: {  	_ =	swait.ge [sflag:s23], $0x1  }
0xa3: {  	[sflag:s23] =	ssyncset.done $0x0  }
0xa4: {  	s25 =	simm.s32 $0x1B8E;
	s24 =	sld [smem:$0x3FFE];
	[sflag:s23] =	ssyncadd.s32 $0xFFFFFFFF  }
0xa5: {  	s26 =	simm.s32 $execute0_lowered;
	[smem:$0x3FD2] =	sst s25  }
0xa6: {  	s4 =	sshll.u32 s26, $0x1;
	_ =	strace $0x80000049;
	[dreg:$0x1] =	wrdreg $0xFFFFFFFF  }
0xa7: {  	s28 =	simm.s32 $_size_execute0_lowered;
	s2 =	sadd.s32 s2, s4;
	[dreg:$0x0] =	wrdreg $0x0  }
0xa8: {  	s4 =	sshll.u32 s28, $0x1;
	[dreg:$0x2] =	wrdreg s2  }
0xa9: {  	[dreg:$0x3] =	wrdreg s4  }
0xaa: {  	[dreg:$0x4] =	wrdreg $0xC0  }
0xab: {  	_ =	task [dreg:s6], $0x5FFFF  }
0xac: {  	[dreg:$0x1] =	wrdreg $0xFFFFFFFF  }
0xad: {  	[dreg:$0x0] =	wrdreg $0x60  }
0xae: {  	[dreg:$0x2] =	wrdreg s24  }
0xaf: {  	[dreg:$0x3] =	wrdreg $0x93300  }
0xb0: {  	[dreg:$0x4] =	wrdreg $0xBA400  }
0xb1: {  	[dreg:$0x5] =	wrdreg $0x9  }
0xb2: {  	_ =	task.clear_ibuf [dreg:s6], $0x6FFFF;
	_ =	strace $0x90000049  }
0xb3: {  	s29 =	simm.s32 $0x9;
	_ =	strace $0x8000004B  }
0xb4: {  	_ =	swait.ge [sflag:s29], $0x1  }
0xb5: {  	[sflag:s29] =	ssyncadd.s32 $0xFFFFFFFF  }
0xb6: {  	_ =	strace $0x9000004B  }
0xb7: {  	_ =	sfence  }
0xb8: {  	s30 =	sld [smem:$0x0];
	_ =	sdelay $0x2  }
0xb9: {  	s31 =	sshll.u32 s1, $0xD;
	s1 =	sshrl.u32 s1, $0x2  }
0xba: {  	s3 =	sand.u32 $0x4000, s31;
	s1 =	sadd.s32 s1, s30  }
0xbb: {  	s0 =	sor.u32 s3, s0;
	s1 =	sshll.u32 s1, $0x11  }
0xbc: {  	s0 =	sor.u32 s1, s0  }
0xbd: {  	s0 =	sadd.s32 $0x8F2B, s0  }
0xbe: {  	[sflag:s0] =	ssyncadd.remote.s32 $0x1  }
0xbf: {  	_ =	sfence.sel $0xFFFF  }
0xc0: {  	[dreg:$0x0] =	wrdreg $0xFFFFFFFF;
	(pc) =	sbr.abs _section_cstart, $3  }
0xc1: {  	[dreg:$0x1] =	wrdreg $0xFFFFFFFF  }
0xc2: {  	_ =	task.clear_ibuf [dreg:s6], $0x2FFFF;
	_ =	strace $0x9FFFFFFF  }
0xc3: {  	(tm) =	ssettm $0x7FFFFFFF  }
tec
execute0_lowered:
.L_overlay_start_1:
0x0: {  	(tag) =	ssettag $0x1  }
0x1: {  	s0 =	rddreg [dreg:$0x0]  }
0x2: {  	s1 =	rddreg [dreg:$0x1]  }
0x3: {  	s2 =	rddreg [dreg:$0x2];
	s4 =	stileid.u32  }
0x4: {  	s3 =	srdreg.scid;
	s11 =	simm.s32 $0xD;
	s13 =	simm.s32 $0x6C20  }
0x5: {  	s14 =	simm.s32 $0x50;
	s18 =	simm.s32 $0x5820;
	s20 =	simm.s32 $0x5D20  }
0x6: {  	s21 =	simm.s32 $0x1;
	s29 =	simm.s32 $0x3;
	s19 =	simm.s32 $0x5  }
0x7: {  	s28 =	simm.s32 $0x8;
	s30 =	simm.s32 $0x9;
	s31 =	simm.s32 $0xA  }
0x8: {  	s17 =	simm.s32 $0xB;
	s5 =	sand.u32 $0x1, s3;
	s6 =	sshll.u32 s4, $0x1  }
0x9: {  	s3 =	simm.s32 $0x0;
	s7 =	smul.u32 $0x2710, s4;
	p0 =	sne.s32 s4, $0x0  }
0xa: {  	s6 =	sor.u32 s5, s6;
	[smem:$0x7FF] =	sst s3;
	s9 =	smul.u32 $0x4E20, s5  }
0xb: {  	s5 =	ssub.s32 $0x2, s5;
	s6 =	smul.u32 $0x4E2, s6;
	s8 =	sshrl.u32 s7, $0x3  }
0xc: {  	_ =	strace $0x8000004A;
	s10 =	sshrl.u32 s5, $0x1;
	s24 =	sadd.s32 s7, s1  }
0xd: {  	s25 =	sadd.s32 s7, s2;
	s8 =	sadd.s32 s8, s0;
	[dreg:$0x7] =	wrdreg s24  }
0xe: {  	s5 =	ssub.s32 s5, s10;
	[dreg:$0x8] =	wrdreg s25;
	s23 =	sadd.s32 $0x15600, s8  }
0xf: {  	s6 =	sadd.s32 s6, s0;
	s26 =	smax.u32 s5, $0x1;
	[dreg:$0x6] =	wrdreg s23  }
0x10: {  	s24 =	simm.s32 $0x2;
	s22 =	sadd.s32 $0xB800, s6;
	[dreg:$0xa] =	wrdreg s26  }
0x11: {  	s0 =	sadd.s32 s9, s0;
	s6 =	sadd.s32 $0x1A00, s6;
	[dreg:$0x4] =	wrdreg s22  }
0x12: {  	s25 =	simm.s32 $0xC;
	s0 =	sadd.s32 $0x1A600, s0;
	[dreg:$0x5] =	wrdreg s6  }
0x13: {  	s23 =	simm.s32 $0x6220;
	s26 =	simm.s32 $0x7;
	[dreg:$0x9] =	wrdreg s0  }
0x14: {  	v0 =	vimm.f32 $0.0e+00;
	s6 =	simm.s32 $0x2710;
	s0 =	simm.s32 $0x4;
	s22 =	simm.s32 $0x0  }
.LBB2_1:
0x15: {  	s4 =	rddreg [dreg:$0x4]  }
0x16: {  	[tilespmem:s3], [sflag:$0xD] =	stream.linear.gather [hbm4b:s4+s3], $0x2710, $0x38;
	[tilespmem:$0xE150] =	vst v63  }
0x17: {  	_ =	swait.ge [sflag:s11], $0x2710  }
0x18: {  	[sflag:s11] =	ssyncset.done $0x0  }
0x19: {  	s12 =	rddreg [dreg:$0x5];
	[sflag:s11] =	ssyncadd.s32 $0xFFFFD8F0  }
0x1a: {  	[tilespmem:s6], [sflag:$0xD] =	stream.linear.gather [hbm4b:s12+s3], $0x2710, $0x38;
	[tilespmem:$0xE150] =	vst v63  }
0x1b: {  	_ =	swait.ge [sflag:s11], $0x2710  }
0x1c: {  	[sflag:s11] =	ssyncset.done $0x0  }
0x1d: {  	s15 =	rddreg [dreg:$0x6];
	[sflag:s11] =	ssyncadd.s32 $0xFFFFD8F0  }
0x1e: {  	[tilespmem:s13], [sflag:$0xD] =	stream.linear.gather [hbm4b:s15+s3], $0x2710, $0x38;
	[tilespmem:$0xE150] =	vst v63  }
0x1f: {  	_ =	swait.ge [sflag:s11], $0x2710  }
0x20: {  	[sflag:s11] =	ssyncset.done $0x0  }
0x21: {  	s16 =	rddreg [dreg:$0x7];
	[sflag:s11] =	ssyncadd.s32 $0xFFFFD8F0  }
0x22: {  	[spmem:s16] =	stream.linear.scatter [tilespmem:s13], [sflag:$0xD], $0x2710, $0x38;
	[tilespmem:$0xE150] =	vst v63  }
0x23: {  	_ =	swait.ge [sflag:s11], $0x2710  }
0x24: {  	[sflag:s11] =	ssyncset.done $0x0  }
0x25: {  	s5 =	simm.s32 $0x0;
	s4 =	simm.s32 $0x40;
	[sflag:s11] =	ssyncadd.s32 $0xFFFFD8F0  }
.LBB2_2:
0x26: {  	p1 =	sne.s32 s4, $0x9C00;
	[tilespmem:s5+$0x6C20] =	vst v0;
	s5 =	smov.u32 s4;
	s4 =	sadd.s32 $0x40, s4  }
.Ltmp0:
0x27: {  	(pc) =	sbr.rel @p1 .LBB2_2-.Ltmp0, $2  }
0x28: {  	_ =	sdelay $0x2  }
0x29: {  	s5 =	sshra.s32 s5, $0x2  }
0x2a: {  	[tilespmem:s5+$0x6C20] =	vst v0;
	s4 =	rddreg [dreg:$0x8]  }
0x2b: {  	[spmem:s4] =	stream.linear.scatter [tilespmem:s13], [sflag:$0xD], $0x2710, $0x38;
	[tilespmem:$0xE150] =	vst v63  }
0x2c: {  	_ =	swait.ge [sflag:s11], $0x2710  }
0x2d: {  	[sflag:s11] =	ssyncset.done $0x0  }
0x2e: {  	[sflag:s11] =	ssyncadd.s32 $0xFFFFD8F0  }
0x2f: {  	s9 =	simm.s32 $0x4E20;
	[bflag:$0x0] =	sbarrier.arrive $0xFFFF  }
0x30: {  	[tilespmem:s9], [sflag:$0x1] =	stream.indirect.gather [spmem:s1], $0x10, s3, s14, $0xb8;
	[tilespmem:$0xE150] =	vst v63  }
0x31: {  	s10 =	simm.s32 $0x5320  }
0x32: {  	[tilespmem:s10], [sflag:$0x2] =	stream.indirect.gather [spmem:s1], $0x10, s14, s14, $0xb8;
	[tilespmem:$0xE150] =	vst v63  }
0x33: {  	s7 =	simm.s32 $0xA0  }
0x34: {  	[tilespmem:s18], [sflag:$0x3] =	stream.indirect.gather [spmem:s1], $0x10, s7, s14, $0xb8;
	[tilespmem:$0xE150] =	vst v63  }
0x35: {  	s12 =	simm.s32 $0xF0  }
0x36: {  	[tilespmem:s20], [sflag:$0x4] =	stream.indirect.gather [spmem:s1], $0x10, s12, s14, $0xb8;
	[tilespmem:$0xE150] =	vst v63  }
0x37: {  	_ =	swait.ge [sflag:s21], $0x500  }
0x38: {  	[sflag:s21] =	ssyncset.done $0x0  }
0x39: {  	[sflag:s21] =	ssyncadd.s32 $0xFFFFFB00  }
0x3a: {  	[spmem:s2] =	stream.indirect.scatter.add.f32 [tilespmem:s9], [sflag:$0x7], $0x10, s6, s14, $0xb8;
	[tilespmem:$0xE150] =	vst v63  }
0x3b: {  	s15 =	simm.s32 $0x140  }
0x3c: {  	[tilespmem:s23], [sflag:$0x5] =	stream.indirect.gather [spmem:s1], $0x10, s15, s14, $0xb8;
	[tilespmem:$0xE150] =	vst v63  }
0x3d: {  	_ =	swait.ge [sflag:s24], $0x500  }
0x3e: {  	s8 =	simm.s32 $0x6;
	[sflag:s24] =	ssyncset.done $0x0  }
0x3f: {  	s16 =	simm.s32 $0x2760;
	s4 =	smul.u32 $0xAB, s8;
	[sflag:s24] =	ssyncadd.s32 $0xFFFFFB00  }
0x40: {  	[spmem:s2] =	stream.indirect.scatter.add.f32 [tilespmem:s10], [sflag:$0x8], $0x10, s16, s14, $0xb8;
	[tilespmem:$0xE150] =	vst v63  }
0x41: {  	s7 =	simm.s32 $0x6720;
	s10 =	sshrl.u32 s4, $0xA  }
0x42: {  	s6 =	simm.s32 $0x190;
	s4 =	sadd.s32 $0xFFFFFDFF, s4;
	s5 =	sand.u32 $0x3F, s10  }
0x43: {  	[tilespmem:s7], [sflag:$0x6] =	stream.indirect.gather [spmem:s1], $0x10, s6, s14, $0xb8;
	[tilespmem:$0xE150] =	vst v63  }
0x44: {  	s12 =	simm.s32 $0x1E0;
	s4 =	sshrl.u32 s4, $0xA;
	s5 =	smul.u32 $0x6, s5  }
0x45: {  	s9 =	simm.s32 $0x27B0;
	s4 =	sand.u32 $0x3F, s4;
	_ =	swait.ge [sflag:s29], $0x500  }
0x46: {  	s6 =	simm.s32 $0x2800;
	[sflag:s29] =	ssyncset.done $0x0;
	s5 =	ssub.s32 $0x6, s5  }
0x47: {  	s4 =	smul.u32 $0x6, s4;
	[sflag:s29] =	ssyncadd.s32 $0xFFFFFB00;
	s5 =	sand.u32 $0xFF, s5  }
0x48: {  	[spmem:s2] =	stream.indirect.scatter.add.f32 [tilespmem:s18], [sflag:$0x9], $0x10, s9, s14, $0xb8;
	[tilespmem:$0xE150] =	vst v63  }
0x49: {  	s7 =	simm.s32 $0x230;
	s4 =	ssub.s32 $0x6, s4;
	s8 =	sadd.s32 $0x7, s5  }
0x4a: {  	s9 =	smul.u32 $0x1400, s5;
	s4 =	sadd.s32 $0xFFFFFFFD, s4;
	_ =	swait.ge [sflag:s8], $0x500  }
0x4b: {  	s5 =	sadd.s32 $0x1, s5;
	s4 =	sand.u32 $0xFF, s4;
	[sflag:s8] =	ssyncset.done $0x0  }
0x4c: {  	s9 =	sshrl.u32 s9, $0x2;
	s16 =	smul.u32 $0x1400, s4;
	s10 =	sadd.s32 $0x1, s4  }
0x4d: {  	[sflag:s8] =	ssyncadd.s32 $0xFFFFFB00;
	s15 =	sadd.s32 $0x4E20, s9;
	s8 =	simm.s32 $0x8  }
0x4e: {  	[tilespmem:s15], [sflag:s5] =	stream.indirect.gather [spmem:s1], $0x10, s12, s14, $0xb8;
	[tilespmem:$0xE150] =	vst v63  }
0x4f: {  	s9 =	sadd.s32 $0x7, s4;
	s4 =	simm.s32 $0x2850;
	_ =	swait.ge [sflag:s10], $0x500  }
0x50: {  	s5 =	simm.s32 $0x7;
	s15 =	sshrl.u32 s16, $0x2;
	[sflag:s10] =	ssyncset.done $0x0  }
0x51: {  	s12 =	smul.u32 $0xAB, s5;
	[sflag:s10] =	ssyncadd.s32 $0xFFFFFB00;
	s10 =	sadd.s32 $0x4E20, s15  }
.LBB2_4:
0x52: {  	[spmem:s2] =	stream.indirect.scatter.add.f32 [tilespmem:s10], [sflag:s9], $0x10, s6, s14, $0xb8;
	[tilespmem:$0xE150] =	vst v63  }
0x53: {  	s9 =	smov.u32 s8;
	s6 =	smov.u32 s4  }
0x54: {  	s15 =	sadd.s32 $0x1, s8;
	s10 =	sshrl.u32 s12, $0xA;
	s12 =	sadd.s32 $0xFFFFFDFF, s12  }
0x55: {  	p1 =	sne.s32 s8, $0x7C;
	s8 =	sand.u32 $0x3F, s10;
	s10 =	sshrl.u32 s12, $0xA  }
0x56: {  	s8 =	smul.u32 $0x6, s8;
	s10 =	sand.u32 $0x3F, s10  }
0x57: {  	s10 =	smul.u32 $0x6, s10  }
0x58: {  	s8 =	ssub.s32 s5, s8  }
0x59: {  	s8 =	sand.u32 $0xFF, s8;
	s10 =	ssub.s32 s5, s10;
	s5 =	smov.u32 s9  }
0x5a: {  	s9 =	sadd.s32 $0x7, s8;
	s12 =	smul.u32 $0x1400, s8;
	s10 =	sadd.s32 $0xFFFFFFFD, s10  }
0x5b: {  	s8 =	sadd.s32 $0x1, s8;
	_ =	swait.ge [sflag:s9], $0x500;
	s10 =	sand.u32 $0xFF, s10  }
0x5c: {  	[sflag:s9] =	ssyncset.done $0x0;
	s12 =	sshrl.u32 s12, $0x2;
	s16 =	sadd.s32 $0x1, s10  }
0x5d: {  	[sflag:s9] =	ssyncadd.s32 $0xFFFFFB00;
	s9 =	sadd.s32 $0x4E20, s12;
	s12 =	smul.u32 $0x1400, s10  }
.Ltmp1:
0x5e: {  	s4 =	sadd.s32 $0x50, s4;
	(pc) =	sbr.rel @p1 .LBB2_4-.Ltmp1, $4  }
0x5f: {  	[tilespmem:s9], [sflag:s8] =	stream.indirect.gather [spmem:s1], $0x10, s7, s14, $0xb8;
	[tilespmem:$0xE150] =	vst v63  }
0x60: {  	s7 =	sadd.s32 $0x50, s7;
	_ =	swait.ge [sflag:s16], $0x500;
	s8 =	sshrl.u32 s12, $0x2  }
0x61: {  	s9 =	sadd.s32 $0x7, s10;
	s12 =	smul.u32 $0xAB, s5;
	[sflag:s16] =	ssyncset.done $0x0  }
0x62: {  	s10 =	sadd.s32 $0x4E20, s8;
	s8 =	smov.u32 s15;
	[sflag:s16] =	ssyncadd.s32 $0xFFFFFB00  }
0x63: {  	s8 =	sshrl.u32 s12, $0xA  }
0x64: {  	s8 =	sand.u32 $0x3F, s8  }
0x65: {  	s8 =	smul.u32 $0x6, s8  }
0x66: {  	[spmem:s2] =	stream.indirect.scatter.add.f32 [tilespmem:s10], [sflag:s9], $0x10, s6, s14, $0xb8;
	[tilespmem:$0xE150] =	vst v63  }
0x67: {  	s15 =	sadd.s32 $0xFFFFFDFF, s12;
	s9 =	ssub.s32 s5, s8  }
0x68: {  	s6 =	sand.u32 $0xFF, s9;
	s9 =	sshrl.u32 s15, $0xA  }
0x69: {  	s10 =	sadd.s32 $0x7, s6;
	s16 =	smul.u32 $0x1400, s6;
	s9 =	sand.u32 $0x3F, s9  }
0x6a: {  	_ =	swait.ge [sflag:s10], $0x500;
	s8 =	smul.u32 $0x6, s9  }
0x6b: {  	s6 =	sadd.s32 $0x1, s6;
	[sflag:s10] =	ssyncset.done $0x0;
	s12 =	sshrl.u32 s16, $0x2  }
0x6c: {  	[sflag:s10] =	ssyncadd.s32 $0xFFFFFB00;
	s9 =	sadd.s32 $0x4E20, s12;
	s15 =	ssub.s32 s5, s8  }
0x6d: {  	[tilespmem:s9], [sflag:s6] =	stream.indirect.gather [spmem:s1], $0x10, s7, s14, $0xb8;
	[tilespmem:$0xE150] =	vst v63  }
0x6e: {  	s5 =	sadd.s32 $0xFFFFFFFD, s15  }
0x6f: {  	s5 =	sand.u32 $0xFF, s5  }
0x70: {  	s16 =	sadd.s32 $0x1, s5;
	s8 =	smul.u32 $0x1400, s5  }
0x71: {  	_ =	swait.ge [sflag:s16], $0x500  }
0x72: {  	s7 =	sshrl.u32 s8, $0x2;
	[sflag:s16] =	ssyncset.done $0x0  }
0x73: {  	s5 =	sadd.s32 $0x7, s5;
	[sflag:s16] =	ssyncadd.s32 $0xFFFFFB00;
	s9 =	sadd.s32 $0x4E20, s7  }
0x74: {  	[spmem:s2] =	stream.indirect.scatter.add.f32 [tilespmem:s9], [sflag:s5], $0x10, s4, s14, $0xb8;
	[tilespmem:$0xE150] =	vst v63  }
0x75: {  	_ =	swait.ge [sflag:s29], $0x500  }
0x76: {  	[sflag:s29] =	ssyncset.done $0x0  }
0x77: {  	s10 =	simm.s32 $0x4D30;
	[sflag:s29] =	ssyncadd.s32 $0xFFFFFB00  }
0x78: {  	[spmem:s2] =	stream.indirect.scatter.add.f32 [tilespmem:s18], [sflag:$0x9], $0x10, s10, s14, $0xb8;
	[tilespmem:$0xE150] =	vst v63  }
0x79: {  	_ =	swait.ge [sflag:s0], $0x500  }
0x7a: {  	[sflag:s0] =	ssyncset.done $0x0  }
0x7b: {  	s12 =	simm.s32 $0x4D80;
	[sflag:s0] =	ssyncadd.s32 $0xFFFFFB00  }
0x7c: {  	[spmem:s2] =	stream.indirect.scatter.add.f32 [tilespmem:s20], [sflag:$0xA], $0x10, s12, s14, $0xb8;
	[tilespmem:$0xE150] =	vst v63  }
0x7d: {  	_ =	swait.ge [sflag:s19], $0x500  }
0x7e: {  	[sflag:s19] =	ssyncset.done $0x0  }
0x7f: {  	s15 =	simm.s32 $0x4DD0;
	[sflag:s19] =	ssyncadd.s32 $0xFFFFFB00  }
0x80: {  	[spmem:s2] =	stream.indirect.scatter.add.f32 [tilespmem:s23], [sflag:$0xB], $0x10, s15, s14, $0xb8;
	[tilespmem:$0xE150] =	vst v63  }
0x81: {  	_ =	swait.ge [sflag:s25], $0x500  }
0x82: {  	[sflag:s25] =	ssyncset.done $0x0  }
0x83: {  	[sflag:s25] =	ssyncadd.s32 $0xFFFFFB00  }
0x84: {  	_ =	swait.ge [sflag:s26], $0x500  }
0x85: {  	[sflag:s26] =	ssyncset.done $0x0  }
0x86: {  	[sflag:s26] =	ssyncadd.s32 $0xFFFFFB00  }
0x87: {  	_ =	swait.ge [sflag:s28], $0x500  }
0x88: {  	[sflag:s28] =	ssyncset.done $0x0  }
0x89: {  	[sflag:s28] =	ssyncadd.s32 $0xFFFFFB00  }
0x8a: {  	_ =	swait.ge [sflag:s30], $0x500  }
0x8b: {  	[sflag:s30] =	ssyncset.done $0x0  }
0x8c: {  	[sflag:s30] =	ssyncadd.s32 $0xFFFFFB00  }
0x8d: {  	_ =	swait.ge [sflag:s31], $0x500  }
0x8e: {  	[sflag:s31] =	ssyncset.done $0x0  }
0x8f: {  	[sflag:s31] =	ssyncadd.s32 $0xFFFFFB00  }
0x90: {  	_ =	swait.ge [sflag:s17], $0x500  }
0x91: {  	[sflag:s17] =	ssyncset.done $0x0  }
0x92: {  	[sflag:s17] =	ssyncadd.s32 $0xFFFFFB00  }
0x93: {  	[bflag:$0x0] =	sbarrier.arrive $0xFFFF  }
0x94: {  	s4 =	sshrl.u32 @!p0 s2, $0x3;
	s5 =	simm.s32 @!p0 $0x1C0D;
	s6 =	rddreg [dreg:$0x9]  }
0x95: {  	[hbm:s6], [sflag:s5] =	dma.local @!p0 [spmem:s4], $0x4E20  }
0x96: {  	s4 =	simm.s32 @!p0 $0xD  }
0x97: {  	_ =	swait.ge @!p0 [sflag:s4], $0x4E20  }
0x98: {  	s22 =	sadd.s32 $0x1, s22;
	s16 =	rddreg [dreg:$0xa]  }
0x99: {  	p1 =	sne.s32 s22, s16  }
.Ltmp2:
0x9a: {  	_ = 	snop;
	(pc) =	sbr.rel @p1 .LBB2_1-.Ltmp2, $3  }
0x9b: {  	_ =	sdelay $0x1  }
0x9c: {  	[sflag:s4] =	ssyncset.done @!p0 $0x0  }
0x9d: {  	s6 =	simm.s32 $0x2710;
	[sflag:s4] =	ssyncadd.s32 @!p0 $0xFFFFB1E0  }
0x9e: {  	_ =	sfence.sel $0x180000  }
0x9f: {  	[bflag:$0x0] =	sbarrier.arrive $0xFFFF  }
0xa0: {  	_ =	strace $0x9000004A  }
0xa1: {  	[bflag:$0x2] =	sbarrier.arrive $0xFFFF  }
0xa2: {  	s0 =	rddreg [dreg:$0x3]  }
0xa3: {  	s0 =	sadd.s32 @!p0 $0x100000, s0  }
0xa4: {  	[sflag:s0] =	ssyncadd.tile.s32 @!p0 $0x1;
	_ =	shalt  }
.Lfunc_end2:
_tile_overlayer_lowered:
.L_overlay_start_2:
0xa5: {  	(tag) =	ssettag $0x2  }
0xa6: {  	s0 =	rddreg [dreg:$0x0];
	s2 =	stileid.u32  }
0xa7: {  	s1 =	rddreg [dreg:$0x1];
	p0 =	sne.s32 s2, $0x0  }
0xa8: {  	s3 =	rddreg [dreg:$0x2];
	[bflag:$0x3] =	sbarrier.arrive $0xFFFF;
	s2 =	simm.s32 @!p0 $0x1C0D  }
0xa9: {  	[timem:s3], [sflag:s2] =	dma.local @!p0 [hbm:s0], s1  }
0xaa: {  	s0 =	simm.s32 @!p0 $0xD  }
0xab: {  	_ =	swait.ge @!p0 [sflag:s0], s1  }
0xac: {  	s1 =	ssub.s32 @!p0 $0x0, s1;
	[sflag:s0] =	ssyncset.done @!p0 $0x0  }
0xad: {  	[sflag:s0] =	ssyncadd.s32 @!p0 s1  }
0xae: {  	[bflag:$0x3] =	sbarrier.arrive $0xFFFF  }
0xaf: {  	_ =	shalt  }

// kernel: kernel.13.cloned.1.call-start
scs
__scs_entry_jumppad:
0x0: {  	(pc) =	sbr.rel $0x88, $3  }
0x1: {  	(tag) =	ssettag $0x0;
	lr =	simm.s32 $0x1  }
0x2: {  	[smem:$0x3F9B] =	sst lr;
	_ =	strace $0xD0000000  }
0x3: {  	_ = 	snop  }
0x4: {  	_ = 	snop  }
0x5: {  	_ = 	snop  }
0x6: {  	_ = 	snop  }
0x7: {  	_ = 	snop  }
__scs_overlays_trampoline_lowered:
0x8: {  	[smem:$0x3FAA] =	sst s0  }
0x9: {  	[smem:$0x3FAB] =	sst s1  }
0xa: {  	[smem:$0x3FAC] =	sst s2  }
0xb: {  	[smem:$0x3FAD] =	sst s3  }
0xc: {  	[smem:$0x3FAE] =	sst s4  }
0xd: {  	[smem:$0x3FAF] =	sst s5  }
0xe: {  	[smem:$0x3FB0] =	sst s6  }
0xf: {  	[smem:$0x3FB1] =	sst s7  }
0x10: {  	[smem:$0x3FB2] =	sst s8  }
0x11: {  	[smem:$0x3FB3] =	sst s9;
	s0 =	simm.s32 @!p0 $0x0  }
0x12: {  	s1 =	sld [smem:$0x3F99];
	s0 =	simm.s32 @p0 $0x1  }
0x13: {  	[smem:$0x3FB4] =	sst s0;
	s0 =	simm.s32 @!p1 $0x0  }
0x14: {  	s2 =	sld [smem:$0x3F98];
	s0 =	simm.s32 @p1 $0x1  }
0x15: {  	[smem:$0x3FB5] =	sst s0;
	s0 =	simm.s32 @!p2 $0x0  }
0x16: {  	s3 =	sld [smem:$0x3FDB];
	s0 =	simm.s32 @p2 $0x1  }
0x17: {  	s4 =	simm.s32 $0x1BF5;
	[smem:$0x3FB7] =	sst s0  }
0x18: {  	s0 =	sld [smem:$0x3F9A];
	_ =	swait.ge [sflag:s4], $0x0  }
0x19: {  	s7 =	sld [smem:$0x3F9B]  }
0x1a: {  	s8 =	sadd.s32 $0xFFFFE003, lr  }
0x1b: {  	s9 =	sadd.s32 $0xFFFFFEF7, lr;
	s5 =	simm.s32 $0xFFFFFFFF;
	p2 =	slt.u32 s8, $0xFFFFF086  }
0x1c: {  	p1 =	slt.u32 s9, $0xF7A;
	s5 =	simm.s32 @!p2 $0x0  }
0x1d: {  	s5 =	simm.s32 @p1 $0x1;
	p0 =	seq.s32 s7, s2  }
0x1e: {  	s7 =	smul.u32 @!p0 $0xF7A, s2;
	p2 =	seq.s32 @!p0 s5, $0x0  }
0x1f: {  	s9 =	smul.u32 $0xF7A, s1;
	s8 =	simm.s32 @!p0 $0x1BF5;
	p2 =	por !p2, p0  }
0x20: {  	[sflag:s8] =	ssyncset.s32 @!p0 $0xFFFFF086;
	s6 =	sadd.s32 @!p0 s3, s7;
	s7 =	simm.s32 @!p0 $0x108  }
0x21: {  	s3 =	sadd.s32 s3, s9;
	s6 =	sadd.s32 @!p0 $0x88, s6;
	s7 =	simm.s32 @p2 $0x1082  }
0x22: {  	[simem:s7], [sflag:s8] =	dma.local @!p0 [hbm:s6], $0xF7A  }
0x23: {  	s9 =	sor.u32 $0xD0000000, s2;
	s6 =	simm.s32 $0x108;
	_ =	swait.ge @!p0 [sflag:s8], $0x0  }
0x24: {  	s3 =	sadd.s32 $0x88, s3;
	s6 =	simm.s32 @!p1 $0x1082;
	[sflag:s4] =	ssyncset.s32 $0xFFFFF086  }
0x25: {  	[simem:s6], [sflag:s4] =	dma.local [hbm:s3], $0xF7A  }
0x26: {  	[smem:$0x3F9B] =	sst s1;
	(tag) =	ssettag s2;
	_ =	strace s9  }
0x27: {  	s1 =	sld [smem:$0x3FAB]  }
0x28: {  	s2 =	sld [smem:$0x3FAC]  }
0x29: {  	s4 =	sld [smem:$0x3FAE]  }
0x2a: {  	p0 =	seq.s32 s5, $0x0;
	s5 =	sld [smem:$0x3FAF]  }
0x2b: {  	s6 =	sld [smem:$0x3FB0]  }
0x2c: {  	s7 =	sld [smem:$0x3FB1]  }
0x2d: {  	s3 =	simm.s32 $0x108;
	s8 =	sld [smem:$0x3FB2]  }
0x2e: {  	s3 =	simm.s32 @!p0 $0x1082;
	s9 =	sld [smem:$0x3FB3]  }
0x2f: {  	lr =	sadd.s32 s0, s3;
	s0 =	sld [smem:$0x3FAA]  }
0x30: {  	s3 =	sld [smem:$0x3FAD]  }
0x31: {  	[smem:$0x3FB6] =	sst s10  }
0x32: {  	s10 =	sld [smem:$0x3FB4];
	_ =	sdelay $0x3  }
0x33: {  	p0 =	seq.s32 s10, $0x1;
	s10 =	sld [smem:$0x3FB6];
	_ =	sdelay $0x3  }
0x34: {  	[smem:$0x3FB6] =	sst s10  }
0x35: {  	s10 =	sld [smem:$0x3FB5];
	_ =	sdelay $0x3  }
0x36: {  	p1 =	seq.s32 s10, $0x1;
	s10 =	sld [smem:$0x3FB6];
	_ =	sdelay $0x3  }
0x37: {  	[smem:$0x3FB6] =	sst s10  }
0x38: {  	s10 =	sld [smem:$0x3FB7]  }
0x39: {  	_ = 	snop;
	(pc) =	sbr.ind lr, $3  }
0x3a: {  	_ = 	snop  }
0x3b: {  	_ = 	snop  }
0x3c: {  	p2 =	seq.s32 s10, $0x1;
	s10 =	sld [smem:$0x3FB6]  }
0x3d: {  	_ =	shalt  }
0x3e: {  	_ =	shalt  }
0x3f: {  	_ =	shalt  }
0x40: {  	_ =	shalt  }
0x41: {  	_ =	shalt  }
0x42: {  	_ =	shalt  }
0x43: {  	_ =	shalt  }
0x44: {  	_ =	shalt  }
0x45: {  	_ =	shalt  }
0x46: {  	_ =	shalt  }
0x47: {  	_ =	shalt  }
0x48: {  	_ =	shalt  }
0x49: {  	_ =	shalt  }
0x4a: {  	_ =	shalt  }
0x4b: {  	_ =	shalt  }
0x4c: {  	_ =	shalt  }
0x4d: {  	_ =	shalt  }
0x4e: {  	_ =	shalt  }
0x4f: {  	_ =	shalt  }
0x50: {  	_ =	shalt  }
0x51: {  	_ =	shalt  }
0x52: {  	_ =	shalt  }
0x53: {  	_ =	shalt  }
0x54: {  	_ =	shalt  }
0x55: {  	_ =	shalt  }
0x56: {  	_ =	shalt  }
0x57: {  	_ =	shalt  }
0x58: {  	_ =	shalt  }
0x59: {  	_ =	shalt  }
0x5a: {  	_ =	shalt  }
0x5b: {  	_ =	shalt  }
0x5c: {  	_ =	shalt  }
0x5d: {  	_ =	shalt  }
0x5e: {  	_ =	shalt  }
0x5f: {  	_ =	shalt  }
0x60: {  	_ =	shalt  }
0x61: {  	_ =	shalt  }
0x62: {  	_ =	shalt  }
0x63: {  	_ =	shalt  }
0x64: {  	_ =	shalt  }
0x65: {  	_ =	shalt  }
0x66: {  	_ =	shalt  }
0x67: {  	_ =	shalt  }
0x68: {  	_ =	shalt  }
0x69: {  	_ =	shalt  }
0x6a: {  	_ =	shalt  }
0x6b: {  	_ =	shalt  }
0x6c: {  	_ =	shalt  }
0x6d: {  	_ =	shalt  }
0x6e: {  	_ =	shalt  }
0x6f: {  	_ =	shalt  }
0x70: {  	_ =	shalt  }
0x71: {  	_ =	shalt  }
0x72: {  	_ =	shalt  }
0x73: {  	_ =	shalt  }
0x74: {  	_ =	shalt  }
0x75: {  	_ =	shalt  }
0x76: {  	_ =	shalt  }
0x77: {  	_ =	shalt  }
0x78: {  	_ =	shalt  }
0x79: {  	_ =	shalt  }
0x7a: {  	_ =	shalt  }
0x7b: {  	_ =	shalt  }
0x7c: {  	_ =	shalt  }
0x7d: {  	_ =	shalt  }
0x7e: {  	_ =	shalt  }
0x7f: {  	_ =	shalt  }
0x80: {  	_ =	shalt  }
0x81: {  	_ =	shalt  }
0x82: {  	_ =	shalt  }
0x83: {  	_ =	shalt  }
0x84: {  	_ =	shalt  }
0x85: {  	_ =	shalt  }
0x86: {  	_ =	shalt  }
0x87: {  	_ =	shalt  }
.Lfunc_end0:
.L_simem_size_0:
called_computation.2_lowered:
.L_overlay_start_0:
0x88: {  	s2 =	sld [smem:$0x3FD9]  }
0x89: {  	s3 =	sld [smem:$0x3FFE];
	_ =	sdelay $0x1  }
0x8a: {  	s1 =	srdreg.scid  }
0x8b: {  	s0 =	sand.u32 $0x1, s1  }
0x8c: {  	s17 =	sshll.u32 s0, $0xA;
	s2 =	sadd.s32 s3, s2  }
0x8d: {  	s2 =	sadd.s32 s2, s17  }
0x8e: {  	[smem:$0x3FC2] =	sst s2  }
0x8f: {  	_ = 	snop  }
0x90: {  	s2 =	sld [smem:$0x3FC6]  }
0x91: {  	s18 =	sld [smem:$0x3FD0];
	(tm) =	ssettm $0x1  }
0x92: {  	s4 =	sld [smem:$0x3FFB];
	_ =	sdelay $0x3  }
0x93: {  	_ =	strace s4  }
0x94: {  	s4 =	sld [smem:$0x3FFC];
	_ =	sdelay $0x3  }
0x95: {  	_ =	strace s4  }
0x96: {  	s4 =	sld [smem:$0x3FFD];
	_ =	sdelay $0x3  }
0x97: {  	_ =	strace s4  }
0x98: {  	_ =	strace $0x8FFFFFFF  }
0x99: {  	s19 =	sld [smem:$0x3FDB];
	_ =	sdelay $0x1  }
0x9a: {  	s5 =	simm.s32 $_scs_section_size  }
0x9b: {  	s6 =	simm.s32 $_size__tile_overlayer_lowered;
	s7 =	simm.s32 $_tile_overlayer_lowered  }
0x9c: {  	s22 =	simm.s32 $0x1BFF;
	s21 =	sshll.u32 s7, $0x1;
	s4 =	sadd.s32 s5, s19  }
0x9d: {  	s8 =	simm.s32 $0x0;
	s20 =	sshll.u32 s6, $0x1;
	s6 =	sadd.s32 s21, s4  }
0x9e: {  	[timem:s8], [sflag:s22] =	dma.local [hbm:s6], s20  }
0x9f: {  	_ =	swait.ge [sflag:s22], s20  }
0xa0: {  	s5 =	ssub.s32 $0x0, s20;
	[sflag:s22] =	ssyncset.done $0x0  }
0xa1: {  	[sflag:s22] =	ssyncadd.s32 s5;
	_ =	sdelay $0x1  }
0xa2: {  	s23 =	simm.s32 $0x1B8B  }
0xa3: {  	_ =	swait.ge [sflag:s23], $0x1  }
0xa4: {  	[sflag:s23] =	ssyncset.done $0x0  }
0xa5: {  	s25 =	simm.s32 $0x1B8E;
	s24 =	sld [smem:$0x3FFE];
	[sflag:s23] =	ssyncadd.s32 $0xFFFFFFFF  }
0xa6: {  	s26 =	simm.s32 $execute0_lowered;
	[smem:$0x3FD2] =	sst s25  }
0xa7: {  	s6 =	sshll.u32 s26, $0x1;
	_ =	strace $0x8000004C;
	[dreg:$0x1] =	wrdreg $0xFFFFFFFF  }
0xa8: {  	s28 =	simm.s32 $_size_execute0_lowered;
	s4 =	sadd.s32 s4, s6;
	[dreg:$0x0] =	wrdreg $0x0  }
0xa9: {  	s6 =	sshll.u32 s28, $0x1;
	[dreg:$0x2] =	wrdreg s4  }
0xaa: {  	[dreg:$0x3] =	wrdreg s6  }
0xab: {  	[dreg:$0x4] =	wrdreg $0xC0  }
0xac: {  	_ =	task [dreg:s8], $0x5FFFF  }
0xad: {  	[dreg:$0x1] =	wrdreg $0xFFFFFFFF  }
0xae: {  	[dreg:$0x0] =	wrdreg $0x60  }
0xaf: {  	[dreg:$0x2] =	wrdreg s24  }
0xb0: {  	[dreg:$0x3] =	wrdreg s18  }
0xb1: {  	[dreg:$0x4] =	wrdreg s2  }
0xb2: {  	[dreg:$0x5] =	wrdreg $0x108700  }
0xb3: {  	[dreg:$0x6] =	wrdreg $0x12F800  }
0xb4: {  	[dreg:$0x7] =	wrdreg $0x9  }
0xb5: {  	_ =	task.clear_ibuf [dreg:s8], $0x8FFFF;
	_ =	strace $0x9000004C  }
0xb6: {  	s29 =	simm.s32 $0x9;
	_ =	strace $0x8000004E  }
0xb7: {  	_ =	swait.ge [sflag:s29], $0x1  }
0xb8: {  	[sflag:s29] =	ssyncadd.s32 $0xFFFFFFFF  }
0xb9: {  	_ =	strace $0x9000004E  }
0xba: {  	_ =	sfence  }
0xbb: {  	s30 =	sld [smem:$0x0];
	_ =	sdelay $0x2  }
0xbc: {  	s31 =	sshll.u32 s1, $0xD;
	s1 =	sshrl.u32 s1, $0x2  }
0xbd: {  	s3 =	sand.u32 $0x4000, s31;
	s1 =	sadd.s32 s1, s30  }
0xbe: {  	s0 =	sor.u32 s3, s0;
	s1 =	sshll.u32 s1, $0x11  }
0xbf: {  	s0 =	sor.u32 s1, s0  }
0xc0: {  	s0 =	sadd.s32 $0x8F2B, s0  }
0xc1: {  	[sflag:s0] =	ssyncadd.remote.s32 $0x1  }
0xc2: {  	_ =	sfence.sel $0xFFFF  }
0xc3: {  	[dreg:$0x0] =	wrdreg $0xFFFFFFFF;
	(pc) =	sbr.abs _section_cstart, $3  }
0xc4: {  	[dreg:$0x1] =	wrdreg $0xFFFFFFFF  }
0xc5: {  	_ =	task.clear_ibuf [dreg:s8], $0x2FFFF;
	_ =	strace $0x9FFFFFFF  }
0xc6: {  	(tm) =	ssettm $0x7FFFFFFF  }
0xc7: {  	_ =	shalt  }
tec
execute0_lowered:
.L_overlay_start_1:
0x0: {  	(tag) =	ssettag $0x1  }
0x1: {  	s0 =	rddreg [dreg:$0x0]  }
0x2: {  	s1 =	rddreg [dreg:$0x1]  }
0x3: {  	s11 =	stileid.u32;
	s3 =	rddreg [dreg:$0x3]  }
0x4: {  	s2 =	srdreg.scid;
	s4 =	rddreg [dreg:$0x4];
	s15 =	simm.s32 $0xD  }
0x5: {  	s13 =	simm.s32 $0x2710;
	s18 =	simm.s32 $0x6C20;
	s21 =	simm.s32 $0x50  }
0x6: {  	s14 =	simm.s32 $0x5D20;
	s29 =	simm.s32 $0x1;
	s31 =	simm.s32 $0x6220  }
0x7: {  	s19 =	simm.s32 $0x3;
	s17 =	simm.s32 $0xC;
	s6 =	smul.u32 $0x2710, s11  }
0x8: {  	s20 =	simm.s32 $0x7;
	s30 =	simm.s32 $0x9;
	s8 =	smul.u32 $0x4E2, s11  }
0x9: {  	s2 =	sand.u32 $0x1, s2;
	s5 =	sshll.u32 s11, $0x1;
	s11 =	smul.u32 $0x9C4, s11  }
0xa: {  	s7 =	sor.u32 s2, s5;
	s5 =	simm.s32 $0x0;
	s10 =	smul.u32 $0x4E20, s2  }
0xb: {  	s2 =	ssub.s32 $0x2, s2;
	s7 =	smul.u32 $0x4E2, s7;
	[smem:$0x7FF] =	sst s5  }
0xc: {  	s9 =	sshrl.u32 s6, $0x3;
	s22 =	sshrl.u32 s2, $0x1;
	s1 =	sadd.s32 s1, s11  }
0xd: {  	s26 =	sadd.s32 s6, s3;
	s12 =	sadd.s32 s6, s4;
	s6 =	simm.s32 $0xB  }
0xe: {  	_ =	strace $0x8000004D;
	s9 =	sadd.s32 s9, s0;
	[dreg:$0x8] =	wrdreg s1  }
0xf: {  	s8 =	sadd.s32 s8, s10;
	s2 =	ssub.s32 s2, s22;
	[dreg:$0xb] =	wrdreg s26  }
0x10: {  	s26 =	simm.s32 $0x4;
	s1 =	simm.s32 $0xA;
	s24 =	sadd.s32 $0x1A600, s9  }
0x11: {  	s7 =	sadd.s32 s7, s0;
	s25 =	sadd.s32 $0x1F420, s9;
	[dreg:$0x9] =	wrdreg s24  }
0x12: {  	s0 =	sadd.s32 s8, s0;
	s28 =	smax.u32 s2, $0x1;
	[dreg:$0xa] =	wrdreg s25  }
0x13: {  	s2 =	simm.s32 $0x2;
	s23 =	sadd.s32 $0xB800, s7;
	[dreg:$0xd] =	wrdreg s28  }
0x14: {  	s7 =	sadd.s32 $0x1A00, s7;
	s0 =	sadd.s32 $0x24400, s0;
	[dreg:$0x6] =	wrdreg s23  }
0x15: {  	s25 =	simm.s32 $0x5820;
	s24 =	simm.s32 $0x8;
	[dreg:$0x7] =	wrdreg s7  }
0x16: {  	v0 =	vimm.f32 $0.0e+00;
	[dreg:$0xc] =	wrdreg s0;
	s0 =	simm.s32 $0x5;
	s7 =	simm.s32 $0x0  }
.LBB2_1:
0x17: {  	s8 =	rddreg [dreg:$0x6]  }
0x18: {  	[tilespmem:s5], [sflag:$0xD] =	stream.linear.gather [hbm4b:s8+s5], $0x2710, $0x38;
	[tilespmem:$0x15690] =	vst v63  }
0x19: {  	_ =	swait.ge [sflag:s15], $0x2710  }
0x1a: {  	[sflag:s15] =	ssyncset.done $0x0  }
0x1b: {  	s9 =	rddreg [dreg:$0x7];
	[sflag:s15] =	ssyncadd.s32 $0xFFFFD8F0  }
0x1c: {  	[tilespmem:s13], [sflag:$0xD] =	stream.linear.gather [hbm4b:s9+s5], $0x2710, $0x38;
	[tilespmem:$0x15690] =	vst v63  }
0x1d: {  	_ =	swait.ge [sflag:s15], $0x2710  }
0x1e: {  	[sflag:s15] =	ssyncset.done $0x0  }
0x1f: {  	s9 =	simm.s32 $0xBA40;
	s10 =	rddreg [dreg:$0x8];
	[sflag:s15] =	ssyncadd.s32 $0xFFFFD8F0  }
0x20: {  	[tilespmem:s9], [sflag:$0xD] =	stream.linear.gather [hbm4b:s10+s5], $0x4E20, $0x38;
	[tilespmem:$0x15690] =	vst v63  }
0x21: {  	_ =	swait.ge [sflag:s15], $0x4E20  }
0x22: {  	[sflag:s15] =	ssyncset.done $0x0  }
0x23: {  	s11 =	rddreg [dreg:$0x9];
	[sflag:s15] =	ssyncadd.s32 $0xFFFFB1E0  }
0x24: {  	[tilespmem:s18], [sflag:$0xD] =	stream.linear.gather [hbm4b:s11+s5], $0x2710, $0x38;
	[tilespmem:$0x15690] =	vst v63  }
0x25: {  	_ =	swait.ge [sflag:s15], $0x2710  }
0x26: {  	[sflag:s15] =	ssyncset.done $0x0  }
0x27: {  	s22 =	simm.s32 $0x9330;
	s16 =	rddreg [dreg:$0xa];
	[sflag:s15] =	ssyncadd.s32 $0xFFFFD8F0  }
0x28: {  	[tilespmem:s22], [sflag:$0xD] =	stream.linear.gather [hbm4b:s16+s5], $0x2710, $0x38;
	[tilespmem:$0x15690] =	vst v63  }
0x29: {  	_ =	swait.ge [sflag:s15], $0x2710  }
0x2a: {  	[sflag:s15] =	ssyncset.done $0x0  }
0x2b: {  	[sflag:s15] =	ssyncadd.s32 $0xFFFFD8F0  }
0x2c: {  	s28 =	simm.s32 $0x10860;
	s23 =	rddreg [dreg:$0x2]  }
0x2d: {  	[tilespmem:s28], [sflag:$0xD] =	stream.linear.gather [hbm4b:s23+s5], $0x10, $0x38;
	[tilespmem:$0x15690] =	vst v63  }
0x2e: {  	_ =	swait.ge [sflag:s15], $0x10  }
0x2f: {  	[sflag:s15] =	ssyncset.done $0x0  }
0x30: {  	s11 =	simm.s32 $0x0;
	[sflag:s15] =	ssyncadd.s32 $0xFFFFFFF0  }
0x31: {  	v2 =	vld [tilespmem:s11+$0x9330]  }
0x32: {  	v3 =	vld [tilespmem:s11+$0x6C20]  }
0x33: {  	s8 =	simm.s32 $0xBA50  }
0x34: {  	v4 =	vld [tilespmem:s8+$0xFFFFFFF0];
	_ =	sdelay $0x1  }
0x35: {  	v1 =	vld [tilespmem:$0x10860]  }
0x36: {  	v2 =	vadd.f32 v2, v3;
	_ =	sdelay $0x1  }
0x37: {  	v3 =	vld [tilespmem:s8+$0x0];
	v2 =	vmul.f32 v4, v2;
	_ =	sdelay $0x1  }
0x38: {  	v2 =	vadd.f32 v2, v1;
	_ =	sdelay $0x1  }
0x39: {  	v2 =	vmax.f32 v2, $0.0e+00  }
0x3a: {  	v3 =	vmul.f32 v2, v3  }
0x3b: {  	s9 =	simm.s32 $0x10  }
0x3c: {  	s10 =	simm.s32 $0x80;
	v2 =	vld [tilespmem:s9+$0x9330];
	[tilespmem:s11+$0x6C20] =	vst v3  }
.LBB2_2:
0x3d: {  	p0 =	sne.s32 s10, $0x9C00;
	v3 =	vld [tilespmem:s9+$0x6C20]  }
0x3e: {  	s8 =	sadd.s32 $0x20, s8  }
0x3f: {  	v4 =	vld [tilespmem:s8+$0xFFFFFFF0];
	_ =	sdelay $0x2  }
0x40: {  	v2 =	vadd.f32 v2, v3;
	_ =	sdelay $0x1  }
0x41: {  	v2 =	vmul.f32 v4, v2;
	v3 =	vld [tilespmem:s8+$0x0];
	_ =	sdelay $0x1  }
0x42: {  	v2 =	vadd.f32 v2, v1  }
.Ltmp0:
0x43: {  	(pc) =	sbr.rel @p0 .LBB2_2-.Ltmp0, $4  }
0x44: {  	v2 =	vmax.f32 v2, $0.0e+00  }
0x45: {  	v3 =	vmul.f32 v2, v3  }
0x46: {  	s11 =	sshra.s32 s10, $0x2  }
0x47: {  	s10 =	sadd.s32 $0x40, s10;
	v2 =	vld [tilespmem:s11+$0x9330];
	[tilespmem:s9+$0x6C20] =	vst v3;
	s9 =	smov.u32 s11  }
0x48: {  	v3 =	vld [tilespmem:s9+$0x6C20]  }
0x49: {  	s8 =	sadd.s32 $0x20, s8  }
0x4a: {  	v4 =	vld [tilespmem:s8+$0xFFFFFFF0];
	_ =	sdelay $0x2  }
0x4b: {  	v2 =	vadd.f32 v2, v3;
	_ =	sdelay $0x1  }
0x4c: {  	v3 =	vld [tilespmem:s8+$0x0];
	v2 =	vmul.f32 v4, v2;
	_ =	sdelay $0x1  }
0x4d: {  	v1 =	vadd.f32 v2, v1;
	_ =	sdelay $0x1  }
0x4e: {  	v1 =	vmax.f32 v1, $0.0e+00  }
0x4f: {  	v1 =	vmul.f32 v1, v3;
	_ =	sdelay $0x1  }
0x50: {  	s28 =	rddreg [dreg:$0xb];
	[tilespmem:s9+$0x6C20] =	vst v1  }
0x51: {  	[spmem:s28] =	stream.linear.scatter [tilespmem:s18], [sflag:$0xD], $0x2710, $0x38;
	[tilespmem:$0x15690] =	vst v63  }
0x52: {  	_ =	swait.ge [sflag:s15], $0x2710  }
0x53: {  	[sflag:s15] =	ssyncset.done $0x0  }
0x54: {  	s8 =	simm.s32 $0x40;
	s9 =	simm.s32 $0x0;
	[sflag:s15] =	ssyncadd.s32 $0xFFFFD8F0  }
.LBB2_4:
0x55: {  	p0 =	sne.s32 s8, $0x9C00;
	[tilespmem:s9+$0x6C20] =	vst v0;
	s9 =	smov.u32 s8;
	s8 =	sadd.s32 $0x40, s8  }
.Ltmp1:
0x56: {  	(pc) =	sbr.rel @p0 .LBB2_4-.Ltmp1, $2  }
0x57: {  	_ =	sdelay $0x2  }
0x58: {  	s9 =	sshra.s32 s9, $0x2  }
0x59: {  	[tilespmem:s9+$0x6C20] =	vst v0  }
0x5a: {  	[spmem:s12] =	stream.linear.scatter [tilespmem:s18], [sflag:$0xD], $0x2710, $0x38;
	[tilespmem:$0x15690] =	vst v63  }
0x5b: {  	_ =	swait.ge [sflag:s15], $0x2710  }
0x5c: {  	[sflag:s15] =	ssyncset.done $0x0  }
0x5d: {  	[sflag:s15] =	ssyncadd.s32 $0xFFFFD8F0  }
0x5e: {  	s8 =	simm.s32 $0x4E20;
	[bflag:$0x0] =	sbarrier.arrive $0xFFFF  }
0x5f: {  	[tilespmem:s8], [sflag:$0x1] =	stream.indirect.gather [spmem:s3], $0x10, s5, s21, $0xb8;
	[tilespmem:$0x15690] =	vst v63  }
0x60: {  	s23 =	simm.s32 $0x5320  }
0x61: {  	[tilespmem:s23], [sflag:$0x2] =	stream.indirect.gather [spmem:s3], $0x10, s21, s21, $0xb8;
	[tilespmem:$0x15690] =	vst v63  }
0x62: {  	s10 =	simm.s32 $0xA0  }
0x63: {  	[tilespmem:s25], [sflag:$0x3] =	stream.indirect.gather [spmem:s3], $0x10, s10, s21, $0xb8;
	[tilespmem:$0x15690] =	vst v63  }
0x64: {  	s28 =	simm.s32 $0xF0  }
0x65: {  	[tilespmem:s14], [sflag:$0x4] =	stream.indirect.gather [spmem:s3], $0x10, s28, s21, $0xb8;
	[tilespmem:$0x15690] =	vst v63  }
0x66: {  	_ =	swait.ge [sflag:s29], $0x500  }
0x67: {  	[sflag:s29] =	ssyncset.done $0x0  }
0x68: {  	[sflag:s29] =	ssyncadd.s32 $0xFFFFFB00  }
0x69: {  	[spmem:s4] =	stream.indirect.scatter.add.f32 [tilespmem:s8], [sflag:$0x7], $0x10, s13, s21, $0xb8;
	[tilespmem:$0x15690] =	vst v63  }
0x6a: {  	s10 =	simm.s32 $0x140  }
0x6b: {  	[tilespmem:s31], [sflag:$0x5] =	stream.indirect.gather [spmem:s3], $0x10, s10, s21, $0xb8;
	[tilespmem:$0x15690] =	vst v63  }
0x6c: {  	_ =	swait.ge [sflag:s2], $0x500  }
0x6d: {  	s16 =	simm.s32 $0x6;
	[sflag:s2] =	ssyncset.done $0x0  }
0x6e: {  	s11 =	simm.s32 $0x2760;
	s8 =	smul.u32 $0xAB, s16;
	[sflag:s2] =	ssyncadd.s32 $0xFFFFFB00  }
0x6f: {  	[spmem:s4] =	stream.indirect.scatter.add.f32 [tilespmem:s23], [sflag:$0x8], $0x10, s11, s21, $0xb8;
	[tilespmem:$0x15690] =	vst v63  }
0x70: {  	s22 =	simm.s32 $0x27B0;
	s23 =	sshrl.u32 s8, $0xA  }
0x71: {  	s14 =	simm.s32 $0x6720;
	s13 =	simm.s32 $0x190;
	s9 =	sand.u32 $0x3F, s23  }
0x72: {  	[tilespmem:s14], [sflag:$0x6] =	stream.indirect.gather [spmem:s3], $0x10, s13, s21, $0xb8;
	[tilespmem:$0x15690] =	vst v63  }
0x73: {  	s10 =	simm.s32 $0x2800;
	s8 =	sadd.s32 $0xFFFFFDFF, s8;
	s9 =	smul.u32 $0x6, s9  }
0x74: {  	s11 =	simm.s32 $0x1E0;
	s8 =	sshrl.u32 s8, $0xA;
	_ =	swait.ge [sflag:s19], $0x500  }
0x75: {  	s8 =	sand.u32 $0x3F, s8;
	[sflag:s19] =	ssyncset.done $0x0;
	s9 =	ssub.s32 $0x6, s9  }
0x76: {  	s8 =	smul.u32 $0x6, s8;
	[sflag:s19] =	ssyncadd.s32 $0xFFFFFB00;
	s9 =	sand.u32 $0xFF, s9  }
0x77: {  	[spmem:s4] =	stream.indirect.scatter.add.f32 [tilespmem:s25], [sflag:$0x9], $0x10, s22, s21, $0xb8;
	[tilespmem:$0x15690] =	vst v63  }
0x78: {  	s13 =	simm.s32 $0x8;
	s8 =	ssub.s32 $0x6, s8;
	s28 =	sadd.s32 $0x7, s9  }
0x79: {  	s16 =	smul.u32 $0x1400, s9;
	s8 =	sadd.s32 $0xFFFFFFFD, s8;
	_ =	swait.ge [sflag:s28], $0x500  }
0x7a: {  	s9 =	sadd.s32 $0x1, s9;
	s8 =	sand.u32 $0xFF, s8;
	[sflag:s28] =	ssyncset.done $0x0  }
0x7b: {  	s14 =	sshrl.u32 s16, $0x2;
	s23 =	smul.u32 $0x1400, s8;
	s16 =	simm.s32 $0x230  }
0x7c: {  	[sflag:s28] =	ssyncadd.s32 $0xFFFFFB00;
	s22 =	sadd.s32 $0x4E20, s14;
	s28 =	sadd.s32 $0x1, s8  }
0x7d: {  	[tilespmem:s22], [sflag:s9] =	stream.indirect.gather [spmem:s3], $0x10, s11, s21, $0xb8;
	[tilespmem:$0x15690] =	vst v63  }
0x7e: {  	s14 =	sadd.s32 $0x7, s8;
	s8 =	simm.s32 $0x2850;
	_ =	swait.ge [sflag:s28], $0x500  }
0x7f: {  	s9 =	simm.s32 $0x7;
	s22 =	sshrl.u32 s23, $0x2;
	[sflag:s28] =	ssyncset.done $0x0  }
0x80: {  	s11 =	smul.u32 $0xAB, s9;
	s22 =	sadd.s32 $0x4E20, s22;
	[sflag:s28] =	ssyncadd.s32 $0xFFFFFB00  }
.LBB2_6:
0x81: {  	[spmem:s4] =	stream.indirect.scatter.add.f32 [tilespmem:s22], [sflag:s14], $0x10, s10, s21, $0xb8;
	[tilespmem:$0x15690] =	vst v63  }
0x82: {  	s14 =	smov.u32 s13;
	s10 =	smov.u32 s8  }
0x83: {  	s23 =	sadd.s32 $0x1, s13;
	s22 =	sshrl.u32 s11, $0xA;
	s11 =	sadd.s32 $0xFFFFFDFF, s11  }
0x84: {  	p0 =	sne.s32 s13, $0x7C;
	s13 =	sand.u32 $0x3F, s22;
	s11 =	sshrl.u32 s11, $0xA  }
0x85: {  	s13 =	smul.u32 $0x6, s13;
	s11 =	sand.u32 $0x3F, s11  }
0x86: {  	s11 =	smul.u32 $0x6, s11  }
0x87: {  	s13 =	ssub.s32 s9, s13  }
0x88: {  	s13 =	sand.u32 $0xFF, s13;
	s11 =	ssub.s32 s9, s11;
	s9 =	smov.u32 s14  }
0x89: {  	s14 =	sadd.s32 $0x7, s13;
	s22 =	smul.u32 $0x1400, s13;
	s11 =	sadd.s32 $0xFFFFFFFD, s11  }
0x8a: {  	s13 =	sadd.s32 $0x1, s13;
	_ =	swait.ge [sflag:s14], $0x500;
	s11 =	sand.u32 $0xFF, s11  }
0x8b: {  	[sflag:s14] =	ssyncset.done $0x0;
	s22 =	sshrl.u32 s22, $0x2;
	s28 =	sadd.s32 $0x1, s11  }
0x8c: {  	[sflag:s14] =	ssyncadd.s32 $0xFFFFFB00;
	s14 =	sadd.s32 $0x4E20, s22;
	s22 =	smul.u32 $0x1400, s11  }
.Ltmp2:
0x8d: {  	s8 =	sadd.s32 $0x50, s8;
	(pc) =	sbr.rel @p0 .LBB2_6-.Ltmp2, $4  }
0x8e: {  	[tilespmem:s14], [sflag:s13] =	stream.indirect.gather [spmem:s3], $0x10, s16, s21, $0xb8;
	[tilespmem:$0x15690] =	vst v63  }
0x8f: {  	s16 =	sadd.s32 $0x50, s16;
	_ =	swait.ge [sflag:s28], $0x500;
	s13 =	sshrl.u32 s22, $0x2  }
0x90: {  	s14 =	sadd.s32 $0x7, s11;
	s11 =	smul.u32 $0xAB, s9;
	[sflag:s28] =	ssyncset.done $0x0  }
0x91: {  	s22 =	sadd.s32 $0x4E20, s13;
	s13 =	smov.u32 s23;
	[sflag:s28] =	ssyncadd.s32 $0xFFFFFB00  }
0x92: {  	s13 =	sshrl.u32 s11, $0xA  }
0x93: {  	[spmem:s4] =	stream.indirect.scatter.add.f32 [tilespmem:s22], [sflag:s14], $0x10, s10, s21, $0xb8;
	[tilespmem:$0x15690] =	vst v63  }
0x94: {  	s13 =	sand.u32 $0x3F, s13  }
0x95: {  	s22 =	sadd.s32 $0xFFFFFDFF, s11;
	s13 =	smul.u32 $0x6, s13  }
0x96: {  	s11 =	sshrl.u32 s22, $0xA  }
0x97: {  	s11 =	sand.u32 $0x3F, s11;
	s13 =	ssub.s32 s9, s13  }
0x98: {  	s11 =	smul.u32 $0x6, s11;
	s10 =	sand.u32 $0xFF, s13  }
0x99: {  	s14 =	sadd.s32 $0x7, s10;
	s23 =	smul.u32 $0x1400, s10  }
0x9a: {  	s11 =	ssub.s32 s9, s11;
	s10 =	sadd.s32 $0x1, s10;
	_ =	swait.ge [sflag:s14], $0x500  }
0x9b: {  	s9 =	sadd.s32 $0xFFFFFFFD, s11;
	[sflag:s14] =	ssyncset.done $0x0;
	s28 =	sshrl.u32 s23, $0x2  }
0x9c: {  	s9 =	sand.u32 $0xFF, s9;
	[sflag:s14] =	ssyncadd.s32 $0xFFFFFB00;
	s13 =	sadd.s32 $0x4E20, s28  }
0x9d: {  	[tilespmem:s13], [sflag:s10] =	stream.indirect.gather [spmem:s3], $0x10, s16, s21, $0xb8;
	[tilespmem:$0x15690] =	vst v63  }
0x9e: {  	s14 =	smul.u32 $0x1400, s9;
	s13 =	sadd.s32 $0x1, s9  }
0x9f: {  	_ =	swait.ge [sflag:s13], $0x500  }
0xa0: {  	s11 =	sshrl.u32 s14, $0x2;
	[sflag:s13] =	ssyncset.done $0x0  }
0xa1: {  	s9 =	sadd.s32 $0x7, s9;
	s16 =	sadd.s32 $0x4E20, s11;
	[sflag:s13] =	ssyncadd.s32 $0xFFFFFB00  }
0xa2: {  	[spmem:s4] =	stream.indirect.scatter.add.f32 [tilespmem:s16], [sflag:s9], $0x10, s8, s21, $0xb8;
	[tilespmem:$0x15690] =	vst v63  }
0xa3: {  	_ =	swait.ge [sflag:s19], $0x500  }
0xa4: {  	[sflag:s19] =	ssyncset.done $0x0  }
0xa5: {  	s22 =	simm.s32 $0x4D30;
	[sflag:s19] =	ssyncadd.s32 $0xFFFFFB00  }
0xa6: {  	[spmem:s4] =	stream.indirect.scatter.add.f32 [tilespmem:s25], [sflag:$0x9], $0x10, s22, s21, $0xb8;
	[tilespmem:$0x15690] =	vst v63  }
0xa7: {  	_ =	swait.ge [sflag:s26], $0x500  }
0xa8: {  	[sflag:s26] =	ssyncset.done $0x0  }
0xa9: {  	s23 =	simm.s32 $0x4D80;
	s14 =	simm.s32 $0x5D20;
	[sflag:s26] =	ssyncadd.s32 $0xFFFFFB00  }
0xaa: {  	[spmem:s4] =	stream.indirect.scatter.add.f32 [tilespmem:s14], [sflag:$0xA], $0x10, s23, s21, $0xb8;
	[tilespmem:$0x15690] =	vst v63  }
0xab: {  	_ =	swait.ge [sflag:s0], $0x500  }
0xac: {  	[sflag:s0] =	ssyncset.done $0x0  }
0xad: {  	s28 =	simm.s32 $0x4DD0;
	[sflag:s0] =	ssyncadd.s32 $0xFFFFFB00  }
0xae: {  	[spmem:s4] =	stream.indirect.scatter.add.f32 [tilespmem:s31], [sflag:$0xB], $0x10, s28, s21, $0xb8;
	[tilespmem:$0x15690] =	vst v63  }
0xaf: {  	_ =	swait.ge [sflag:s17], $0x500  }
0xb0: {  	[sflag:s17] =	ssyncset.done $0x0  }
0xb1: {  	[sflag:s17] =	ssyncadd.s32 $0xFFFFFB00  }
0xb2: {  	_ =	swait.ge [sflag:s20], $0x500  }
0xb3: {  	[sflag:s20] =	ssyncset.done $0x0  }
0xb4: {  	[sflag:s20] =	ssyncadd.s32 $0xFFFFFB00  }
0xb5: {  	_ =	swait.ge [sflag:s24], $0x500  }
0xb6: {  	[sflag:s24] =	ssyncset.done $0x0  }
0xb7: {  	[sflag:s24] =	ssyncadd.s32 $0xFFFFFB00  }
0xb8: {  	_ =	swait.ge [sflag:s30], $0x500  }
0xb9: {  	[sflag:s30] =	ssyncset.done $0x0  }
0xba: {  	[sflag:s30] =	ssyncadd.s32 $0xFFFFFB00  }
0xbb: {  	_ =	swait.ge [sflag:s1], $0x500  }
0xbc: {  	[sflag:s1] =	ssyncset.done $0x0  }
0xbd: {  	[sflag:s1] =	ssyncadd.s32 $0xFFFFFB00  }
0xbe: {  	_ =	swait.ge [sflag:s6], $0x500  }
0xbf: {  	[sflag:s6] =	ssyncset.done $0x0  }
0xc0: {  	[sflag:s6] =	ssyncadd.s32 $0xFFFFFB00  }
0xc1: {  	[bflag:$0x0] =	sbarrier.arrive $0xFFFF  }
0xc2: {  	[tilespmem:s18], [sflag:$0xD] =	stream.linear.gather [spmem:s12], $0x2710, $0x38;
	[tilespmem:$0x15690] =	vst v63  }
0xc3: {  	_ =	swait.ge [sflag:s15], $0x2710  }
0xc4: {  	[sflag:s15] =	ssyncset.done $0x0  }
0xc5: {  	s8 =	simm.s32 $0xBA40;
	[sflag:s15] =	ssyncadd.s32 $0xFFFFD8F0  }
0xc6: {  	s10 =	simm.s32 $0x40;
	s9 =	simm.s32 $0x0;
	v1 =	vld [tilespmem:s8+$0x0]  }
.LBB2_8:
0xc7: {  	p0 =	sne.s32 s10, $0x9C00;
	v2 =	vld [tilespmem:s9+$0x6C20];
	_ =	sdelay $0x3  }
.Ltmp3:
0xc8: {  	(pc) =	sbr.rel @p0 .LBB2_8-.Ltmp3, $3  }
0xc9: {  	v1 =	vmul.f32 v1, v2;
	_ =	sdelay $0x1  }
0xca: {  	s8 =	sadd.s32 $0x20, s8;
	[tilespmem:s9+$0x6C20] =	vst v1  }
0xcb: {  	s9 =	sshra.s32 s10, $0x2;
	s10 =	sadd.s32 $0x40, s10;
	v1 =	vld [tilespmem:s8+$0x0]  }
0xcc: {  	v2 =	vld [tilespmem:s9+$0x6C20];
	_ =	sdelay $0x4  }
0xcd: {  	v1 =	vmul.f32 v1, v2;
	_ =	sdelay $0x1  }
0xce: {  	s8 =	rddreg [dreg:$0xc];
	[tilespmem:s9+$0x6C20] =	vst v1  }
0xcf: {  	[hbm4b:s8+s5] =	stream.linear.scatter [tilespmem:s18], [sflag:$0xD], $0x2710, $0x38;
	[tilespmem:$0x15690] =	vst v63  }
0xd0: {  	_ =	swait.ge [sflag:s15], $0x2710  }
0xd1: {  	s7 =	sadd.s32 $0x1, s7;
	s28 =	rddreg [dreg:$0xd]  }
0xd2: {  	p0 =	sne.s32 s7, s28  }
.Ltmp4:
0xd3: {  	_ = 	snop;
	(pc) =	sbr.rel @p0 .LBB2_1-.Ltmp4, $3  }
0xd4: {  	_ =	sdelay $0x1  }
0xd5: {  	[sflag:s15] =	ssyncset.done $0x0  }
0xd6: {  	s13 =	simm.s32 $0x2710;
	[sflag:s15] =	ssyncadd.s32 $0xFFFFD8F0  }
0xd7: {  	_ =	sfence.sel $0x180000  }
0xd8: {  	[bflag:$0x0] =	sbarrier.arrive $0xFFFF  }
0xd9: {  	_ =	strace $0x9000004D  }
0xda: {  	s0 =	stileid.u32;
	[bflag:$0x2] =	sbarrier.arrive $0xFFFF  }
0xdb: {  	p0 =	sne.s32 s0, $0x0;
	s0 =	rddreg [dreg:$0x5]  }
0xdc: {  	s0 =	sadd.s32 @!p0 $0x100000, s0  }
0xdd: {  	[sflag:s0] =	ssyncadd.tile.s32 @!p0 $0x1;
	_ =	shalt  }
.Lfunc_end2:
_tile_overlayer_lowered:
.L_overlay_start_2:
0xde: {  	(tag) =	ssettag $0x2  }
0xdf: {  	s0 =	rddreg [dreg:$0x0];
	s2 =	stileid.u32  }
0xe0: {  	s1 =	rddreg [dreg:$0x1];
	p0 =	sne.s32 s2, $0x0  }
0xe1: {  	s3 =	rddreg [dreg:$0x2];
	[bflag:$0x3] =	sbarrier.arrive $0xFFFF;
	s2 =	simm.s32 @!p0 $0x1C0D  }
0xe2: {  	[timem:s3], [sflag:s2] =	dma.local @!p0 [hbm:s0], s1  }
0xe3: {  	s0 =	simm.s32 @!p0 $0xD  }
0xe4: {  	_ =	swait.ge @!p0 [sflag:s0], s1  }
0xe5: {  	s1 =	ssub.s32 @!p0 $0x0, s1;
	[sflag:s0] =	ssyncset.done @!p0 $0x0  }
0xe6: {  	[sflag:s0] =	ssyncadd.s32 @!p0 s1  }
0xe7: {  	[bflag:$0x3] =	sbarrier.arrive $0xFFFF  }
0xe8: {  	_ =	shalt  }

// kernel: kernel.7.cloned.1.call-start
scs
__scs_entry_jumppad:
0x0: {  	(pc) =	sbr.rel $0x88, $3  }
0x1: {  	(tag) =	ssettag $0x0;
	lr =	simm.s32 $0x1  }
0x2: {  	[smem:$0x3F9B] =	sst lr;
	_ =	strace $0xD0000000  }
0x3: {  	_ = 	snop  }
0x4: {  	_ = 	snop  }
0x5: {  	_ = 	snop  }
0x6: {  	_ = 	snop  }
0x7: {  	_ = 	snop  }
__scs_overlays_trampoline_lowered:
0x8: {  	[smem:$0x3FAA] =	sst s0  }
0x9: {  	[smem:$0x3FAB] =	sst s1  }
0xa: {  	[smem:$0x3FAC] =	sst s2  }
0xb: {  	[smem:$0x3FAD] =	sst s3  }
0xc: {  	[smem:$0x3FAE] =	sst s4  }
0xd: {  	[smem:$0x3FAF] =	sst s5  }
0xe: {  	[smem:$0x3FB0] =	sst s6  }
0xf: {  	[smem:$0x3FB1] =	sst s7  }
0x10: {  	[smem:$0x3FB2] =	sst s8  }
0x11: {  	[smem:$0x3FB3] =	sst s9;
	s0 =	simm.s32 @!p0 $0x0  }
0x12: {  	s1 =	sld [smem:$0x3F99];
	s0 =	simm.s32 @p0 $0x1  }
0x13: {  	[smem:$0x3FB4] =	sst s0;
	s0 =	simm.s32 @!p1 $0x0  }
0x14: {  	s2 =	sld [smem:$0x3F98];
	s0 =	simm.s32 @p1 $0x1  }
0x15: {  	[smem:$0x3FB5] =	sst s0;
	s0 =	simm.s32 @!p2 $0x0  }
0x16: {  	s3 =	sld [smem:$0x3FDB];
	s0 =	simm.s32 @p2 $0x1  }
0x17: {  	s4 =	simm.s32 $0x1BF5;
	[smem:$0x3FB7] =	sst s0  }
0x18: {  	s0 =	sld [smem:$0x3F9A];
	_ =	swait.ge [sflag:s4], $0x0  }
0x19: {  	s7 =	sld [smem:$0x3F9B]  }
0x1a: {  	s8 =	sadd.s32 $0xFFFFE003, lr  }
0x1b: {  	s9 =	sadd.s32 $0xFFFFFEF7, lr;
	s5 =	simm.s32 $0xFFFFFFFF;
	p2 =	slt.u32 s8, $0xFFFFF086  }
0x1c: {  	p1 =	slt.u32 s9, $0xF7A;
	s5 =	simm.s32 @!p2 $0x0  }
0x1d: {  	s5 =	simm.s32 @p1 $0x1;
	p0 =	seq.s32 s7, s2  }
0x1e: {  	s7 =	smul.u32 @!p0 $0xF7A, s2;
	p2 =	seq.s32 @!p0 s5, $0x0  }
0x1f: {  	s9 =	smul.u32 $0xF7A, s1;
	s8 =	simm.s32 @!p0 $0x1BF5;
	p2 =	por !p2, p0  }
0x20: {  	[sflag:s8] =	ssyncset.s32 @!p0 $0xFFFFF086;
	s6 =	sadd.s32 @!p0 s3, s7;
	s7 =	simm.s32 @!p0 $0x108  }
0x21: {  	s3 =	sadd.s32 s3, s9;
	s6 =	sadd.s32 @!p0 $0x88, s6;
	s7 =	simm.s32 @p2 $0x1082  }
0x22: {  	[simem:s7], [sflag:s8] =	dma.local @!p0 [hbm:s6], $0xF7A  }
0x23: {  	s9 =	sor.u32 $0xD0000000, s2;
	s6 =	simm.s32 $0x108;
	_ =	swait.ge @!p0 [sflag:s8], $0x0  }
0x24: {  	s3 =	sadd.s32 $0x88, s3;
	s6 =	simm.s32 @!p1 $0x1082;
	[sflag:s4] =	ssyncset.s32 $0xFFFFF086  }
0x25: {  	[simem:s6], [sflag:s4] =	dma.local [hbm:s3], $0xF7A  }
0x26: {  	[smem:$0x3F9B] =	sst s1;
	(tag) =	ssettag s2;
	_ =	strace s9  }
0x27: {  	s1 =	sld [smem:$0x3FAB]  }
0x28: {  	s2 =	sld [smem:$0x3FAC]  }
0x29: {  	s4 =	sld [smem:$0x3FAE]  }
0x2a: {  	p0 =	seq.s32 s5, $0x0;
	s5 =	sld [smem:$0x3FAF]  }
0x2b: {  	s6 =	sld [smem:$0x3FB0]  }
0x2c: {  	s7 =	sld [smem:$0x3FB1]  }
0x2d: {  	s3 =	simm.s32 $0x108;
	s8 =	sld [smem:$0x3FB2]  }
0x2e: {  	s3 =	simm.s32 @!p0 $0x1082;
	s9 =	sld [smem:$0x3FB3]  }
0x2f: {  	lr =	sadd.s32 s0, s3;
	s0 =	sld [smem:$0x3FAA]  }
0x30: {  	s3 =	sld [smem:$0x3FAD]  }
0x31: {  	[smem:$0x3FB6] =	sst s10  }
0x32: {  	s10 =	sld [smem:$0x3FB4];
	_ =	sdelay $0x3  }
0x33: {  	p0 =	seq.s32 s10, $0x1;
	s10 =	sld [smem:$0x3FB6];
	_ =	sdelay $0x3  }
0x34: {  	[smem:$0x3FB6] =	sst s10  }
0x35: {  	s10 =	sld [smem:$0x3FB5];
	_ =	sdelay $0x3  }
0x36: {  	p1 =	seq.s32 s10, $0x1;
	s10 =	sld [smem:$0x3FB6];
	_ =	sdelay $0x3  }
0x37: {  	[smem:$0x3FB6] =	sst s10  }
0x38: {  	s10 =	sld [smem:$0x3FB7]  }
0x39: {  	_ = 	snop;
	(pc) =	sbr.ind lr, $3  }
0x3a: {  	_ = 	snop  }
0x3b: {  	_ = 	snop  }
0x3c: {  	p2 =	seq.s32 s10, $0x1;
	s10 =	sld [smem:$0x3FB6]  }
0x3d: {  	_ =	shalt  }
0x3e: {  	_ =	shalt  }
0x3f: {  	_ =	shalt  }
0x40: {  	_ =	shalt  }
0x41: {  	_ =	shalt  }
0x42: {  	_ =	shalt  }
0x43: {  	_ =	shalt  }
0x44: {  	_ =	shalt  }
0x45: {  	_ =	shalt  }
0x46: {  	_ =	shalt  }
0x47: {  	_ =	shalt  }
0x48: {  	_ =	shalt  }
0x49: {  	_ =	shalt  }
0x4a: {  	_ =	shalt  }
0x4b: {  	_ =	shalt  }
0x4c: {  	_ =	shalt  }
0x4d: {  	_ =	shalt  }
0x4e: {  	_ =	shalt  }
0x4f: {  	_ =	shalt  }
0x50: {  	_ =	shalt  }
0x51: {  	_ =	shalt  }
0x52: {  	_ =	shalt  }
0x53: {  	_ =	shalt  }
0x54: {  	_ =	shalt  }
0x55: {  	_ =	shalt  }
0x56: {  	_ =	shalt  }
0x57: {  	_ =	shalt  }
0x58: {  	_ =	shalt  }
0x59: {  	_ =	shalt  }
0x5a: {  	_ =	shalt  }
0x5b: {  	_ =	shalt  }
0x5c: {  	_ =	shalt  }
0x5d: {  	_ =	shalt  }
0x5e: {  	_ =	shalt  }
0x5f: {  	_ =	shalt  }
0x60: {  	_ =	shalt  }
0x61: {  	_ =	shalt  }
0x62: {  	_ =	shalt  }
0x63: {  	_ =	shalt  }
0x64: {  	_ =	shalt  }
0x65: {  	_ =	shalt  }
0x66: {  	_ =	shalt  }
0x67: {  	_ =	shalt  }
0x68: {  	_ =	shalt  }
0x69: {  	_ =	shalt  }
0x6a: {  	_ =	shalt  }
0x6b: {  	_ =	shalt  }
0x6c: {  	_ =	shalt  }
0x6d: {  	_ =	shalt  }
0x6e: {  	_ =	shalt  }
0x6f: {  	_ =	shalt  }
0x70: {  	_ =	shalt  }
0x71: {  	_ =	shalt  }
0x72: {  	_ =	shalt  }
0x73: {  	_ =	shalt  }
0x74: {  	_ =	shalt  }
0x75: {  	_ =	shalt  }
0x76: {  	_ =	shalt  }
0x77: {  	_ =	shalt  }
0x78: {  	_ =	shalt  }
0x79: {  	_ =	shalt  }
0x7a: {  	_ =	shalt  }
0x7b: {  	_ =	shalt  }
0x7c: {  	_ =	shalt  }
0x7d: {  	_ =	shalt  }
0x7e: {  	_ =	shalt  }
0x7f: {  	_ =	shalt  }
0x80: {  	_ =	shalt  }
0x81: {  	_ =	shalt  }
0x82: {  	_ =	shalt  }
0x83: {  	_ =	shalt  }
0x84: {  	_ =	shalt  }
0x85: {  	_ =	shalt  }
0x86: {  	_ =	shalt  }
0x87: {  	_ =	shalt  }
.Lfunc_end0:
.L_simem_size_0:
called_computation_lowered:
.L_overlay_start_0:
0x88: {  	s2 =	sld [smem:$0x3FD9]  }
0x89: {  	s3 =	sld [smem:$0x3FFE];
	_ =	sdelay $0x1  }
0x8a: {  	s1 =	srdreg.scid  }
0x8b: {  	s0 =	sand.u32 $0x1, s1  }
0x8c: {  	s17 =	sshll.u32 s0, $0xA;
	s2 =	sadd.s32 s3, s2  }
0x8d: {  	s2 =	sadd.s32 s2, s17  }
0x8e: {  	[smem:$0x3FC2] =	sst s2  }
0x8f: {  	_ = 	snop  }
0x90: {  	s2 =	sld [smem:$0x3FD0];
	(tm) =	ssettm $0x1  }
0x91: {  	s18 =	sld [smem:$0x3FFB];
	_ =	sdelay $0x3  }
0x92: {  	_ =	strace s18  }
0x93: {  	s3 =	sld [smem:$0x3FFC];
	_ =	sdelay $0x3  }
0x94: {  	_ =	strace s3  }
0x95: {  	s3 =	sld [smem:$0x3FFD];
	_ =	sdelay $0x3  }
0x96: {  	_ =	strace s3  }
0x97: {  	_ =	strace $0x8FFFFFFF  }
0x98: {  	s19 =	sld [smem:$0x3FDB];
	_ =	sdelay $0x1  }
0x99: {  	s4 =	simm.s32 $_scs_section_size  }
0x9a: {  	s5 =	simm.s32 $_size__tile_overlayer_lowered;
	s6 =	simm.s32 $_tile_overlayer_lowered  }
0x9b: {  	s22 =	simm.s32 $0x1BFF;
	s21 =	sshll.u32 s6, $0x1;
	s3 =	sadd.s32 s4, s19  }
0x9c: {  	s7 =	simm.s32 $0x0;
	s20 =	sshll.u32 s5, $0x1;
	s5 =	sadd.s32 s21, s3  }
0x9d: {  	[timem:s7], [sflag:s22] =	dma.local [hbm:s5], s20  }
0x9e: {  	_ =	swait.ge [sflag:s22], s20  }
0x9f: {  	s4 =	ssub.s32 $0x0, s20;
	[sflag:s22] =	ssyncset.done $0x0  }
0xa0: {  	[sflag:s22] =	ssyncadd.s32 s4;
	_ =	sdelay $0x1  }
0xa1: {  	s23 =	simm.s32 $0x1B8B  }
0xa2: {  	_ =	swait.ge [sflag:s23], $0x1  }
0xa3: {  	[sflag:s23] =	ssyncset.done $0x0  }
0xa4: {  	s25 =	simm.s32 $0x1B8E;
	s24 =	sld [smem:$0x3FFE];
	[sflag:s23] =	ssyncadd.s32 $0xFFFFFFFF  }
0xa5: {  	s26 =	simm.s32 $execute0_lowered;
	[smem:$0x3FD2] =	sst s25  }
0xa6: {  	s5 =	sshll.u32 s26, $0x1;
	_ =	strace $0x80000046;
	[dreg:$0x1] =	wrdreg $0xFFFFFFFF  }
0xa7: {  	s28 =	simm.s32 $_size_execute0_lowered;
	s3 =	sadd.s32 s3, s5;
	[dreg:$0x0] =	wrdreg $0x0  }
0xa8: {  	s5 =	sshll.u32 s28, $0x1;
	[dreg:$0x2] =	wrdreg s3  }
0xa9: {  	[dreg:$0x3] =	wrdreg s5  }
0xaa: {  	[dreg:$0x4] =	wrdreg $0xC0  }
0xab: {  	_ =	task [dreg:s7], $0x5FFFF  }
0xac: {  	[dreg:$0x1] =	wrdreg $0xFFFFFFFF  }
0xad: {  	[dreg:$0x0] =	wrdreg $0x60  }
0xae: {  	[dreg:$0x2] =	wrdreg s24  }
0xaf: {  	[dreg:$0x3] =	wrdreg s2  }
0xb0: {  	[dreg:$0x4] =	wrdreg $0x9  }
0xb1: {  	_ =	task.clear_ibuf [dreg:s7], $0x5FFFF;
	_ =	strace $0x90000046  }
0xb2: {  	s29 =	simm.s32 $0x9;
	_ =	strace $0x80000048  }
0xb3: {  	_ =	swait.ge [sflag:s29], $0x1  }
0xb4: {  	[sflag:s29] =	ssyncadd.s32 $0xFFFFFFFF  }
0xb5: {  	_ =	strace $0x90000048  }
0xb6: {  	_ =	sfence  }
0xb7: {  	s30 =	sld [smem:$0x0];
	_ =	sdelay $0x2  }
0xb8: {  	s31 =	sshll.u32 s1, $0xD;
	s1 =	sshrl.u32 s1, $0x2  }
0xb9: {  	s3 =	sand.u32 $0x4000, s31;
	s1 =	sadd.s32 s1, s30  }
0xba: {  	s0 =	sor.u32 s3, s0;
	s1 =	sshll.u32 s1, $0x11  }
0xbb: {  	s0 =	sor.u32 s1, s0  }
0xbc: {  	s0 =	sadd.s32 $0x8F2B, s0  }
0xbd: {  	[sflag:s0] =	ssyncadd.remote.s32 $0x1  }
0xbe: {  	_ =	sfence.sel $0xFFFF  }
0xbf: {  	[dreg:$0x0] =	wrdreg $0xFFFFFFFF;
	(pc) =	sbr.abs _section_cstart, $3  }
0xc0: {  	[dreg:$0x1] =	wrdreg $0xFFFFFFFF  }
0xc1: {  	_ =	task.clear_ibuf [dreg:s7], $0x2FFFF;
	_ =	strace $0x9FFFFFFF  }
0xc2: {  	(tm) =	ssettm $0x7FFFFFFF  }
0xc3: {  	_ =	shalt  }
tec
execute0_lowered:
.L_overlay_start_1:
0x0: {  	(tag) =	ssettag $0x1  }
0x1: {  	s1 =	srdreg.scid;
	s4 =	rddreg [dreg:$0x0]  }
0x2: {  	s0 =	stileid.u32;
	s5 =	rddreg [dreg:$0x1];
	s2 =	simm.s32 $0x0  }
0x3: {  	s9 =	simm.s32 $0x2710;
	s3 =	sand.u32 $0x1, s1;
	s30 =	sshll.u32 s0, $0x1  }
0x4: {  	s10 =	simm.s32 $0x4E20;
	s11 =	simm.s32 $0x7530;
	s1 =	sor.u32 s3, s30  }
0x5: {  	[smem:$0x7FF] =	sst s2;
	s3 =	ssub.s32 $0x2, s3;
	s6 =	smul.u32 $0x4E2, s1  }
0x6: {  	s12 =	simm.s32 $0x0;
	s1 =	rddreg [dreg:$0x2];
	s31 =	sshrl.u32 s3, $0x1  }
0x7: {  	_ =	strace $0x80000047;
	s8 =	ssub.s32 s3, s31;
	s7 =	sadd.s32 s6, s4  }
0x8: {  	s5 =	sadd.s32 s5, s6;
	s3 =	sadd.s32 $0xB800, s7;
	s4 =	sadd.s32 $0x1A00, s7  }
0x9: {  	v0 =	vimm.f32 $0.0e+00;
	v1 =	vimm.f32 $1.000000000e+00;
	s6 =	sadd.s32 $0x15600, s7;
	s7 =	smax.u32 s8, $0x1;
	s8 =	simm.s32 $0x1  }
.LBB2_1:
0xa: {  	[tilespmem:s2], [sflag:$0x1] =	stream.linear.gather [hbm4b:s3+s2], $0x2710, $0x38;
	[tilespmem:$0x9C40] =	vst v63  }
0xb: {  	_ =	swait.ge [sflag:s8], $0x2710  }
0xc: {  	[sflag:s8] =	ssyncset.done $0x0  }
0xd: {  	[sflag:s8] =	ssyncadd.s32 $0xFFFFD8F0  }
0xe: {  	[tilespmem:s9], [sflag:$0x1] =	stream.linear.gather [hbm4b:s4+s2], $0x2710, $0x38;
	[tilespmem:$0x9C40] =	vst v63  }
0xf: {  	_ =	swait.ge [sflag:s8], $0x2710  }
0x10: {  	[sflag:s8] =	ssyncset.done $0x0  }
0x11: {  	s13 =	simm.s32 $0x0;
	[sflag:s8] =	ssyncadd.s32 $0xFFFFD8F0  }
.LBB2_2:
0x12: {  	p0 =	sne.s32 s13, $0x9C00  }
.Ltmp0:
0x13: {  	_ = 	snop;
	(pc) =	sbr.rel @p0 .LBB2_2-.Ltmp0, $4  }
0x14: {  	_ = 	snop  }
0x15: {  	s14 =	sshra.s32 s13, $0x2  }
0x16: {  	[tilespmem:s14+$0x4E20] =	vst v0  }
0x17: {  	s13 =	sadd.s32 $0x40, s13;
	[tilespmem:s14+$0x7530] =	vst v0  }
0x18: {  	s13 =	simm.s32 $0x0  }
.LBB2_4:
0x19: {  	s14 =	sshra.s32 s13, $0x2  }
0x1a: {  	v2 =	vld [tilespmem:s14+$0x0];
	_ =	sdelay $0x7  }
0x1b: {  	[tilespmem:v2+s10+$0x0] =	vst.idx.add.f32.msk $0xffff, v1  }
0x1c: {  	v2 =	vld [tilespmem:s14+$0x2710];
	_ =	sdelay $0x7  }
0x1d: {  	[tilespmem:v2+s11+$0x0] =	vst.idx.add.f32.msk $0xffff, v1  }
0x1e: {  	v2 =	vld [tilespmem:s14+$0x10];
	_ =	sdelay $0x7  }
0x1f: {  	[tilespmem:v2+s10+$0x0] =	vst.idx.add.f32.msk $0xffff, v1  }
0x20: {  	v2 =	vld [tilespmem:s14+$0x2720];
	_ =	sdelay $0x7  }
0x21: {  	[tilespmem:v2+s11+$0x0] =	vst.idx.add.f32.msk $0xffff, v1  }
0x22: {  	v2 =	vld [tilespmem:s14+$0x20];
	_ =	sdelay $0x7  }
0x23: {  	[tilespmem:v2+s10+$0x0] =	vst.idx.add.f32.msk $0xffff, v1  }
0x24: {  	v2 =	vld [tilespmem:s14+$0x2730];
	_ =	sdelay $0x7  }
0x25: {  	[tilespmem:v2+s11+$0x0] =	vst.idx.add.f32.msk $0xffff, v1  }
0x26: {  	v2 =	vld [tilespmem:s14+$0x30];
	_ =	sdelay $0x7  }
0x27: {  	[tilespmem:v2+s10+$0x0] =	vst.idx.add.f32.msk $0xffff, v1  }
0x28: {  	v2 =	vld [tilespmem:s14+$0x2740];
	_ =	sdelay $0x7  }
0x29: {  	[tilespmem:v2+s11+$0x0] =	vst.idx.add.f32.msk $0xffff, v1  }
0x2a: {  	v2 =	vld [tilespmem:s14+$0x40];
	_ =	sdelay $0x7  }
0x2b: {  	[tilespmem:v2+s10+$0x0] =	vst.idx.add.f32.msk $0xffff, v1  }
0x2c: {  	v2 =	vld [tilespmem:s14+$0x2750];
	_ =	sdelay $0x2  }
0x2d: {  	p0 =	sne.s32 s13, $0x9B00  }
.Ltmp1:
0x2e: {  	_ = 	snop;
	(pc) =	sbr.rel @p0 .LBB2_4-.Ltmp1, $2  }
0x2f: {  	_ =	sdelay $0x2  }
0x30: {  	s13 =	sadd.s32 $0x140, s13;
	[tilespmem:v2+s11+$0x0] =	vst.idx.add.f32.msk $0xffff, v1  }
0x31: {  	[hbm4b:s5+s2] =	stream.linear.scatter [tilespmem:s10], [sflag:$0x1], $0x2710, $0x38;
	[tilespmem:$0x9C40] =	vst v63  }
0x32: {  	s12 =	sadd.s32 $0x1, s12;
	_ =	swait.ge [sflag:s8], $0x2710  }
0x33: {  	p0 =	sne.s32 s12, s7;
	[sflag:s8] =	ssyncset.done $0x0  }
.Ltmp2:
0x34: {  	[sflag:s8] =	ssyncadd.s32 $0xFFFFD8F0;
	(pc) =	sbr.rel @p0 .LBB2_1-.Ltmp2, $4  }
0x35: {  	[hbm4b:s6+s2] =	stream.linear.scatter [tilespmem:s11], [sflag:$0x1], $0x2710, $0x38;
	[tilespmem:$0x9C40] =	vst v63  }
0x36: {  	_ =	swait.ge [sflag:s8], $0x2710  }
0x37: {  	[sflag:s8] =	ssyncset.done $0x0  }
0x38: {  	[sflag:s8] =	ssyncadd.s32 $0xFFFFD8F0  }
0x39: {  	_ =	sfence.sel $0x180000  }
0x3a: {  	[bflag:$0x0] =	sbarrier.arrive $0xFFFF  }
0x3b: {  	p0 =	sne.s32 s0, $0x0;
	_ =	strace $0x90000047  }
0x3c: {  	s0 =	sadd.s32 @!p0 $0x100000, s1;
	[bflag:$0x2] =	sbarrier.arrive $0xFFFF  }
0x3d: {  	[sflag:s0] =	ssyncadd.tile.s32 @!p0 $0x1;
	_ =	shalt  }
.Lfunc_end2:
_tile_overlayer_lowered:
.L_overlay_start_2:
0x3e: {  	(tag) =	ssettag $0x2  }
0x3f: {  	s0 =	rddreg [dreg:$0x0];
	s2 =	stileid.u32  }
0x40: {  	s1 =	rddreg [dreg:$0x1];
	p0 =	sne.s32 s2, $0x0  }
0x41: {  	s3 =	rddreg [dreg:$0x2];
	[bflag:$0x3] =	sbarrier.arrive $0xFFFF;
	s2 =	simm.s32 @!p0 $0x1C01  }
0x42: {  	[timem:s3], [sflag:s2] =	dma.local @!p0 [hbm:s0], s1  }
0x43: {  	s0 =	simm.s32 @!p0 $0x1  }
0x44: {  	_ =	swait.ge @!p0 [sflag:s0], s1  }
0x45: {  	s1 =	ssub.s32 @!p0 $0x0, s1;
	[sflag:s0] =	ssyncset.done @!p0 $0x0  }
0x46: {  	[sflag:s0] =	ssyncadd.s32 @!p0 s1  }
0x47: {  	[bflag:$0x3] =	sbarrier.arrive $0xFFFF  }
0x48: {  	_ =	shalt  }

</sc_bundles>
